<compile_context>
chip_gen: v7x
topology: tpu7x:2x2x1
jax: 0.10.2.dev20260603
libtpu: 0.0.44.dev20260713+nightly
codegen_flags: <defaults>
</compile_context>

<pallas_src>
import functools

import jax
import jax.numpy as jnp
from jax import lax
from jax.experimental import pallas as pl
from jax.experimental.pallas import tpu as pltpu
from jax.experimental.pallas import tpu_sc as plsc

T, B, D = 128, 4096, 64
M = 65536
NC, NS, L = 2, 16, 16
THALF = T // NC
BTPT = (B // 128) // NS
NBLK = THALF * BTPT
IPT = M // NS
NIV = IPT // L
CH = 128
MAXCH = IPT // CH
GB = 4


def _sc_impl(mem5, val5, stepv, idx2d):
    mesh = plsc.VectorSubcoreMesh(core_axis_name="c", subcore_axis_name="s")

    @functools.partial(
        pl.kernel,
        mesh=mesh,
        compiler_params=pltpu.CompilerParams(
            use_tc_tiling_on_sc=False, needs_layout_passes=False),
        out_type=(
            jax.ShapeDtypeStruct((T * B, D), jnp.float32),
            jax.ShapeDtypeStruct((M, D), jnp.float32),
        ),
        scratch_types=[
            pltpu.VMEM((4, 8, 8, 129), jnp.float32),
            pltpu.VMEM((4, 128, D), jnp.float32),
            pltpu.VMEM((L,), jnp.int32),
            pltpu.VMEM((IPT // 128, 128), jnp.int32),
            pltpu.VMEM((IPT,), jnp.int32),
            pltpu.VMEM((IPT,), jnp.int32),
            pltpu.VMEM((MAXCH, CH), jnp.int32),
            pltpu.VMEM((GB, CH, D), jnp.float32),
            pltpu.SemaphoreType.DMA((2,)),
            pltpu.SemaphoreType.DMA((2,)),
            pltpu.SemaphoreType.DMA((GB,)),
            pltpu.SemaphoreType.DMA((GB,)),
        ],
    )
    def k(mem_hbm, val_hbm, stepv_hbm, idx_hbm, tab_hbm, out_hbm,
          tbuf, rbuf, stepv_v, idxv, rowl, posl, pos2, gbuf,
          rsem, wsem, gsem, ssem):
        c = lax.axis_index("c")
        s = lax.axis_index("s")
        lane = lax.iota(jnp.int32, L)
        pltpu.sync_copy(stepv_hbm, stepv_v)
        step = stepv_v[...][0]
        tlo = c * THALF

        def blk_t(kk):
            return tlo + lax.shift_right_logical(kk, 1)

        def blk_bt(kk):
            return 2 * s + lax.bitwise_and(kk, 1)

        def tbuf_dst(p):
            return tbuf.at[p, pl.ds(0, 8), pl.ds(0, 8), pl.ds(0, 128)]

        def issue_read(kk, p):
            t = blk_t(kk)
            bt = blk_bt(kk)

            @pl.when(t == step)
            def _v():
                pltpu.async_copy(val_hbm.at[pl.ds(0, 8), bt], tbuf_dst(p),
                                 rsem.at[p])

            @pl.when(t != step)
            def _m():
                pltpu.async_copy(mem_hbm.at[t, pl.ds(0, 8), bt], tbuf_dst(p),
                                 rsem.at[p])

        def wait_read(kk, p):
            t = blk_t(kk)
            bt = blk_bt(kk)
            pltpu.make_async_copy(mem_hbm.at[t, pl.ds(0, 8), bt], tbuf_dst(p),
                                  rsem.at[p]).wait()

        def table_rows(kk):
            return blk_t(kk) * B + blk_bt(kk) * 128

        def rbuf_src(p):
            return rbuf.at[p]

        def wait_write(kk, p):
            pltpu.make_async_copy(
                rbuf_src(p), tab_hbm.at[pl.ds(table_rows(kk), 128)],
                wsem.at[p]).wait()

        dpats = []
        for g in range(4):
            dv = g * L + lane
            dpats.append((lax.shift_right_logical(dv, 3),
                          lax.bitwise_and(dv, 7)))

        for kk0 in range(4):
            issue_read(jnp.int32(kk0), jnp.int32(kk0))

        def a_body(kk, carry):
            p = lax.bitwise_and(kk, 3)
            wait_read(kk, p)

            @pl.when(kk >= 4)
            def _w():
                wait_write(kk - 4, p)

            pv = jnp.full((L,), p, jnp.int32)

            def bs_body(bs4, c2):
                vs = []
                for u in range(4):
                    bs = bs4 * 4 + u
                    bsv = jnp.full((L,), bs, jnp.int32)
                    for g in range(4):
                        dtp, dsp = dpats[g]
                        vs.append((bs, g,
                                   plsc.load_gather(tbuf,
                                                    [pv, dtp, dsp, bsv])))
                for bs, g, v in vs:
                    rbuf[p, bs, pl.ds(g * L, L)] = v
                return c2

            lax.fori_loop(0, 32, bs_body, 0)
            pltpu.async_copy(rbuf_src(p),
                             tab_hbm.at[pl.ds(table_rows(kk), 128)],
                             wsem.at[p])

            @pl.when(kk + 4 < NBLK)
            def _r():
                issue_read(kk + 4, p)

            return carry

        lax.fori_loop(0, NBLK, a_body, 0)
        for kk0 in range(4):
            wait_write(jnp.int32(NBLK - 4 + kk0), jnp.int32(kk0))
        plsc.subcore_barrier()

        pltpu.sync_copy(idx_hbm.at[pl.ds(s * (IPT // 128), IPT // 128)], idxv)
        tlo_v = jnp.full((L,), tlo, jnp.int32)

        def scan_body(g, n):
            r = lax.shift_right_logical(g, 3)
            q = lax.bitwise_and(g, 7)
            idxg = idxv[r, pl.ds(q * L, L)]
            tv = lax.shift_right_logical(idxg, 12)
            mask = (tv >= tlo_v) & (tv < tlo_v + THALF)
            cnt = jnp.sum(mask.astype(jnp.int32))

            @pl.when(cnt > 0)
            def _c():
                posg = s * IPT + g * L + lane
                plsc.store_compressed(rowl.at[pl.ds(n, L)], idxg, mask=mask)
                plsc.store_compressed(posl.at[pl.ds(n, L)], posg, mask=mask)

            return n + cnt

        n = lax.fori_loop(0, NIV, scan_body, jnp.int32(0))

        nb = lax.div(n + (CH - 1), jnp.int32(CH))

        @pl.when(n > 0)
        def _pad():
            row0 = jnp.full((L,), rowl[pl.ds(0, L)][0], jnp.int32)
            pos0 = jnp.full((L,), posl[pl.ds(0, L)][0], jnp.int32)
            base = lax.bitwise_and(n, jnp.int32(~(L - 1)))
            keep = lane < (n - base)
            rowl[pl.ds(base, L)] = jnp.where(keep, rowl[pl.ds(base, L)], row0)
            posl[pl.ds(base, L)] = jnp.where(keep, posl[pl.ds(base, L)], pos0)

            def fill_body(f, c2):
                off = base + (f + 1) * L
                rowl[pl.ds(off, L)] = row0
                posl[pl.ds(off, L)] = pos0
                return c2

            lax.fori_loop(0, lax.div(nb * CH - base, jnp.int32(L)) - 1,
                          fill_body, 0)

            def cp_body(v, c2):
                rr = lax.shift_right_logical(v, 3)
                qq = lax.bitwise_and(v, 7)
                pos2[rr, pl.ds(qq * L, L)] = posl[pl.ds(v * L, L)]
                return c2

            lax.fori_loop(0, nb * (CH // L), cp_body, 0)

        def g_src(j):
            return tab_hbm.at[rowl.at[pl.ds(j * CH, CH)]]

        def issue_gather(j):
            p = lax.rem(j, jnp.int32(GB))
            pltpu.async_copy(g_src(j), gbuf.at[p], gsem.at[p])

        def prol_body(j, c2):
            issue_gather(j)
            return c2

        lax.fori_loop(0, jnp.minimum(nb, GB - 1), prol_body, 0)

        def b_body(j, c2):
            p = lax.rem(j, jnp.int32(GB))
            pltpu.make_async_copy(g_src(j), gbuf.at[p], gsem.at[p]).wait()
            pltpu.async_copy(gbuf.at[p], out_hbm.at[pos2.at[j]], ssem.at[p])

            @pl.when(j >= 1)
            def _ws():
                pp = lax.rem(j - 1, jnp.int32(GB))
                pltpu.make_async_copy(gbuf.at[pp],
                                      out_hbm.at[pos2.at[j - 1]],
                                      ssem.at[pp]).wait()

            @pl.when(j + GB - 1 < nb)
            def _g():
                issue_gather(j + GB - 1)

            return c2

        lax.fori_loop(0, nb, b_body, 0)

        @pl.when(nb > 0)
        def _drain():
            pp = lax.rem(nb - 1, jnp.int32(GB))
            pltpu.make_async_copy(gbuf.at[pp], out_hbm.at[pos2.at[nb - 1]],
                                  ssem.at[pp]).wait()

    return k(mem5, val5, stepv, idx2d)


def kernel(mem, val, step, batch_idx):
    mem5 = mem.reshape(T, B // 128, 128, D // 8, 8).transpose(0, 3, 1, 4, 2)
    val5 = val.reshape(B // 128, 128, D // 8, 8).transpose(2, 0, 3, 1)
    stepv = jnp.full((L,), jnp.int32(step), dtype=jnp.int32)
    idx2d = batch_idx.reshape(M // 128, 128)
    _, batch = _sc_impl(mem5, val5, stepv, idx2d)
    return batch

# --- scband reference (transcript-rebuilt; emitter-appended) ---
"""Pipeline reference for scband-rollout-storage-9938554323073 (READ-ONLY COPY).

The authoritative reference and input builder live on the scoring server;
editing this copy changes nothing except your own understanding.
"""

import jax, jax.numpy as jnp
import numpy as np

T, B, D = 128, 4096, 64
M = 65536  # mini_batch_size = T*B // num_mini_batches (8)

def setup_inputs(seed: int = 0) -> dict:
    key = jax.random.key(seed)
    k1, k2 = jax.random.split(key)
    mem = jnp.zeros((T, B, D), dtype=jnp.float32)          # rollout buffer registered via register_key
    val = jax.random.normal(k1, (B, D), dtype=jnp.float32)  # per-step transition data
    step = 17                                                # current write cursor (scalar int)
    batch_idx = jax.random.randint(k2, (M,), 0, T * B, dtype=jnp.int32)  # randperm slice from mini_batch_generator
    return {"mem": mem, "val": val, "step": step, "batch_idx": batch_idx}

def reference(mem, val, step, batch_idx):
    # update_key: getattr(self, key)[self.step].copy_(data) -> scatter-overwrite one time-slice
    mem = mem.at[step].set(val)
    # mini_batch_generator: flatten(0,1) then gather rows by shuffled indices
    flat = mem.reshape(T * B, D)
    batch = jnp.take(flat, batch_idx, axis=0)
    return batch

if __name__ == "__main__":
    import jax
    _d = setup_inputs()
    print(jax.jit(kernel)(*tuple(_d.values())))

</pallas_src>

<mosaic_0001>
#map = affine_map<(d0, d1) -> (0, 0, 0, 0, 0)>
#map1 = affine_map<(d0, d1) -> (0, 0, 0, 0)>
#map2 = affine_map<(d0, d1) -> (0)>
#map3 = affine_map<(d0, d1) -> (0, 0)>
module attributes {stable_mosaic.version = 14 : i64} {
  func.func @k(%arg0: i32, %arg1: i32, %arg2: memref<128x8x32x8x128xf32, #tpu.memory_space<hbm>>, %arg3: memref<8x32x8x128xf32, #tpu.memory_space<hbm>>, %arg4: memref<16xi32, #tpu.memory_space<hbm>>, %arg5: memref<512x128xi32, #tpu.memory_space<hbm>>, %arg6: memref<524288x64xf32, #tpu.memory_space<hbm>>, %arg7: memref<65536x64xf32, #tpu.memory_space<hbm>>, %arg8: memref<4x8x8x129xf32, #tpu.memory_space<vmem>>, %arg9: memref<4x128x64xf32, #tpu.memory_space<vmem>>, %arg10: memref<16xi32, #tpu.memory_space<vmem>>, %arg11: memref<32x128xi32, #tpu.memory_space<vmem>>, %arg12: memref<4096xi32, #tpu.memory_space<vmem>>, %arg13: memref<4096xi32, #tpu.memory_space<vmem>>, %arg14: memref<32x128xi32, #tpu.memory_space<vmem>>, %arg15: memref<4x128x64xf32, #tpu.memory_space<vmem>>, %arg16: memref<2x!tpu.dma_semaphore, #tpu.memory_space<semaphore_mem>>, %arg17: memref<2x!tpu.dma_semaphore, #tpu.memory_space<semaphore_mem>>, %arg18: memref<4x!tpu.dma_semaphore, #tpu.memory_space<semaphore_mem>>, %arg19: memref<4x!tpu.dma_semaphore, #tpu.memory_space<semaphore_mem>>) attributes {dimension_semantics = [#tpu.dimension_semantics<core_parallel>, #tpu.dimension_semantics<subcore_parallel>], iteration_bounds = array<i64: 2, 16>, scalar_prefetch = 0 : i64, scratch_operands = 12 : i64, tpu.core_type = #tpu.core_type<sc_vector_subcore>, window_params = [{transform_indices = #map}, {transform_indices = #map1}, {transform_indices = #map2}, {transform_indices = #map3}, {transform_indices = #map3}, {transform_indices = #map3}]} {
    %iota3A = tpu.iota {dimensions = array<i32: 0>} : vector<16xi32>
    "tpu.region"() ({
      %run_scoped3A = tpu.sem_alloc : memref<!tpu.dma_semaphore, #tpu.memory_space<semaphore_mem>>
      tpu.enqueue_dma source(%arg4 : memref<16xi32, #tpu.memory_space<hbm>>) target(%arg10 : memref<16xi32, #tpu.memory_space<vmem>>) target_semaphore(%run_scoped3A : memref<!tpu.dma_semaphore, #tpu.memory_space<semaphore_mem>>)
      tpu.wait_dma2 semaphore(%run_scoped3A : memref<!tpu.dma_semaphore, #tpu.memory_space<semaphore_mem>>) src(%arg4 : memref<16xi32, #tpu.memory_space<hbm>>) dst(%arg10 : memref<16xi32, #tpu.memory_space<vmem>>)
      tpu.yield
    }) : () -> ()
    %get3A = arith.constant 0 : index
    %get3A_0 = tpu.vector_load %arg10[%get3A] {strides = array<i32>} : memref<16xi32, #tpu.memory_space<vmem>>, vector<16xi32>,
    %slice3A = vector.extract_strided_slice %get3A_0 {offsets = [0], sizes = [1], strides = [1]} : vector<16xi32> to vector<1xi32>
    %squeeze3A = vector.extract %slice3A[0] : i32 from vector<1xi32>
    %mul3A = arith.constant 64 : i32
    %mul3A_1 = arith.muli %arg0, %mul3A : i32
    %add3A = arith.constant 0 : i32
    %add3A_2 = vector.broadcast %add3A : i32 to vector<16xi32>
    %add3A_3 = arith.addi %add3A_2, %iota3A : vector<16xi32>
    %shift_right_logical3A = arith.constant 3 : i32
    %shift_right_logical3A_4 = vector.broadcast %shift_right_logical3A : i32 to vector<16xi32>
    %shift_right_logical3A_5 = arith.shrui %add3A_3, %shift_right_logical3A_4 : vector<16xi32>
    %and3A = arith.constant 7 : i32
    %and3A_6 = vector.broadcast %and3A : i32 to vector<16xi32>
    %and3A_7 = arith.andi %add3A_3, %and3A_6 : vector<16xi32>
    %add3A_8 = arith.constant 16 : i32
    %add3A_9 = vector.broadcast %add3A_8 : i32 to vector<16xi32>
    %add3A_10 = arith.addi %add3A_9, %iota3A : vector<16xi32>
    %shift_right_logical3A_11 = arith.constant 3 : i32
    %shift_right_logical3A_12 = vector.broadcast %shift_right_logical3A_11 : i32 to vector<16xi32>
    %shift_right_logical3A_13 = arith.shrui %add3A_10, %shift_right_logical3A_12 : vector<16xi32>
    %and3A_14 = arith.constant 7 : i32
    %and3A_15 = vector.broadcast %and3A_14 : i32 to vector<16xi32>
    %and3A_16 = arith.andi %add3A_10, %and3A_15 : vector<16xi32>
    %add3A_17 = arith.constant 32 : i32
    %add3A_18 = vector.broadcast %add3A_17 : i32 to vector<16xi32>
    %add3A_19 = arith.addi %add3A_18, %iota3A : vector<16xi32>
    %shift_right_logical3A_20 = arith.constant 3 : i32
    %shift_right_logical3A_21 = vector.broadcast %shift_right_logical3A_20 : i32 to vector<16xi32>
    %shift_right_logical3A_22 = arith.shrui %add3A_19, %shift_right_logical3A_21 : vector<16xi32>
    %and3A_23 = arith.constant 7 : i32
    %and3A_24 = vector.broadcast %and3A_23 : i32 to vector<16xi32>
    %and3A_25 = arith.andi %add3A_19, %and3A_24 : vector<16xi32>
    %add3A_26 = arith.constant 48 : i32
    %add3A_27 = vector.broadcast %add3A_26 : i32 to vector<16xi32>
    %add3A_28 = arith.addi %add3A_27, %iota3A : vector<16xi32>
    %shift_right_logical3A_29 = arith.constant 3 : i32
    %shift_right_logical3A_30 = vector.broadcast %shift_right_logical3A_29 : i32 to vector<16xi32>
    %shift_right_logical3A_31 = arith.shrui %add3A_28, %shift_right_logical3A_30 : vector<16xi32>
    %and3A_32 = arith.constant 7 : i32
    %and3A_33 = vector.broadcast %and3A_32 : i32 to vector<16xi32>
    %and3A_34 = arith.andi %add3A_28, %and3A_33 : vector<16xi32>
    %shift_right_logical3A_35 = arith.constant 0 : i32
    %shift_right_logical3A_36 = arith.constant 1 : i32
    %shift_right_logical3A_37 = arith.shrui %shift_right_logical3A_35, %shift_right_logical3A_36 : i32
    %add3A_38 = arith.addi %mul3A_1, %shift_right_logical3A_37 : i32
    %mul3A_39 = arith.constant 2 : i32
    %mul3A_40 = arith.muli %mul3A_39, %arg1 : i32
    %and3A_41 = arith.constant 0 : i32
    %and3A_42 = arith.constant 1 : i32
    %and3A_43 = arith.andi %and3A_41, %and3A_42 : i32
    %add3A_44 = arith.addi %mul3A_40, %and3A_43 : i32
    %eq3A = arith.cmpi eq, %add3A_38, %squeeze3A : i32
    %convert_element_type3A = arith.extui %eq3A : i1 to i32
    %cond3A = arith.constant 0 : i32
    %cond3A_45 = arith.constant 0 : i32
    %cond3A_46 = arith.cmpi ne, %convert_element_type3A, %cond3A_45 : i32
    scf.if %cond3A_46 {
      %dma_start3A = arith.constant 0 : i32
      %dma_start3A_280 = arith.constant 0 : i32
      %dma_start3A_281 = arith.constant 0 : i32
      %dma_start3A_282 = tpu.memref_slice %arg8[%cond3A, %dma_start3A, %dma_start3A_280, %dma_start3A_281] : memref<4x8x8x129xf32, #tpu.memory_space<vmem>> -> memref<1x8x8x128xf32, #tpu.memory_space<vmem>>
      %dma_start3A_283 = tpu.memref_squeeze %dma_start3A_282 : memref<1x8x8x128xf32, #tpu.memory_space<vmem>> -> memref<8x8x128xf32, #tpu.memory_space<vmem>>
      %dma_start3A_284 = arith.constant 0 : i32
      %dma_start3A_285 = arith.constant 0 : i32
      %dma_start3A_286 = arith.constant 0 : i32
      %dma_start3A_287 = tpu.memref_slice %arg3[%dma_start3A_284, %add3A_44, %dma_start3A_285, %dma_start3A_286] : memref<8x32x8x128xf32, #tpu.memory_space<hbm>> -> memref<8x1x8x128xf32, #tpu.memory_space<hbm>>
      %dma_start3A_288 = tpu.memref_squeeze %dma_start3A_287 : memref<8x1x8x128xf32, #tpu.memory_space<hbm>> -> memref<8x8x128xf32, #tpu.memory_space<hbm>>
      %dma_start3A_289 = tpu.memref_slice %arg16[%cond3A] : memref<2x!tpu.dma_semaphore, #tpu.memory_space<semaphore_mem>> -> memref<1x!tpu.dma_semaphore, #tpu.memory_space<semaphore_mem>>
      %dma_start3A_290 = tpu.memref_squeeze %dma_start3A_289 : memref<1x!tpu.dma_semaphore, #tpu.memory_space<semaphore_mem>> -> memref<!tpu.dma_semaphore, #tpu.memory_space<semaphore_mem>>
      %dma_start3A_291 = arith.constant 0 : i32
      %dma_start3A_292 = arith.constant 0 : i32
      %dma_start3A_293 = arith.constant 0 : i32
      %dma_start3A_294 = tpu.memref_slice %arg8[%cond3A, %dma_start3A_291, %dma_start3A_292, %dma_start3A_293] : memref<4x8x8x129xf32, #tpu.memory_space<vmem>> -> memref<1x8x8x128xf32, #tpu.memory_space<vmem>>
      %dma_start3A_295 = tpu.memref_squeeze %dma_start3A_294 : memref<1x8x8x128xf32, #tpu.memory_space<vmem>> -> memref<8x8x128xf32, #tpu.memory_space<vmem>>
      %dma_start3A_296 = arith.constant 0 : i32
      %dma_start3A_297 = arith.constant 0 : i32
      %dma_start3A_298 = arith.constant 0 : i32
      %dma_start3A_299 = tpu.memref_slice %arg3[%dma_start3A_296, %add3A_44, %dma_start3A_297, %dma_start3A_298] : memref<8x32x8x128xf32, #tpu.memory_space<hbm>> -> memref<8x1x8x128xf32, #tpu.memory_space<hbm>>
      %dma_start3A_300 = tpu.memref_squeeze %dma_start3A_299 : memref<8x1x8x128xf32, #tpu.memory_space<hbm>> -> memref<8x8x128xf32, #tpu.memory_space<hbm>>
      tpu.enqueue_dma source(%dma_start3A_300 : memref<8x8x128xf32, #tpu.memory_space<hbm>>) target(%dma_start3A_295 : memref<8x8x128xf32, #tpu.memory_space<vmem>>) target_semaphore(%dma_start3A_290 : memref<!tpu.dma_semaphore, #tpu.memory_space<semaphore_mem>>)
    } else {
    }
    %ne3A = arith.cmpi ne, %add3A_38, %squeeze3A : i32
    %convert_element_type3A_47 = arith.extui %ne3A : i1 to i32
    %cond3A_48 = arith.constant 0 : i32
    %cond3A_49 = arith.constant 0 : i32
    %cond3A_50 = arith.cmpi ne, %convert_element_type3A_47, %cond3A_49 : i32
    scf.if %cond3A_50 {
      %dma_start3A = arith.constant 0 : i32
      %dma_start3A_280 = arith.constant 0 : i32
      %dma_start3A_281 = arith.constant 0 : i32
      %dma_start3A_282 = tpu.memref_slice %arg8[%cond3A_48, %dma_start3A, %dma_start3A_280, %dma_start3A_281] : memref<4x8x8x129xf32, #tpu.memory_space<vmem>> -> memref<1x8x8x128xf32, #tpu.memory_space<vmem>>
      %dma_start3A_283 = tpu.memref_squeeze %dma_start3A_282 : memref<1x8x8x128xf32, #tpu.memory_space<vmem>> -> memref<8x8x128xf32, #tpu.memory_space<vmem>>
      %dma_start3A_284 = arith.constant 0 : i32
      %dma_start3A_285 = arith.constant 0 : i32
      %dma_start3A_286 = arith.constant 0 : i32
      %dma_start3A_287 = tpu.memref_slice %arg2[%add3A_38, %dma_start3A_284, %add3A_44, %dma_start3A_285, %dma_start3A_286] : memref<128x8x32x8x128xf32, #tpu.memory_space<hbm>> -> memref<1x8x1x8x128xf32, #tpu.memory_space<hbm>>
      %dma_start3A_288 = tpu.memref_squeeze %dma_start3A_287 : memref<1x8x1x8x128xf32, #tpu.memory_space<hbm>> -> memref<8x8x128xf32, #tpu.memory_space<hbm>>
      %dma_start3A_289 = tpu.memref_slice %arg16[%cond3A_48] : memref<2x!tpu.dma_semaphore, #tpu.memory_space<semaphore_mem>> -> memref<1x!tpu.dma_semaphore, #tpu.memory_space<semaphore_mem>>
      %dma_start3A_290 = tpu.memref_squeeze %dma_start3A_289 : memref<1x!tpu.dma_semaphore, #tpu.memory_space<semaphore_mem>> -> memref<!tpu.dma_semaphore, #tpu.memory_space<semaphore_mem>>
      %dma_start3A_291 = arith.constant 0 : i32
      %dma_start3A_292 = arith.constant 0 : i32
      %dma_start3A_293 = arith.constant 0 : i32
      %dma_start3A_294 = tpu.memref_slice %arg8[%cond3A_48, %dma_start3A_291, %dma_start3A_292, %dma_start3A_293] : memref<4x8x8x129xf32, #tpu.memory_space<vmem>> -> memref<1x8x8x128xf32, #tpu.memory_space<vmem>>
      %dma_start3A_295 = tpu.memref_squeeze %dma_start3A_294 : memref<1x8x8x128xf32, #tpu.memory_space<vmem>> -> memref<8x8x128xf32, #tpu.memory_space<vmem>>
      %dma_start3A_296 = arith.constant 0 : i32
      %dma_start3A_297 = arith.constant 0 : i32
      %dma_start3A_298 = arith.constant 0 : i32
      %dma_start3A_299 = tpu.memref_slice %arg2[%add3A_38, %dma_start3A_296, %add3A_44, %dma_start3A_297, %dma_start3A_298] : memref<128x8x32x8x128xf32, #tpu.memory_space<hbm>> -> memref<1x8x1x8x128xf32, #tpu.memory_space<hbm>>
      %dma_start3A_300 = tpu.memref_squeeze %dma_start3A_299 : memref<1x8x1x8x128xf32, #tpu.memory_space<hbm>> -> memref<8x8x128xf32, #tpu.memory_space<hbm>>
      tpu.enqueue_dma source(%dma_start3A_300 : memref<8x8x128xf32, #tpu.memory_space<hbm>>) target(%dma_start3A_295 : memref<8x8x128xf32, #tpu.memory_space<vmem>>) target_semaphore(%dma_start3A_290 : memref<!tpu.dma_semaphore, #tpu.memory_space<semaphore_mem>>)
    } else {
    }
    %shift_right_logical3A_51 = arith.constant 1 : i32
    %shift_right_logical3A_52 = arith.constant 1 : i32
    %shift_right_logical3A_53 = arith.shrui %shift_right_logical3A_51, %shift_right_logical3A_52 : i32
    %add3A_54 = arith.addi %mul3A_1, %shift_right_logical3A_53 : i32
    %mul3A_55 = arith.constant 2 : i32
    %mul3A_56 = arith.muli %mul3A_55, %arg1 : i32
    %and3A_57 = arith.constant 1 : i32
    %and3A_58 = arith.constant 1 : i32
    %and3A_59 = arith.andi %and3A_57, %and3A_58 : i32
    %add3A_60 = arith.addi %mul3A_56, %and3A_59 : i32
    %eq3A_61 = arith.cmpi eq, %add3A_54, %squeeze3A : i32
    %convert_element_type3A_62 = arith.extui %eq3A_61 : i1 to i32
    %cond3A_63 = arith.constant 1 : i32
    %cond3A_64 = arith.constant 0 : i32
    %cond3A_65 = arith.cmpi ne, %convert_element_type3A_62, %cond3A_64 : i32
    scf.if %cond3A_65 {
      %dma_start3A = arith.constant 0 : i32
      %dma_start3A_280 = arith.constant 0 : i32
      %dma_start3A_281 = arith.constant 0 : i32
      %dma_start3A_282 = tpu.memref_slice %arg8[%cond3A_63, %dma_start3A, %dma_start3A_280, %dma_start3A_281] : memref<4x8x8x129xf32, #tpu.memory_space<vmem>> -> memref<1x8x8x128xf32, #tpu.memory_space<vmem>>
      %dma_start3A_283 = tpu.memref_squeeze %dma_start3A_282 : memref<1x8x8x128xf32, #tpu.memory_space<vmem>> -> memref<8x8x128xf32, #tpu.memory_space<vmem>>
      %dma_start3A_284 = arith.constant 0 : i32
      %dma_start3A_285 = arith.constant 0 : i32
      %dma_start3A_286 = arith.constant 0 : i32
      %dma_start3A_287 = tpu.memref_slice %arg3[%dma_start3A_284, %add3A_60, %dma_start3A_285, %dma_start3A_286] : memref<8x32x8x128xf32, #tpu.memory_space<hbm>> -> memref<8x1x8x128xf32, #tpu.memory_space<hbm>>
      %dma_start3A_288 = tpu.memref_squeeze %dma_start3A_287 : memref<8x1x8x128xf32, #tpu.memory_space<hbm>> -> memref<8x8x128xf32, #tpu.memory_space<hbm>>
      %dma_start3A_289 = tpu.memref_slice %arg16[%cond3A_63] : memref<2x!tpu.dma_semaphore, #tpu.memory_space<semaphore_mem>> -> memref<1x!tpu.dma_semaphore, #tpu.memory_space<semaphore_mem>>
      %dma_start3A_290 = tpu.memref_squeeze %dma_start3A_289 : memref<1x!tpu.dma_semaphore, #tpu.memory_space<semaphore_mem>> -> memref<!tpu.dma_semaphore, #tpu.memory_space<semaphore_mem>>
      %dma_start3A_291 = arith.constant 0 : i32
      %dma_start3A_292 = arith.constant 0 : i32
      %dma_start3A_293 = arith.constant 0 : i32
      %dma_start3A_294 = tpu.memref_slice %arg8[%cond3A_63, %dma_start3A_291, %dma_start3A_292, %dma_start3A_293] : memref<4x8x8x129xf32, #tpu.memory_space<vmem>> -> memref<1x8x8x128xf32, #tpu.memory_space<vmem>>
      %dma_start3A_295 = tpu.memref_squeeze %dma_start3A_294 : memref<1x8x8x128xf32, #tpu.memory_space<vmem>> -> memref<8x8x128xf32, #tpu.memory_space<vmem>>
      %dma_start3A_296 = arith.constant 0 : i32
      %dma_start3A_297 = arith.constant 0 : i32
      %dma_start3A_298 = arith.constant 0 : i32
      %dma_start3A_299 = tpu.memref_slice %arg3[%dma_start3A_296, %add3A_60, %dma_start3A_297, %dma_start3A_298] : memref<8x32x8x128xf32, #tpu.memory_space<hbm>> -> memref<8x1x8x128xf32, #tpu.memory_space<hbm>>
      %dma_start3A_300 = tpu.memref_squeeze %dma_start3A_299 : memref<8x1x8x128xf32, #tpu.memory_space<hbm>> -> memref<8x8x128xf32, #tpu.memory_space<hbm>>
      tpu.enqueue_dma source(%dma_start3A_300 : memref<8x8x128xf32, #tpu.memory_space<hbm>>) target(%dma_start3A_295 : memref<8x8x128xf32, #tpu.memory_space<vmem>>) target_semaphore(%dma_start3A_290 : memref<!tpu.dma_semaphore, #tpu.memory_space<semaphore_mem>>)
    } else {
    }
    %ne3A_66 = arith.cmpi ne, %add3A_54, %squeeze3A : i32
    %convert_element_type3A_67 = arith.extui %ne3A_66 : i1 to i32
    %cond3A_68 = arith.constant 1 : i32
    %cond3A_69 = arith.constant 0 : i32
    %cond3A_70 = arith.cmpi ne, %convert_element_type3A_67, %cond3A_69 : i32
    scf.if %cond3A_70 {
      %dma_start3A = arith.constant 0 : i32
      %dma_start3A_280 = arith.constant 0 : i32
      %dma_start3A_281 = arith.constant 0 : i32
      %dma_start3A_282 = tpu.memref_slice %arg8[%cond3A_68, %dma_start3A, %dma_start3A_280, %dma_start3A_281] : memref<4x8x8x129xf32, #tpu.memory_space<vmem>> -> memref<1x8x8x128xf32, #tpu.memory_space<vmem>>
      %dma_start3A_283 = tpu.memref_squeeze %dma_start3A_282 : memref<1x8x8x128xf32, #tpu.memory_space<vmem>> -> memref<8x8x128xf32, #tpu.memory_space<vmem>>
      %dma_start3A_284 = arith.constant 0 : i32
      %dma_start3A_285 = arith.constant 0 : i32
      %dma_start3A_286 = arith.constant 0 : i32
      %dma_start3A_287 = tpu.memref_slice %arg2[%add3A_54, %dma_start3A_284, %add3A_60, %dma_start3A_285, %dma_start3A_286] : memref<128x8x32x8x128xf32, #tpu.memory_space<hbm>> -> memref<1x8x1x8x128xf32, #tpu.memory_space<hbm>>
      %dma_start3A_288 = tpu.memref_squeeze %dma_start3A_287 : memref<1x8x1x8x128xf32, #tpu.memory_space<hbm>> -> memref<8x8x128xf32, #tpu.memory_space<hbm>>
      %dma_start3A_289 = tpu.memref_slice %arg16[%cond3A_68] : memref<2x!tpu.dma_semaphore, #tpu.memory_space<semaphore_mem>> -> memref<1x!tpu.dma_semaphore, #tpu.memory_space<semaphore_mem>>
      %dma_start3A_290 = tpu.memref_squeeze %dma_start3A_289 : memref<1x!tpu.dma_semaphore, #tpu.memory_space<semaphore_mem>> -> memref<!tpu.dma_semaphore, #tpu.memory_space<semaphore_mem>>
      %dma_start3A_291 = arith.constant 0 : i32
      %dma_start3A_292 = arith.constant 0 : i32
      %dma_start3A_293 = arith.constant 0 : i32
      %dma_start3A_294 = tpu.memref_slice %arg8[%cond3A_68, %dma_start3A_291, %dma_start3A_292, %dma_start3A_293] : memref<4x8x8x129xf32, #tpu.memory_space<vmem>> -> memref<1x8x8x128xf32, #tpu.memory_space<vmem>>
      %dma_start3A_295 = tpu.memref_squeeze %dma_start3A_294 : memref<1x8x8x128xf32, #tpu.memory_space<vmem>> -> memref<8x8x128xf32, #tpu.memory_space<vmem>>
      %dma_start3A_296 = arith.constant 0 : i32
      %dma_start3A_297 = arith.constant 0 : i32
      %dma_start3A_298 = arith.constant 0 : i32
      %dma_start3A_299 = tpu.memref_slice %arg2[%add3A_54, %dma_start3A_296, %add3A_60, %dma_start3A_297, %dma_start3A_298] : memref<128x8x32x8x128xf32, #tpu.memory_space<hbm>> -> memref<1x8x1x8x128xf32, #tpu.memory_space<hbm>>
      %dma_start3A_300 = tpu.memref_squeeze %dma_start3A_299 : memref<1x8x1x8x128xf32, #tpu.memory_space<hbm>> -> memref<8x8x128xf32, #tpu.memory_space<hbm>>
      tpu.enqueue_dma source(%dma_start3A_300 : memref<8x8x128xf32, #tpu.memory_space<hbm>>) target(%dma_start3A_295 : memref<8x8x128xf32, #tpu.memory_space<vmem>>) target_semaphore(%dma_start3A_290 : memref<!tpu.dma_semaphore, #tpu.memory_space<semaphore_mem>>)
    } else {
    }
    %shift_right_logical3A_71 = arith.constant 2 : i32
    %shift_right_logical3A_72 = arith.constant 1 : i32
    %shift_right_logical3A_73 = arith.shrui %shift_right_logical3A_71, %shift_right_logical3A_72 : i32
    %add3A_74 = arith.addi %mul3A_1, %shift_right_logical3A_73 : i32
    %mul3A_75 = arith.constant 2 : i32
    %mul3A_76 = arith.muli %mul3A_75, %arg1 : i32
    %and3A_77 = arith.constant 2 : i32
    %and3A_78 = arith.constant 1 : i32
    %and3A_79 = arith.andi %and3A_77, %and3A_78 : i32
    %add3A_80 = arith.addi %mul3A_76, %and3A_79 : i32
    %eq3A_81 = arith.cmpi eq, %add3A_74, %squeeze3A : i32
    %convert_element_type3A_82 = arith.extui %eq3A_81 : i1 to i32
    %cond3A_83 = arith.constant 2 : i32
    %cond3A_84 = arith.constant 0 : i32
    %cond3A_85 = arith.cmpi ne, %convert_element_type3A_82, %cond3A_84 : i32
    scf.if %cond3A_85 {
      %dma_start3A = arith.constant 0 : i32
      %dma_start3A_280 = arith.constant 0 : i32
      %dma_start3A_281 = arith.constant 0 : i32
      %dma_start3A_282 = tpu.memref_slice %arg8[%cond3A_83, %dma_start3A, %dma_start3A_280, %dma_start3A_281] : memref<4x8x8x129xf32, #tpu.memory_space<vmem>> -> memref<1x8x8x128xf32, #tpu.memory_space<vmem>>
      %dma_start3A_283 = tpu.memref_squeeze %dma_start3A_282 : memref<1x8x8x128xf32, #tpu.memory_space<vmem>> -> memref<8x8x128xf32, #tpu.memory_space<vmem>>
      %dma_start3A_284 = arith.constant 0 : i32
      %dma_start3A_285 = arith.constant 0 : i32
      %dma_start3A_286 = arith.constant 0 : i32
      %dma_start3A_287 = tpu.memref_slice %arg3[%dma_start3A_284, %add3A_80, %dma_start3A_285, %dma_start3A_286] : memref<8x32x8x128xf32, #tpu.memory_space<hbm>> -> memref<8x1x8x128xf32, #tpu.memory_space<hbm>>
      %dma_start3A_288 = tpu.memref_squeeze %dma_start3A_287 : memref<8x1x8x128xf32, #tpu.memory_space<hbm>> -> memref<8x8x128xf32, #tpu.memory_space<hbm>>
      %dma_start3A_289 = tpu.memref_slice %arg16[%cond3A_83] : memref<2x!tpu.dma_semaphore, #tpu.memory_space<semaphore_mem>> -> memref<1x!tpu.dma_semaphore, #tpu.memory_space<semaphore_mem>>
      %dma_start3A_290 = tpu.memref_squeeze %dma_start3A_289 : memref<1x!tpu.dma_semaphore, #tpu.memory_space<semaphore_mem>> -> memref<!tpu.dma_semaphore, #tpu.memory_space<semaphore_mem>>
      %dma_start3A_291 = arith.constant 0 : i32
      %dma_start3A_292 = arith.constant 0 : i32
      %dma_start3A_293 = arith.constant 0 : i32
      %dma_start3A_294 = tpu.memref_slice %arg8[%cond3A_83, %dma_start3A_291, %dma_start3A_292, %dma_start3A_293] : memref<4x8x8x129xf32, #tpu.memory_space<vmem>> -> memref<1x8x8x128xf32, #tpu.memory_space<vmem>>
      %dma_start3A_295 = tpu.memref_squeeze %dma_start3A_294 : memref<1x8x8x128xf32, #tpu.memory_space<vmem>> -> memref<8x8x128xf32, #tpu.memory_space<vmem>>
      %dma_start3A_296 = arith.constant 0 : i32
      %dma_start3A_297 = arith.constant 0 : i32
      %dma_start3A_298 = arith.constant 0 : i32
      %dma_start3A_299 = tpu.memref_slice %arg3[%dma_start3A_296, %add3A_80, %dma_start3A_297, %dma_start3A_298] : memref<8x32x8x128xf32, #tpu.memory_space<hbm>> -> memref<8x1x8x128xf32, #tpu.memory_space<hbm>>
      %dma_start3A_300 = tpu.memref_squeeze %dma_start3A_299 : memref<8x1x8x128xf32, #tpu.memory_space<hbm>> -> memref<8x8x128xf32, #tpu.memory_space<hbm>>
      tpu.enqueue_dma source(%dma_start3A_300 : memref<8x8x128xf32, #tpu.memory_space<hbm>>) target(%dma_start3A_295 : memref<8x8x128xf32, #tpu.memory_space<vmem>>) target_semaphore(%dma_start3A_290 : memref<!tpu.dma_semaphore, #tpu.memory_space<semaphore_mem>>)
    } else {
    }
    %ne3A_86 = arith.cmpi ne, %add3A_74, %squeeze3A : i32
    %convert_element_type3A_87 = arith.extui %ne3A_86 : i1 to i32
    %cond3A_88 = arith.constant 2 : i32
    %cond3A_89 = arith.constant 0 : i32
    %cond3A_90 = arith.cmpi ne, %convert_element_type3A_87, %cond3A_89 : i32
    scf.if %cond3A_90 {
      %dma_start3A = arith.constant 0 : i32
      %dma_start3A_280 = arith.constant 0 : i32
      %dma_start3A_281 = arith.constant 0 : i32
      %dma_start3A_282 = tpu.memref_slice %arg8[%cond3A_88, %dma_start3A, %dma_start3A_280, %dma_start3A_281] : memref<4x8x8x129xf32, #tpu.memory_space<vmem>> -> memref<1x8x8x128xf32, #tpu.memory_space<vmem>>
      %dma_start3A_283 = tpu.memref_squeeze %dma_start3A_282 : memref<1x8x8x128xf32, #tpu.memory_space<vmem>> -> memref<8x8x128xf32, #tpu.memory_space<vmem>>
      %dma_start3A_284 = arith.constant 0 : i32
      %dma_start3A_285 = arith.constant 0 : i32
      %dma_start3A_286 = arith.constant 0 : i32
      %dma_start3A_287 = tpu.memref_slice %arg2[%add3A_74, %dma_start3A_284, %add3A_80, %dma_start3A_285, %dma_start3A_286] : memref<128x8x32x8x128xf32, #tpu.memory_space<hbm>> -> memref<1x8x1x8x128xf32, #tpu.memory_space<hbm>>
      %dma_start3A_288 = tpu.memref_squeeze %dma_start3A_287 : memref<1x8x1x8x128xf32, #tpu.memory_space<hbm>> -> memref<8x8x128xf32, #tpu.memory_space<hbm>>
      %dma_start3A_289 = tpu.memref_slice %arg16[%cond3A_88] : memref<2x!tpu.dma_semaphore, #tpu.memory_space<semaphore_mem>> -> memref<1x!tpu.dma_semaphore, #tpu.memory_space<semaphore_mem>>
      %dma_start3A_290 = tpu.memref_squeeze %dma_start3A_289 : memref<1x!tpu.dma_semaphore, #tpu.memory_space<semaphore_mem>> -> memref<!tpu.dma_semaphore, #tpu.memory_space<semaphore_mem>>
      %dma_start3A_291 = arith.constant 0 : i32
      %dma_start3A_292 = arith.constant 0 : i32
      %dma_start3A_293 = arith.constant 0 : i32
      %dma_start3A_294 = tpu.memref_slice %arg8[%cond3A_88, %dma_start3A_291, %dma_start3A_292, %dma_start3A_293] : memref<4x8x8x129xf32, #tpu.memory_space<vmem>> -> memref<1x8x8x128xf32, #tpu.memory_space<vmem>>
      %dma_start3A_295 = tpu.memref_squeeze %dma_start3A_294 : memref<1x8x8x128xf32, #tpu.memory_space<vmem>> -> memref<8x8x128xf32, #tpu.memory_space<vmem>>
      %dma_start3A_296 = arith.constant 0 : i32
      %dma_start3A_297 = arith.constant 0 : i32
      %dma_start3A_298 = arith.constant 0 : i32
      %dma_start3A_299 = tpu.memref_slice %arg2[%add3A_74, %dma_start3A_296, %add3A_80, %dma_start3A_297, %dma_start3A_298] : memref<128x8x32x8x128xf32, #tpu.memory_space<hbm>> -> memref<1x8x1x8x128xf32, #tpu.memory_space<hbm>>
      %dma_start3A_300 = tpu.memref_squeeze %dma_start3A_299 : memref<1x8x1x8x128xf32, #tpu.memory_space<hbm>> -> memref<8x8x128xf32, #tpu.memory_space<hbm>>
      tpu.enqueue_dma source(%dma_start3A_300 : memref<8x8x128xf32, #tpu.memory_space<hbm>>) target(%dma_start3A_295 : memref<8x8x128xf32, #tpu.memory_space<vmem>>) target_semaphore(%dma_start3A_290 : memref<!tpu.dma_semaphore, #tpu.memory_space<semaphore_mem>>)
    } else {
    }
    %shift_right_logical3A_91 = arith.constant 3 : i32
    %shift_right_logical3A_92 = arith.constant 1 : i32
    %shift_right_logical3A_93 = arith.shrui %shift_right_logical3A_91, %shift_right_logical3A_92 : i32
    %add3A_94 = arith.addi %mul3A_1, %shift_right_logical3A_93 : i32
    %mul3A_95 = arith.constant 2 : i32
    %mul3A_96 = arith.muli %mul3A_95, %arg1 : i32
    %and3A_97 = arith.constant 3 : i32
    %and3A_98 = arith.constant 1 : i32
    %and3A_99 = arith.andi %and3A_97, %and3A_98 : i32
    %add3A_100 = arith.addi %mul3A_96, %and3A_99 : i32
    %eq3A_101 = arith.cmpi eq, %add3A_94, %squeeze3A : i32
    %convert_element_type3A_102 = arith.extui %eq3A_101 : i1 to i32
    %cond3A_103 = arith.constant 3 : i32
    %cond3A_104 = arith.constant 0 : i32
    %cond3A_105 = arith.cmpi ne, %convert_element_type3A_102, %cond3A_104 : i32
    scf.if %cond3A_105 {
      %dma_start3A = arith.constant 0 : i32
      %dma_start3A_280 = arith.constant 0 : i32
      %dma_start3A_281 = arith.constant 0 : i32
      %dma_start3A_282 = tpu.memref_slice %arg8[%cond3A_103, %dma_start3A, %dma_start3A_280, %dma_start3A_281] : memref<4x8x8x129xf32, #tpu.memory_space<vmem>> -> memref<1x8x8x128xf32, #tpu.memory_space<vmem>>
      %dma_start3A_283 = tpu.memref_squeeze %dma_start3A_282 : memref<1x8x8x128xf32, #tpu.memory_space<vmem>> -> memref<8x8x128xf32, #tpu.memory_space<vmem>>
      %dma_start3A_284 = arith.constant 0 : i32
      %dma_start3A_285 = arith.constant 0 : i32
      %dma_start3A_286 = arith.constant 0 : i32
      %dma_start3A_287 = tpu.memref_slice %arg3[%dma_start3A_284, %add3A_100, %dma_start3A_285, %dma_start3A_286] : memref<8x32x8x128xf32, #tpu.memory_space<hbm>> -> memref<8x1x8x128xf32, #tpu.memory_space<hbm>>
      %dma_start3A_288 = tpu.memref_squeeze %dma_start3A_287 : memref<8x1x8x128xf32, #tpu.memory_space<hbm>> -> memref<8x8x128xf32, #tpu.memory_space<hbm>>
      %dma_start3A_289 = tpu.memref_slice %arg16[%cond3A_103] : memref<2x!tpu.dma_semaphore, #tpu.memory_space<semaphore_mem>> -> memref<1x!tpu.dma_semaphore, #tpu.memory_space<semaphore_mem>>
      %dma_start3A_290 = tpu.memref_squeeze %dma_start3A_289 : memref<1x!tpu.dma_semaphore, #tpu.memory_space<semaphore_mem>> -> memref<!tpu.dma_semaphore, #tpu.memory_space<semaphore_mem>>
      %dma_start3A_291 = arith.constant 0 : i32
      %dma_start3A_292 = arith.constant 0 : i32
      %dma_start3A_293 = arith.constant 0 : i32
      %dma_start3A_294 = tpu.memref_slice %arg8[%cond3A_103, %dma_start3A_291, %dma_start3A_292, %dma_start3A_293] : memref<4x8x8x129xf32, #tpu.memory_space<vmem>> -> memref<1x8x8x128xf32, #tpu.memory_space<vmem>>
      %dma_start3A_295 = tpu.memref_squeeze %dma_start3A_294 : memref<1x8x8x128xf32, #tpu.memory_space<vmem>> -> memref<8x8x128xf32, #tpu.memory_space<vmem>>
      %dma_start3A_296 = arith.constant 0 : i32
      %dma_start3A_297 = arith.constant 0 : i32
      %dma_start3A_298 = arith.constant 0 : i32
      %dma_start3A_299 = tpu.memref_slice %arg3[%dma_start3A_296, %add3A_100, %dma_start3A_297, %dma_start3A_298] : memref<8x32x8x128xf32, #tpu.memory_space<hbm>> -> memref<8x1x8x128xf32, #tpu.memory_space<hbm>>
      %dma_start3A_300 = tpu.memref_squeeze %dma_start3A_299 : memref<8x1x8x128xf32, #tpu.memory_space<hbm>> -> memref<8x8x128xf32, #tpu.memory_space<hbm>>
      tpu.enqueue_dma source(%dma_start3A_300 : memref<8x8x128xf32, #tpu.memory_space<hbm>>) target(%dma_start3A_295 : memref<8x8x128xf32, #tpu.memory_space<vmem>>) target_semaphore(%dma_start3A_290 : memref<!tpu.dma_semaphore, #tpu.memory_space<semaphore_mem>>)
    } else {
    }
    %ne3A_106 = arith.cmpi ne, %add3A_94, %squeeze3A : i32
    %convert_element_type3A_107 = arith.extui %ne3A_106 : i1 to i32
    %cond3A_108 = arith.constant 3 : i32
    %cond3A_109 = arith.constant 0 : i32
    %cond3A_110 = arith.cmpi ne, %convert_element_type3A_107, %cond3A_109 : i32
    scf.if %cond3A_110 {
      %dma_start3A = arith.constant 0 : i32
      %dma_start3A_280 = arith.constant 0 : i32
      %dma_start3A_281 = arith.constant 0 : i32
      %dma_start3A_282 = tpu.memref_slice %arg8[%cond3A_108, %dma_start3A, %dma_start3A_280, %dma_start3A_281] : memref<4x8x8x129xf32, #tpu.memory_space<vmem>> -> memref<1x8x8x128xf32, #tpu.memory_space<vmem>>
      %dma_start3A_283 = tpu.memref_squeeze %dma_start3A_282 : memref<1x8x8x128xf32, #tpu.memory_space<vmem>> -> memref<8x8x128xf32, #tpu.memory_space<vmem>>
      %dma_start3A_284 = arith.constant 0 : i32
      %dma_start3A_285 = arith.constant 0 : i32
      %dma_start3A_286 = arith.constant 0 : i32
      %dma_start3A_287 = tpu.memref_slice %arg2[%add3A_94, %dma_start3A_284, %add3A_100, %dma_start3A_285, %dma_start3A_286] : memref<128x8x32x8x128xf32, #tpu.memory_space<hbm>> -> memref<1x8x1x8x128xf32, #tpu.memory_space<hbm>>
      %dma_start3A_288 = tpu.memref_squeeze %dma_start3A_287 : memref<1x8x1x8x128xf32, #tpu.memory_space<hbm>> -> memref<8x8x128xf32, #tpu.memory_space<hbm>>
      %dma_start3A_289 = tpu.memref_slice %arg16[%cond3A_108] : memref<2x!tpu.dma_semaphore, #tpu.memory_space<semaphore_mem>> -> memref<1x!tpu.dma_semaphore, #tpu.memory_space<semaphore_mem>>
      %dma_start3A_290 = tpu.memref_squeeze %dma_start3A_289 : memref<1x!tpu.dma_semaphore, #tpu.memory_space<semaphore_mem>> -> memref<!tpu.dma_semaphore, #tpu.memory_space<semaphore_mem>>
      %dma_start3A_291 = arith.constant 0 : i32
      %dma_start3A_292 = arith.constant 0 : i32
      %dma_start3A_293 = arith.constant 0 : i32
      %dma_start3A_294 = tpu.memref_slice %arg8[%cond3A_108, %dma_start3A_291, %dma_start3A_292, %dma_start3A_293] : memref<4x8x8x129xf32, #tpu.memory_space<vmem>> -> memref<1x8x8x128xf32, #tpu.memory_space<vmem>>
      %dma_start3A_295 = tpu.memref_squeeze %dma_start3A_294 : memref<1x8x8x128xf32, #tpu.memory_space<vmem>> -> memref<8x8x128xf32, #tpu.memory_space<vmem>>
      %dma_start3A_296 = arith.constant 0 : i32
      %dma_start3A_297 = arith.constant 0 : i32
      %dma_start3A_298 = arith.constant 0 : i32
      %dma_start3A_299 = tpu.memref_slice %arg2[%add3A_94, %dma_start3A_296, %add3A_100, %dma_start3A_297, %dma_start3A_298] : memref<128x8x32x8x128xf32, #tpu.memory_space<hbm>> -> memref<1x8x1x8x128xf32, #tpu.memory_space<hbm>>
      %dma_start3A_300 = tpu.memref_squeeze %dma_start3A_299 : memref<1x8x1x8x128xf32, #tpu.memory_space<hbm>> -> memref<8x8x128xf32, #tpu.memory_space<hbm>>
      tpu.enqueue_dma source(%dma_start3A_300 : memref<8x8x128xf32, #tpu.memory_space<hbm>>) target(%dma_start3A_295 : memref<8x8x128xf32, #tpu.memory_space<vmem>>) target_semaphore(%dma_start3A_290 : memref<!tpu.dma_semaphore, #tpu.memory_space<semaphore_mem>>)
    } else {
    }
    %scan3A = arith.constant 0 : i32
    %scan3A_111 = arith.constant 0 : i32
    %scan3A_112 = arith.constant 128 : i32
    %scan3A_113 = arith.addi %scan3A_111, %scan3A_112 : i32
    %scan3A_114 = arith.constant 1 : i32
    scf.for %scan3A_280 = %scan3A_111 to %scan3A_113 step %scan3A_114  : i32 {
      %and3A_281 = arith.constant 3 : i32
      %and3A_282 = arith.andi %scan3A_280, %and3A_281 : i32
      %shift_right_logical3A_283 = arith.constant 1 : i32
      %shift_right_logical3A_284 = arith.shrui %scan3A_280, %shift_right_logical3A_283 : i32
      %add3A_285 = arith.addi %mul3A_1, %shift_right_logical3A_284 : i32
      %mul3A_286 = arith.constant 2 : i32
      %mul3A_287 = arith.muli %mul3A_286, %arg1 : i32
      %and3A_288 = arith.constant 1 : i32
      %and3A_289 = arith.andi %scan3A_280, %and3A_288 : i32
      %add3A_290 = arith.addi %mul3A_287, %and3A_289 : i32
      %dma_wait3A_291 = arith.constant 0 : i32
      %dma_wait3A_292 = arith.constant 0 : i32
      %dma_wait3A_293 = arith.constant 0 : i32
      %dma_wait3A_294 = tpu.memref_slice %arg8[%and3A_282, %dma_wait3A_291, %dma_wait3A_292, %dma_wait3A_293] : memref<4x8x8x129xf32, #tpu.memory_space<vmem>> -> memref<1x8x8x128xf32, #tpu.memory_space<vmem>>
      %dma_wait3A_295 = tpu.memref_squeeze %dma_wait3A_294 : memref<1x8x8x128xf32, #tpu.memory_space<vmem>> -> memref<8x8x128xf32, #tpu.memory_space<vmem>>
      %dma_wait3A_296 = arith.constant 0 : i32
      %dma_wait3A_297 = arith.constant 0 : i32
      %dma_wait3A_298 = arith.constant 0 : i32
      %dma_wait3A_299 = tpu.memref_slice %arg2[%add3A_285, %dma_wait3A_296, %add3A_290, %dma_wait3A_297, %dma_wait3A_298] : memref<128x8x32x8x128xf32, #tpu.memory_space<hbm>> -> memref<1x8x1x8x128xf32, #tpu.memory_space<hbm>>
      %dma_wait3A_300 = tpu.memref_squeeze %dma_wait3A_299 : memref<1x8x1x8x128xf32, #tpu.memory_space<hbm>> -> memref<8x8x128xf32, #tpu.memory_space<hbm>>
      %dma_wait3A_301 = tpu.memref_slice %arg16[%and3A_282] : memref<2x!tpu.dma_semaphore, #tpu.memory_space<semaphore_mem>> -> memref<1x!tpu.dma_semaphore, #tpu.memory_space<semaphore_mem>>
      %dma_wait3A_302 = tpu.memref_squeeze %dma_wait3A_301 : memref<1x!tpu.dma_semaphore, #tpu.memory_space<semaphore_mem>> -> memref<!tpu.dma_semaphore, #tpu.memory_space<semaphore_mem>>
      %dma_wait3A_303 = arith.constant 0 : i32
      %dma_wait3A_304 = arith.constant 0 : i32
      %dma_wait3A_305 = arith.constant 0 : i32
      %dma_wait3A_306 = tpu.memref_slice %arg8[%and3A_282, %dma_wait3A_303, %dma_wait3A_304, %dma_wait3A_305] : memref<4x8x8x129xf32, #tpu.memory_space<vmem>> -> memref<1x8x8x128xf32, #tpu.memory_space<vmem>>
      %dma_wait3A_307 = tpu.memref_squeeze %dma_wait3A_306 : memref<1x8x8x128xf32, #tpu.memory_space<vmem>> -> memref<8x8x128xf32, #tpu.memory_space<vmem>>
      %dma_wait3A_308 = arith.constant 0 : i32
      %dma_wait3A_309 = arith.constant 0 : i32
      %dma_wait3A_310 = arith.constant 0 : i32
      %dma_wait3A_311 = tpu.memref_slice %arg2[%add3A_285, %dma_wait3A_308, %add3A_290, %dma_wait3A_309, %dma_wait3A_310] : memref<128x8x32x8x128xf32, #tpu.memory_space<hbm>> -> memref<1x8x1x8x128xf32, #tpu.memory_space<hbm>>
      %dma_wait3A_312 = tpu.memref_squeeze %dma_wait3A_311 : memref<1x8x1x8x128xf32, #tpu.memory_space<hbm>> -> memref<8x8x128xf32, #tpu.memory_space<hbm>>
      tpu.wait_dma2 semaphore(%dma_wait3A_302 : memref<!tpu.dma_semaphore, #tpu.memory_space<semaphore_mem>>) src(%dma_wait3A_312 : memref<8x8x128xf32, #tpu.memory_space<hbm>>) dst(%dma_wait3A_307 : memref<8x8x128xf32, #tpu.memory_space<vmem>>)
      %ge3A = arith.constant 4 : i32
      %ge3A_313 = arith.cmpi sge, %scan3A_280, %ge3A : i32
      %convert_element_type3A_314 = arith.extui %ge3A_313 : i1 to i32
      %cond3A_315 = arith.constant 0 : i32
      %cond3A_316 = arith.cmpi ne, %convert_element_type3A_314, %cond3A_315 : i32
      scf.if %cond3A_316 {
        %sub3A = arith.constant 4 : i32
        %sub3A_356 = arith.subi %scan3A_280, %sub3A : i32
        %shift_right_logical3A_357 = arith.constant 1 : i32
        %shift_right_logical3A_358 = arith.shrui %sub3A_356, %shift_right_logical3A_357 : i32
        %add3A_359 = arith.addi %mul3A_1, %shift_right_logical3A_358 : i32
        %mul3A_360 = arith.constant 4096 : i32
        %mul3A_361 = arith.muli %add3A_359, %mul3A_360 : i32
        %mul3A_362 = arith.constant 2 : i32
        %mul3A_363 = arith.muli %mul3A_362, %arg1 : i32
        %and3A_364 = arith.constant 1 : i32
        %and3A_365 = arith.andi %sub3A_356, %and3A_364 : i32
        %add3A_366 = arith.addi %mul3A_363, %and3A_365 : i32
        %mul3A_367 = arith.constant 128 : i32
        %mul3A_368 = arith.muli %add3A_366, %mul3A_367 : i32
        %add3A_369 = arith.addi %mul3A_361, %mul3A_368 : i32
        %dma_wait3A_370 = arith.constant 0 : i32
        %dma_wait3A_371 = arith.constant 0 : i32
        %dma_wait3A_372 = tpu.memref_slice %arg9[%and3A_282, %dma_wait3A_370, %dma_wait3A_371] : memref<4x128x64xf32, #tpu.memory_space<vmem>> -> memref<1x128x64xf32, #tpu.memory_space<vmem>>
        %dma_wait3A_373 = tpu.memref_squeeze %dma_wait3A_372 : memref<1x128x64xf32, #tpu.memory_space<vmem>> -> memref<128x64xf32, #tpu.memory_space<vmem>>
        %dma_wait3A_374 = arith.constant 0 : i32
        %dma_wait3A_375 = tpu.memref_slice %arg6[%add3A_369, %dma_wait3A_374] : memref<524288x64xf32, #tpu.memory_space<hbm>> -> memref<128x64xf32, #tpu.memory_space<hbm>>
        %dma_wait3A_376 = tpu.memref_slice %arg17[%and3A_282] : memref<2x!tpu.dma_semaphore, #tpu.memory_space<semaphore_mem>> -> memref<1x!tpu.dma_semaphore, #tpu.memory_space<semaphore_mem>>
        %dma_wait3A_377 = tpu.memref_squeeze %dma_wait3A_376 : memref<1x!tpu.dma_semaphore, #tpu.memory_space<semaphore_mem>> -> memref<!tpu.dma_semaphore, #tpu.memory_space<semaphore_mem>>
        %dma_wait3A_378 = arith.constant 0 : i32
        %dma_wait3A_379 = tpu.memref_slice %arg6[%add3A_369, %dma_wait3A_378] : memref<524288x64xf32, #tpu.memory_space<hbm>> -> memref<128x64xf32, #tpu.memory_space<hbm>>
        %dma_wait3A_380 = arith.constant 0 : i32
        %dma_wait3A_381 = arith.constant 0 : i32
        %dma_wait3A_382 = tpu.memref_slice %arg9[%and3A_282, %dma_wait3A_380, %dma_wait3A_381] : memref<4x128x64xf32, #tpu.memory_space<vmem>> -> memref<1x128x64xf32, #tpu.memory_space<vmem>>
        %dma_wait3A_383 = tpu.memref_squeeze %dma_wait3A_382 : memref<1x128x64xf32, #tpu.memory_space<vmem>> -> memref<128x64xf32, #tpu.memory_space<vmem>>
        tpu.wait_dma2 semaphore(%dma_wait3A_377 : memref<!tpu.dma_semaphore, #tpu.memory_space<semaphore_mem>>) src(%dma_wait3A_383 : memref<128x64xf32, #tpu.memory_space<vmem>>) dst(%dma_wait3A_379 : memref<128x64xf32, #tpu.memory_space<hbm>>)
      } else {
      }
      %broadcast_in_dim3A_317 = vector.broadcast %and3A_282 : i32 to vector<16xi32>
      %scan3A_318 = arith.constant 0 : i32
      %scan3A_319 = arith.constant 0 : i32
      %scan3A_320 = arith.constant 32 : i32
      %scan3A_321 = arith.addi %scan3A_319, %scan3A_320 : i32
      %scan3A_322 = arith.constant 1 : i32
      scf.for %scan3A_356 = %scan3A_319 to %scan3A_321 step %scan3A_322  : i32 {
        %mul3A_357 = arith.constant 4 : i32
        %mul3A_358 = arith.muli %scan3A_356, %mul3A_357 : i32
        %add3A_359 = arith.constant 0 : i32
        %add3A_360 = arith.addi %mul3A_358, %add3A_359 : i32
        %broadcast_in_dim3A_361 = vector.broadcast %add3A_360 : i32 to vector<16xi32>
        %gather3A = tpu.vector_load_idx %arg8[%broadcast_in_dim3A_317, %shift_right_logical3A_5, %and3A_7, %broadcast_in_dim3A_361] : memref<4x8x8x129xf32, #tpu.memory_space<vmem>>[vector<16xi32>, vector<16xi32>, vector<16xi32>, vector<16xi32>], vector<16xf32>,
        %gather3A_362 = tpu.vector_load_idx %arg8[%broadcast_in_dim3A_317, %shift_right_logical3A_13, %and3A_16, %broadcast_in_dim3A_361] : memref<4x8x8x129xf32, #tpu.memory_space<vmem>>[vector<16xi32>, vector<16xi32>, vector<16xi32>, vector<16xi32>], vector<16xf32>,
        %gather3A_363 = tpu.vector_load_idx %arg8[%broadcast_in_dim3A_317, %shift_right_logical3A_22, %and3A_25, %broadcast_in_dim3A_361] : memref<4x8x8x129xf32, #tpu.memory_space<vmem>>[vector<16xi32>, vector<16xi32>, vector<16xi32>, vector<16xi32>], vector<16xf32>,
        %gather3A_364 = tpu.vector_load_idx %arg8[%broadcast_in_dim3A_317, %shift_right_logical3A_31, %and3A_34, %broadcast_in_dim3A_361] : memref<4x8x8x129xf32, #tpu.memory_space<vmem>>[vector<16xi32>, vector<16xi32>, vector<16xi32>, vector<16xi32>], vector<16xf32>,
        %mul3A_365 = arith.constant 4 : i32
        %mul3A_366 = arith.muli %scan3A_356, %mul3A_365 : i32
        %add3A_367 = arith.constant 1 : i32
        %add3A_368 = arith.addi %mul3A_366, %add3A_367 : i32
        %broadcast_in_dim3A_369 = vector.broadcast %add3A_368 : i32 to vector<16xi32>
        %gather3A_370 = tpu.vector_load_idx %arg8[%broadcast_in_dim3A_317, %shift_right_logical3A_5, %and3A_7, %broadcast_in_dim3A_369] : memref<4x8x8x129xf32, #tpu.memory_space<vmem>>[vector<16xi32>, vector<16xi32>, vector<16xi32>, vector<16xi32>], vector<16xf32>,
        %gather3A_371 = tpu.vector_load_idx %arg8[%broadcast_in_dim3A_317, %shift_right_logical3A_13, %and3A_16, %broadcast_in_dim3A_369] : memref<4x8x8x129xf32, #tpu.memory_space<vmem>>[vector<16xi32>, vector<16xi32>, vector<16xi32>, vector<16xi32>], vector<16xf32>,
        %gather3A_372 = tpu.vector_load_idx %arg8[%broadcast_in_dim3A_317, %shift_right_logical3A_22, %and3A_25, %broadcast_in_dim3A_369] : memref<4x8x8x129xf32, #tpu.memory_space<vmem>>[vector<16xi32>, vector<16xi32>, vector<16xi32>, vector<16xi32>], vector<16xf32>,
        %gather3A_373 = tpu.vector_load_idx %arg8[%broadcast_in_dim3A_317, %shift_right_logical3A_31, %and3A_34, %broadcast_in_dim3A_369] : memref<4x8x8x129xf32, #tpu.memory_space<vmem>>[vector<16xi32>, vector<16xi32>, vector<16xi32>, vector<16xi32>], vector<16xf32>,
        %mul3A_374 = arith.constant 4 : i32
        %mul3A_375 = arith.muli %scan3A_356, %mul3A_374 : i32
        %add3A_376 = arith.constant 2 : i32
        %add3A_377 = arith.addi %mul3A_375, %add3A_376 : i32
        %broadcast_in_dim3A_378 = vector.broadcast %add3A_377 : i32 to vector<16xi32>
        %gather3A_379 = tpu.vector_load_idx %arg8[%broadcast_in_dim3A_317, %shift_right_logical3A_5, %and3A_7, %broadcast_in_dim3A_378] : memref<4x8x8x129xf32, #tpu.memory_space<vmem>>[vector<16xi32>, vector<16xi32>, vector<16xi32>, vector<16xi32>], vector<16xf32>,
        %gather3A_380 = tpu.vector_load_idx %arg8[%broadcast_in_dim3A_317, %shift_right_logical3A_13, %and3A_16, %broadcast_in_dim3A_378] : memref<4x8x8x129xf32, #tpu.memory_space<vmem>>[vector<16xi32>, vector<16xi32>, vector<16xi32>, vector<16xi32>], vector<16xf32>,
        %gather3A_381 = tpu.vector_load_idx %arg8[%broadcast_in_dim3A_317, %shift_right_logical3A_22, %and3A_25, %broadcast_in_dim3A_378] : memref<4x8x8x129xf32, #tpu.memory_space<vmem>>[vector<16xi32>, vector<16xi32>, vector<16xi32>, vector<16xi32>], vector<16xf32>,
        %gather3A_382 = tpu.vector_load_idx %arg8[%broadcast_in_dim3A_317, %shift_right_logical3A_31, %and3A_34, %broadcast_in_dim3A_378] : memref<4x8x8x129xf32, #tpu.memory_space<vmem>>[vector<16xi32>, vector<16xi32>, vector<16xi32>, vector<16xi32>], vector<16xf32>,
        %mul3A_383 = arith.constant 4 : i32
        %mul3A_384 = arith.muli %scan3A_356, %mul3A_383 : i32
        %add3A_385 = arith.constant 3 : i32
        %add3A_386 = arith.addi %mul3A_384, %add3A_385 : i32
        %broadcast_in_dim3A_387 = vector.broadcast %add3A_386 : i32 to vector<16xi32>
        %gather3A_388 = tpu.vector_load_idx %arg8[%broadcast_in_dim3A_317, %shift_right_logical3A_5, %and3A_7, %broadcast_in_dim3A_387] : memref<4x8x8x129xf32, #tpu.memory_space<vmem>>[vector<16xi32>, vector<16xi32>, vector<16xi32>, vector<16xi32>], vector<16xf32>,
        %gather3A_389 = tpu.vector_load_idx %arg8[%broadcast_in_dim3A_317, %shift_right_logical3A_13, %and3A_16, %broadcast_in_dim3A_387] : memref<4x8x8x129xf32, #tpu.memory_space<vmem>>[vector<16xi32>, vector<16xi32>, vector<16xi32>, vector<16xi32>], vector<16xf32>,
        %gather3A_390 = tpu.vector_load_idx %arg8[%broadcast_in_dim3A_317, %shift_right_logical3A_22, %and3A_25, %broadcast_in_dim3A_387] : memref<4x8x8x129xf32, #tpu.memory_space<vmem>>[vector<16xi32>, vector<16xi32>, vector<16xi32>, vector<16xi32>], vector<16xf32>,
        %gather3A_391 = tpu.vector_load_idx %arg8[%broadcast_in_dim3A_317, %shift_right_logical3A_31, %and3A_34, %broadcast_in_dim3A_387] : memref<4x8x8x129xf32, #tpu.memory_space<vmem>>[vector<16xi32>, vector<16xi32>, vector<16xi32>, vector<16xi32>], vector<16xf32>,
        %swap3A = arith.index_cast %and3A_282 : i32 to index
        %swap3A_392 = arith.index_cast %add3A_360 : i32 to index
        %swap3A_393 = arith.constant 0 : index
        %swap3A_394 = tpu.vector_load %arg9[%swap3A, %swap3A_392, %swap3A_393] {strides = array<i32>} : memref<4x128x64xf32, #tpu.memory_space<vmem>>, vector<16xf32>,
        tpu.vector_store %arg9[%swap3A, %swap3A_392, %swap3A_393], %gather3A {strides = array<i32>} : memref<4x128x64xf32, #tpu.memory_space<vmem>>, vector<16xf32>,
        %swap3A_395 = arith.index_cast %and3A_282 : i32 to index
        %swap3A_396 = arith.index_cast %add3A_360 : i32 to index
        %swap3A_397 = arith.constant 16 : index
        %swap3A_398 = tpu.vector_load %arg9[%swap3A_395, %swap3A_396, %swap3A_397] {strides = array<i32>} : memref<4x128x64xf32, #tpu.memory_space<vmem>>, vector<16xf32>,
        tpu.vector_store %arg9[%swap3A_395, %swap3A_396, %swap3A_397], %gather3A_362 {strides = array<i32>} : memref<4x128x64xf32, #tpu.memory_space<vmem>>, vector<16xf32>,
        %swap3A_399 = arith.index_cast %and3A_282 : i32 to index
        %swap3A_400 = arith.index_cast %add3A_360 : i32 to index
        %swap3A_401 = arith.constant 32 : index
        %swap3A_402 = tpu.vector_load %arg9[%swap3A_399, %swap3A_400, %swap3A_401] {strides = array<i32>} : memref<4x128x64xf32, #tpu.memory_space<vmem>>, vector<16xf32>,
        tpu.vector_store %arg9[%swap3A_399, %swap3A_400, %swap3A_401], %gather3A_363 {strides = array<i32>} : memref<4x128x64xf32, #tpu.memory_space<vmem>>, vector<16xf32>,
        %swap3A_403 = arith.index_cast %and3A_282 : i32 to index
        %swap3A_404 = arith.index_cast %add3A_360 : i32 to index
        %swap3A_405 = arith.constant 48 : index
        %swap3A_406 = tpu.vector_load %arg9[%swap3A_403, %swap3A_404, %swap3A_405] {strides = array<i32>} : memref<4x128x64xf32, #tpu.memory_space<vmem>>, vector<16xf32>,
        tpu.vector_store %arg9[%swap3A_403, %swap3A_404, %swap3A_405], %gather3A_364 {strides = array<i32>} : memref<4x128x64xf32, #tpu.memory_space<vmem>>, vector<16xf32>,
        %swap3A_407 = arith.index_cast %and3A_282 : i32 to index
        %swap3A_408 = arith.index_cast %add3A_368 : i32 to index
        %swap3A_409 = arith.constant 0 : index
        %swap3A_410 = tpu.vector_load %arg9[%swap3A_407, %swap3A_408, %swap3A_409] {strides = array<i32>} : memref<4x128x64xf32, #tpu.memory_space<vmem>>, vector<16xf32>,
        tpu.vector_store %arg9[%swap3A_407, %swap3A_408, %swap3A_409], %gather3A_370 {strides = array<i32>} : memref<4x128x64xf32, #tpu.memory_space<vmem>>, vector<16xf32>,
        %swap3A_411 = arith.index_cast %and3A_282 : i32 to index
        %swap3A_412 = arith.index_cast %add3A_368 : i32 to index
        %swap3A_413 = arith.constant 16 : index
        %swap3A_414 = tpu.vector_load %arg9[%swap3A_411, %swap3A_412, %swap3A_413] {strides = array<i32>} : memref<4x128x64xf32, #tpu.memory_space<vmem>>, vector<16xf32>,
        tpu.vector_store %arg9[%swap3A_411, %swap3A_412, %swap3A_413], %gather3A_371 {strides = array<i32>} : memref<4x128x64xf32, #tpu.memory_space<vmem>>, vector<16xf32>,
        %swap3A_415 = arith.index_cast %and3A_282 : i32 to index
        %swap3A_416 = arith.index_cast %add3A_368 : i32 to index
        %swap3A_417 = arith.constant 32 : index
        %swap3A_418 = tpu.vector_load %arg9[%swap3A_415, %swap3A_416, %swap3A_417] {strides = array<i32>} : memref<4x128x64xf32, #tpu.memory_space<vmem>>, vector<16xf32>,
        tpu.vector_store %arg9[%swap3A_415, %swap3A_416, %swap3A_417], %gather3A_372 {strides = array<i32>} : memref<4x128x64xf32, #tpu.memory_space<vmem>>, vector<16xf32>,
        %swap3A_419 = arith.index_cast %and3A_282 : i32 to index
        %swap3A_420 = arith.index_cast %add3A_368 : i32 to index
        %swap3A_421 = arith.constant 48 : index
        %swap3A_422 = tpu.vector_load %arg9[%swap3A_419, %swap3A_420, %swap3A_421] {strides = array<i32>} : memref<4x128x64xf32, #tpu.memory_space<vmem>>, vector<16xf32>,
        tpu.vector_store %arg9[%swap3A_419, %swap3A_420, %swap3A_421], %gather3A_373 {strides = array<i32>} : memref<4x128x64xf32, #tpu.memory_space<vmem>>, vector<16xf32>,
        %swap3A_423 = arith.index_cast %and3A_282 : i32 to index
        %swap3A_424 = arith.index_cast %add3A_377 : i32 to index
        %swap3A_425 = arith.constant 0 : index
        %swap3A_426 = tpu.vector_load %arg9[%swap3A_423, %swap3A_424, %swap3A_425] {strides = array<i32>} : memref<4x128x64xf32, #tpu.memory_space<vmem>>, vector<16xf32>,
        tpu.vector_store %arg9[%swap3A_423, %swap3A_424, %swap3A_425], %gather3A_379 {strides = array<i32>} : memref<4x128x64xf32, #tpu.memory_space<vmem>>, vector<16xf32>,
        %swap3A_427 = arith.index_cast %and3A_282 : i32 to index
        %swap3A_428 = arith.index_cast %add3A_377 : i32 to index
        %swap3A_429 = arith.constant 16 : index
        %swap3A_430 = tpu.vector_load %arg9[%swap3A_427, %swap3A_428, %swap3A_429] {strides = array<i32>} : memref<4x128x64xf32, #tpu.memory_space<vmem>>, vector<16xf32>,
        tpu.vector_store %arg9[%swap3A_427, %swap3A_428, %swap3A_429], %gather3A_380 {strides = array<i32>} : memref<4x128x64xf32, #tpu.memory_space<vmem>>, vector<16xf32>,
        %swap3A_431 = arith.index_cast %and3A_282 : i32 to index
        %swap3A_432 = arith.index_cast %add3A_377 : i32 to index
        %swap3A_433 = arith.constant 32 : index
        %swap3A_434 = tpu.vector_load %arg9[%swap3A_431, %swap3A_432, %swap3A_433] {strides = array<i32>} : memref<4x128x64xf32, #tpu.memory_space<vmem>>, vector<16xf32>,
        tpu.vector_store %arg9[%swap3A_431, %swap3A_432, %swap3A_433], %gather3A_381 {strides = array<i32>} : memref<4x128x64xf32, #tpu.memory_space<vmem>>, vector<16xf32>,
        %swap3A_435 = arith.index_cast %and3A_282 : i32 to index
        %swap3A_436 = arith.index_cast %add3A_377 : i32 to index
        %swap3A_437 = arith.constant 48 : index
        %swap3A_438 = tpu.vector_load %arg9[%swap3A_435, %swap3A_436, %swap3A_437] {strides = array<i32>} : memref<4x128x64xf32, #tpu.memory_space<vmem>>, vector<16xf32>,
        tpu.vector_store %arg9[%swap3A_435, %swap3A_436, %swap3A_437], %gather3A_382 {strides = array<i32>} : memref<4x128x64xf32, #tpu.memory_space<vmem>>, vector<16xf32>,
        %swap3A_439 = arith.index_cast %and3A_282 : i32 to index
        %swap3A_440 = arith.index_cast %add3A_386 : i32 to index
        %swap3A_441 = arith.constant 0 : index
        %swap3A_442 = tpu.vector_load %arg9[%swap3A_439, %swap3A_440, %swap3A_441] {strides = array<i32>} : memref<4x128x64xf32, #tpu.memory_space<vmem>>, vector<16xf32>,
        tpu.vector_store %arg9[%swap3A_439, %swap3A_440, %swap3A_441], %gather3A_388 {strides = array<i32>} : memref<4x128x64xf32, #tpu.memory_space<vmem>>, vector<16xf32>,
        %swap3A_443 = arith.index_cast %and3A_282 : i32 to index
        %swap3A_444 = arith.index_cast %add3A_386 : i32 to index
        %swap3A_445 = arith.constant 16 : index
        %swap3A_446 = tpu.vector_load %arg9[%swap3A_443, %swap3A_444, %swap3A_445] {strides = array<i32>} : memref<4x128x64xf32, #tpu.memory_space<vmem>>, vector<16xf32>,
        tpu.vector_store %arg9[%swap3A_443, %swap3A_444, %swap3A_445], %gather3A_389 {strides = array<i32>} : memref<4x128x64xf32, #tpu.memory_space<vmem>>, vector<16xf32>,
        %swap3A_447 = arith.index_cast %and3A_282 : i32 to index
        %swap3A_448 = arith.index_cast %add3A_386 : i32 to index
        %swap3A_449 = arith.constant 32 : index
        %swap3A_450 = tpu.vector_load %arg9[%swap3A_447, %swap3A_448, %swap3A_449] {strides = array<i32>} : memref<4x128x64xf32, #tpu.memory_space<vmem>>, vector<16xf32>,
        tpu.vector_store %arg9[%swap3A_447, %swap3A_448, %swap3A_449], %gather3A_390 {strides = array<i32>} : memref<4x128x64xf32, #tpu.memory_space<vmem>>, vector<16xf32>,
        %swap3A_451 = arith.index_cast %and3A_282 : i32 to index
        %swap3A_452 = arith.index_cast %add3A_386 : i32 to index
        %swap3A_453 = arith.constant 48 : index
        %swap3A_454 = tpu.vector_load %arg9[%swap3A_451, %swap3A_452, %swap3A_453] {strides = array<i32>} : memref<4x128x64xf32, #tpu.memory_space<vmem>>, vector<16xf32>,
        tpu.vector_store %arg9[%swap3A_451, %swap3A_452, %swap3A_453], %gather3A_391 {strides = array<i32>} : memref<4x128x64xf32, #tpu.memory_space<vmem>>, vector<16xf32>,
      }
      %scan3A_323 = arith.constant 32 : i32
      %shift_right_logical3A_324 = arith.constant 1 : i32
      %shift_right_logical3A_325 = arith.shrui %scan3A_280, %shift_right_logical3A_324 : i32
      %add3A_326 = arith.addi %mul3A_1, %shift_right_logical3A_325 : i32
      %mul3A_327 = arith.constant 4096 : i32
      %mul3A_328 = arith.muli %add3A_326, %mul3A_327 : i32
      %mul3A_329 = arith.constant 2 : i32
      %mul3A_330 = arith.muli %mul3A_329, %arg1 : i32
      %and3A_331 = arith.constant 1 : i32
      %and3A_332 = arith.andi %scan3A_280, %and3A_331 : i32
      %add3A_333 = arith.addi %mul3A_330, %and3A_332 : i32
      %mul3A_334 = arith.constant 128 : i32
      %mul3A_335 = arith.muli %add3A_333, %mul3A_334 : i32
      %add3A_336 = arith.addi %mul3A_328, %mul3A_335 : i32
      %dma_start3A = arith.constant 0 : i32
      %dma_start3A_337 = arith.constant 0 : i32
      %dma_start3A_338 = tpu.memref_slice %arg9[%and3A_282, %dma_start3A, %dma_start3A_337] : memref<4x128x64xf32, #tpu.memory_space<vmem>> -> memref<1x128x64xf32, #tpu.memory_space<vmem>>
      %dma_start3A_339 = tpu.memref_squeeze %dma_start3A_338 : memref<1x128x64xf32, #tpu.memory_space<vmem>> -> memref<128x64xf32, #tpu.memory_space<vmem>>
      %dma_start3A_340 = arith.constant 0 : i32
      %dma_start3A_341 = tpu.memref_slice %arg6[%add3A_336, %dma_start3A_340] : memref<524288x64xf32, #tpu.memory_space<hbm>> -> memref<128x64xf32, #tpu.memory_space<hbm>>
      %dma_start3A_342 = tpu.memref_slice %arg17[%and3A_282] : memref<2x!tpu.dma_semaphore, #tpu.memory_space<semaphore_mem>> -> memref<1x!tpu.dma_semaphore, #tpu.memory_space<semaphore_mem>>
      %dma_start3A_343 = tpu.memref_squeeze %dma_start3A_342 : memref<1x!tpu.dma_semaphore, #tpu.memory_space<semaphore_mem>> -> memref<!tpu.dma_semaphore, #tpu.memory_space<semaphore_mem>>
      %dma_start3A_344 = arith.constant 0 : i32
      %dma_start3A_345 = tpu.memref_slice %arg6[%add3A_336, %dma_start3A_344] : memref<524288x64xf32, #tpu.memory_space<hbm>> -> memref<128x64xf32, #tpu.memory_space<hbm>>
      %dma_start3A_346 = arith.constant 0 : i32
      %dma_start3A_347 = arith.constant 0 : i32
      %dma_start3A_348 = tpu.memref_slice %arg9[%and3A_282, %dma_start3A_346, %dma_start3A_347] : memref<4x128x64xf32, #tpu.memory_space<vmem>> -> memref<1x128x64xf32, #tpu.memory_space<vmem>>
      %dma_start3A_349 = tpu.memref_squeeze %dma_start3A_348 : memref<1x128x64xf32, #tpu.memory_space<vmem>> -> memref<128x64xf32, #tpu.memory_space<vmem>>
      tpu.enqueue_dma source(%dma_start3A_349 : memref<128x64xf32, #tpu.memory_space<vmem>>) target(%dma_start3A_345 : memref<128x64xf32, #tpu.memory_space<hbm>>) target_semaphore(%dma_start3A_343 : memref<!tpu.dma_semaphore, #tpu.memory_space<semaphore_mem>>)
      %add3A_350 = arith.constant 4 : i32
      %add3A_351 = arith.addi %scan3A_280, %add3A_350 : i32
      %lt3A = arith.constant 128 : i32
      %lt3A_352 = arith.cmpi slt, %add3A_351, %lt3A : i32
      %convert_element_type3A_353 = arith.extui %lt3A_352 : i1 to i32
      %cond3A_354 = arith.constant 0 : i32
      %cond3A_355 = arith.cmpi ne, %convert_element_type3A_353, %cond3A_354 : i32
      scf.if %cond3A_355 {
        %add3A_356 = arith.constant 4 : i32
        %add3A_357 = arith.addi %scan3A_280, %add3A_356 : i32
        %shift_right_logical3A_358 = arith.constant 1 : i32
        %shift_right_logical3A_359 = arith.shrui %add3A_357, %shift_right_logical3A_358 : i32
        %add3A_360 = arith.addi %mul3A_1, %shift_right_logical3A_359 : i32
        %mul3A_361 = arith.constant 2 : i32
        %mul3A_362 = arith.muli %mul3A_361, %arg1 : i32
        %and3A_363 = arith.constant 1 : i32
        %and3A_364 = arith.andi %add3A_357, %and3A_363 : i32
        %add3A_365 = arith.addi %mul3A_362, %and3A_364 : i32
        %eq3A_366 = arith.cmpi eq, %add3A_360, %squeeze3A : i32
        %convert_element_type3A_367 = arith.extui %eq3A_366 : i1 to i32
        %cond3A_368 = arith.constant 0 : i32
        %cond3A_369 = arith.cmpi ne, %convert_element_type3A_367, %cond3A_368 : i32
        scf.if %cond3A_369 {
          %dma_start3A_374 = arith.constant 0 : i32
          %dma_start3A_375 = arith.constant 0 : i32
          %dma_start3A_376 = arith.constant 0 : i32
          %dma_start3A_377 = tpu.memref_slice %arg8[%and3A_282, %dma_start3A_374, %dma_start3A_375, %dma_start3A_376] : memref<4x8x8x129xf32, #tpu.memory_space<vmem>> -> memref<1x8x8x128xf32, #tpu.memory_space<vmem>>
          %dma_start3A_378 = tpu.memref_squeeze %dma_start3A_377 : memref<1x8x8x128xf32, #tpu.memory_space<vmem>> -> memref<8x8x128xf32, #tpu.memory_space<vmem>>
          %dma_start3A_379 = arith.constant 0 : i32
          %dma_start3A_380 = arith.constant 0 : i32
          %dma_start3A_381 = arith.constant 0 : i32
          %dma_start3A_382 = tpu.memref_slice %arg3[%dma_start3A_379, %add3A_365, %dma_start3A_380, %dma_start3A_381] : memref<8x32x8x128xf32, #tpu.memory_space<hbm>> -> memref<8x1x8x128xf32, #tpu.memory_space<hbm>>
          %dma_start3A_383 = tpu.memref_squeeze %dma_start3A_382 : memref<8x1x8x128xf32, #tpu.memory_space<hbm>> -> memref<8x8x128xf32, #tpu.memory_space<hbm>>
          %dma_start3A_384 = tpu.memref_slice %arg16[%and3A_282] : memref<2x!tpu.dma_semaphore, #tpu.memory_space<semaphore_mem>> -> memref<1x!tpu.dma_semaphore, #tpu.memory_space<semaphore_mem>>
          %dma_start3A_385 = tpu.memref_squeeze %dma_start3A_384 : memref<1x!tpu.dma_semaphore, #tpu.memory_space<semaphore_mem>> -> memref<!tpu.dma_semaphore, #tpu.memory_space<semaphore_mem>>
          %dma_start3A_386 = arith.constant 0 : i32
          %dma_start3A_387 = arith.constant 0 : i32
          %dma_start3A_388 = arith.constant 0 : i32
          %dma_start3A_389 = tpu.memref_slice %arg8[%and3A_282, %dma_start3A_386, %dma_start3A_387, %dma_start3A_388] : memref<4x8x8x129xf32, #tpu.memory_space<vmem>> -> memref<1x8x8x128xf32, #tpu.memory_space<vmem>>
          %dma_start3A_390 = tpu.memref_squeeze %dma_start3A_389 : memref<1x8x8x128xf32, #tpu.memory_space<vmem>> -> memref<8x8x128xf32, #tpu.memory_space<vmem>>
          %dma_start3A_391 = arith.constant 0 : i32
          %dma_start3A_392 = arith.constant 0 : i32
          %dma_start3A_393 = arith.constant 0 : i32
          %dma_start3A_394 = tpu.memref_slice %arg3[%dma_start3A_391, %add3A_365, %dma_start3A_392, %dma_start3A_393] : memref<8x32x8x128xf32, #tpu.memory_space<hbm>> -> memref<8x1x8x128xf32, #tpu.memory_space<hbm>>
          %dma_start3A_395 = tpu.memref_squeeze %dma_start3A_394 : memref<8x1x8x128xf32, #tpu.memory_space<hbm>> -> memref<8x8x128xf32, #tpu.memory_space<hbm>>
          tpu.enqueue_dma source(%dma_start3A_395 : memref<8x8x128xf32, #tpu.memory_space<hbm>>) target(%dma_start3A_390 : memref<8x8x128xf32, #tpu.memory_space<vmem>>) target_semaphore(%dma_start3A_385 : memref<!tpu.dma_semaphore, #tpu.memory_space<semaphore_mem>>)
        } else {
        }
        %ne3A_370 = arith.cmpi ne, %add3A_360, %squeeze3A : i32
        %convert_element_type3A_371 = arith.extui %ne3A_370 : i1 to i32
        %cond3A_372 = arith.constant 0 : i32
        %cond3A_373 = arith.cmpi ne, %convert_element_type3A_371, %cond3A_372 : i32
        scf.if %cond3A_373 {
          %dma_start3A_374 = arith.constant 0 : i32
          %dma_start3A_375 = arith.constant 0 : i32
          %dma_start3A_376 = arith.constant 0 : i32
          %dma_start3A_377 = tpu.memref_slice %arg8[%and3A_282, %dma_start3A_374, %dma_start3A_375, %dma_start3A_376] : memref<4x8x8x129xf32, #tpu.memory_space<vmem>> -> memref<1x8x8x128xf32, #tpu.memory_space<vmem>>
          %dma_start3A_378 = tpu.memref_squeeze %dma_start3A_377 : memref<1x8x8x128xf32, #tpu.memory_space<vmem>> -> memref<8x8x128xf32, #tpu.memory_space<vmem>>
          %dma_start3A_379 = arith.constant 0 : i32
          %dma_start3A_380 = arith.constant 0 : i32
          %dma_start3A_381 = arith.constant 0 : i32
          %dma_start3A_382 = tpu.memref_slice %arg2[%add3A_360, %dma_start3A_379, %add3A_365, %dma_start3A_380, %dma_start3A_381] : memref<128x8x32x8x128xf32, #tpu.memory_space<hbm>> -> memref<1x8x1x8x128xf32, #tpu.memory_space<hbm>>
          %dma_start3A_383 = tpu.memref_squeeze %dma_start3A_382 : memref<1x8x1x8x128xf32, #tpu.memory_space<hbm>> -> memref<8x8x128xf32, #tpu.memory_space<hbm>>
          %dma_start3A_384 = tpu.memref_slice %arg16[%and3A_282] : memref<2x!tpu.dma_semaphore, #tpu.memory_space<semaphore_mem>> -> memref<1x!tpu.dma_semaphore, #tpu.memory_space<semaphore_mem>>
          %dma_start3A_385 = tpu.memref_squeeze %dma_start3A_384 : memref<1x!tpu.dma_semaphore, #tpu.memory_space<semaphore_mem>> -> memref<!tpu.dma_semaphore, #tpu.memory_space<semaphore_mem>>
          %dma_start3A_386 = arith.constant 0 : i32
          %dma_start3A_387 = arith.constant 0 : i32
          %dma_start3A_388 = arith.constant 0 : i32
          %dma_start3A_389 = tpu.memref_slice %arg8[%and3A_282, %dma_start3A_386, %dma_start3A_387, %dma_start3A_388] : memref<4x8x8x129xf32, #tpu.memory_space<vmem>> -> memref<1x8x8x128xf32, #tpu.memory_space<vmem>>
          %dma_start3A_390 = tpu.memref_squeeze %dma_start3A_389 : memref<1x8x8x128xf32, #tpu.memory_space<vmem>> -> memref<8x8x128xf32, #tpu.memory_space<vmem>>
          %dma_start3A_391 = arith.constant 0 : i32
          %dma_start3A_392 = arith.constant 0 : i32
          %dma_start3A_393 = arith.constant 0 : i32
          %dma_start3A_394 = tpu.memref_slice %arg2[%add3A_360, %dma_start3A_391, %add3A_365, %dma_start3A_392, %dma_start3A_393] : memref<128x8x32x8x128xf32, #tpu.memory_space<hbm>> -> memref<1x8x1x8x128xf32, #tpu.memory_space<hbm>>
          %dma_start3A_395 = tpu.memref_squeeze %dma_start3A_394 : memref<1x8x1x8x128xf32, #tpu.memory_space<hbm>> -> memref<8x8x128xf32, #tpu.memory_space<hbm>>
          tpu.enqueue_dma source(%dma_start3A_395 : memref<8x8x128xf32, #tpu.memory_space<hbm>>) target(%dma_start3A_390 : memref<8x8x128xf32, #tpu.memory_space<vmem>>) target_semaphore(%dma_start3A_385 : memref<!tpu.dma_semaphore, #tpu.memory_space<semaphore_mem>>)
        } else {
        }
      } else {
      }
    }
    %scan3A_115 = arith.constant 128 : i32
    %shift_right_logical3A_116 = arith.constant 124 : i32
    %shift_right_logical3A_117 = arith.constant 1 : i32
    %shift_right_logical3A_118 = arith.shrui %shift_right_logical3A_116, %shift_right_logical3A_117 : i32
    %add3A_119 = arith.addi %mul3A_1, %shift_right_logical3A_118 : i32
    %mul3A_120 = arith.constant 4096 : i32
    %mul3A_121 = arith.muli %add3A_119, %mul3A_120 : i32
    %mul3A_122 = arith.constant 2 : i32
    %mul3A_123 = arith.muli %mul3A_122, %arg1 : i32
    %and3A_124 = arith.constant 124 : i32
    %and3A_125 = arith.constant 1 : i32
    %and3A_126 = arith.andi %and3A_124, %and3A_125 : i32
    %add3A_127 = arith.addi %mul3A_123, %and3A_126 : i32
    %mul3A_128 = arith.constant 128 : i32
    %mul3A_129 = arith.muli %add3A_127, %mul3A_128 : i32
    %add3A_130 = arith.addi %mul3A_121, %mul3A_129 : i32
    %dma_wait3A = arith.constant 0 : i32
    %dma_wait3A_131 = arith.constant 0 : i32
    %dma_wait3A_132 = arith.constant 0 : i32
    %dma_wait3A_133 = arith.constant 0 : i32
    %dma_wait3A_134 = tpu.memref_slice %arg9[%dma_wait3A, %dma_wait3A_132, %dma_wait3A_133] : memref<4x128x64xf32, #tpu.memory_space<vmem>> -> memref<1x128x64xf32, #tpu.memory_space<vmem>>
    %dma_wait3A_135 = tpu.memref_squeeze %dma_wait3A_134 : memref<1x128x64xf32, #tpu.memory_space<vmem>> -> memref<128x64xf32, #tpu.memory_space<vmem>>
    %dma_wait3A_136 = arith.constant 0 : i32
    %dma_wait3A_137 = tpu.memref_slice %arg6[%add3A_130, %dma_wait3A_136] : memref<524288x64xf32, #tpu.memory_space<hbm>> -> memref<128x64xf32, #tpu.memory_space<hbm>>
    %dma_wait3A_138 = tpu.memref_slice %arg17[%dma_wait3A_131] : memref<2x!tpu.dma_semaphore, #tpu.memory_space<semaphore_mem>> -> memref<1x!tpu.dma_semaphore, #tpu.memory_space<semaphore_mem>>
    %dma_wait3A_139 = tpu.memref_squeeze %dma_wait3A_138 : memref<1x!tpu.dma_semaphore, #tpu.memory_space<semaphore_mem>> -> memref<!tpu.dma_semaphore, #tpu.memory_space<semaphore_mem>>
    %dma_wait3A_140 = arith.constant 0 : i32
    %dma_wait3A_141 = tpu.memref_slice %arg6[%add3A_130, %dma_wait3A_140] : memref<524288x64xf32, #tpu.memory_space<hbm>> -> memref<128x64xf32, #tpu.memory_space<hbm>>
    %dma_wait3A_142 = arith.constant 0 : i32
    %dma_wait3A_143 = arith.constant 0 : i32
    %dma_wait3A_144 = tpu.memref_slice %arg9[%dma_wait3A, %dma_wait3A_142, %dma_wait3A_143] : memref<4x128x64xf32, #tpu.memory_space<vmem>> -> memref<1x128x64xf32, #tpu.memory_space<vmem>>
    %dma_wait3A_145 = tpu.memref_squeeze %dma_wait3A_144 : memref<1x128x64xf32, #tpu.memory_space<vmem>> -> memref<128x64xf32, #tpu.memory_space<vmem>>
    tpu.wait_dma2 semaphore(%dma_wait3A_139 : memref<!tpu.dma_semaphore, #tpu.memory_space<semaphore_mem>>) src(%dma_wait3A_145 : memref<128x64xf32, #tpu.memory_space<vmem>>) dst(%dma_wait3A_141 : memref<128x64xf32, #tpu.memory_space<hbm>>)
    %shift_right_logical3A_146 = arith.constant 125 : i32
    %shift_right_logical3A_147 = arith.constant 1 : i32
    %shift_right_logical3A_148 = arith.shrui %shift_right_logical3A_146, %shift_right_logical3A_147 : i32
    %add3A_149 = arith.addi %mul3A_1, %shift_right_logical3A_148 : i32
    %mul3A_150 = arith.constant 4096 : i32
    %mul3A_151 = arith.muli %add3A_149, %mul3A_150 : i32
    %mul3A_152 = arith.constant 2 : i32
    %mul3A_153 = arith.muli %mul3A_152, %arg1 : i32
    %and3A_154 = arith.constant 125 : i32
    %and3A_155 = arith.constant 1 : i32
    %and3A_156 = arith.andi %and3A_154, %and3A_155 : i32
    %add3A_157 = arith.addi %mul3A_153, %and3A_156 : i32
    %mul3A_158 = arith.constant 128 : i32
    %mul3A_159 = arith.muli %add3A_157, %mul3A_158 : i32
    %add3A_160 = arith.addi %mul3A_151, %mul3A_159 : i32
    %dma_wait3A_161 = arith.constant 1 : i32
    %dma_wait3A_162 = arith.constant 1 : i32
    %dma_wait3A_163 = arith.constant 0 : i32
    %dma_wait3A_164 = arith.constant 0 : i32
    %dma_wait3A_165 = tpu.memref_slice %arg9[%dma_wait3A_161, %dma_wait3A_163, %dma_wait3A_164] : memref<4x128x64xf32, #tpu.memory_space<vmem>> -> memref<1x128x64xf32, #tpu.memory_space<vmem>>
    %dma_wait3A_166 = tpu.memref_squeeze %dma_wait3A_165 : memref<1x128x64xf32, #tpu.memory_space<vmem>> -> memref<128x64xf32, #tpu.memory_space<vmem>>
    %dma_wait3A_167 = arith.constant 0 : i32
    %dma_wait3A_168 = tpu.memref_slice %arg6[%add3A_160, %dma_wait3A_167] : memref<524288x64xf32, #tpu.memory_space<hbm>> -> memref<128x64xf32, #tpu.memory_space<hbm>>
    %dma_wait3A_169 = tpu.memref_slice %arg17[%dma_wait3A_162] : memref<2x!tpu.dma_semaphore, #tpu.memory_space<semaphore_mem>> -> memref<1x!tpu.dma_semaphore, #tpu.memory_space<semaphore_mem>>
    %dma_wait3A_170 = tpu.memref_squeeze %dma_wait3A_169 : memref<1x!tpu.dma_semaphore, #tpu.memory_space<semaphore_mem>> -> memref<!tpu.dma_semaphore, #tpu.memory_space<semaphore_mem>>
    %dma_wait3A_171 = arith.constant 0 : i32
    %dma_wait3A_172 = tpu.memref_slice %arg6[%add3A_160, %dma_wait3A_171] : memref<524288x64xf32, #tpu.memory_space<hbm>> -> memref<128x64xf32, #tpu.memory_space<hbm>>
    %dma_wait3A_173 = arith.constant 0 : i32
    %dma_wait3A_174 = arith.constant 0 : i32
    %dma_wait3A_175 = tpu.memref_slice %arg9[%dma_wait3A_161, %dma_wait3A_173, %dma_wait3A_174] : memref<4x128x64xf32, #tpu.memory_space<vmem>> -> memref<1x128x64xf32, #tpu.memory_space<vmem>>
    %dma_wait3A_176 = tpu.memref_squeeze %dma_wait3A_175 : memref<1x128x64xf32, #tpu.memory_space<vmem>> -> memref<128x64xf32, #tpu.memory_space<vmem>>
    tpu.wait_dma2 semaphore(%dma_wait3A_170 : memref<!tpu.dma_semaphore, #tpu.memory_space<semaphore_mem>>) src(%dma_wait3A_176 : memref<128x64xf32, #tpu.memory_space<vmem>>) dst(%dma_wait3A_172 : memref<128x64xf32, #tpu.memory_space<hbm>>)
    %shift_right_logical3A_177 = arith.constant 126 : i32
    %shift_right_logical3A_178 = arith.constant 1 : i32
    %shift_right_logical3A_179 = arith.shrui %shift_right_logical3A_177, %shift_right_logical3A_178 : i32
    %add3A_180 = arith.addi %mul3A_1, %shift_right_logical3A_179 : i32
    %mul3A_181 = arith.constant 4096 : i32
    %mul3A_182 = arith.muli %add3A_180, %mul3A_181 : i32
    %mul3A_183 = arith.constant 2 : i32
    %mul3A_184 = arith.muli %mul3A_183, %arg1 : i32
    %and3A_185 = arith.constant 126 : i32
    %and3A_186 = arith.constant 1 : i32
    %and3A_187 = arith.andi %and3A_185, %and3A_186 : i32
    %add3A_188 = arith.addi %mul3A_184, %and3A_187 : i32
    %mul3A_189 = arith.constant 128 : i32
    %mul3A_190 = arith.muli %add3A_188, %mul3A_189 : i32
    %add3A_191 = arith.addi %mul3A_182, %mul3A_190 : i32
    %dma_wait3A_192 = arith.constant 2 : i32
    %dma_wait3A_193 = arith.constant 2 : i32
    %dma_wait3A_194 = arith.constant 0 : i32
    %dma_wait3A_195 = arith.constant 0 : i32
    %dma_wait3A_196 = tpu.memref_slice %arg9[%dma_wait3A_192, %dma_wait3A_194, %dma_wait3A_195] : memref<4x128x64xf32, #tpu.memory_space<vmem>> -> memref<1x128x64xf32, #tpu.memory_space<vmem>>
    %dma_wait3A_197 = tpu.memref_squeeze %dma_wait3A_196 : memref<1x128x64xf32, #tpu.memory_space<vmem>> -> memref<128x64xf32, #tpu.memory_space<vmem>>
    %dma_wait3A_198 = arith.constant 0 : i32
    %dma_wait3A_199 = tpu.memref_slice %arg6[%add3A_191, %dma_wait3A_198] : memref<524288x64xf32, #tpu.memory_space<hbm>> -> memref<128x64xf32, #tpu.memory_space<hbm>>
    %dma_wait3A_200 = tpu.memref_slice %arg17[%dma_wait3A_193] : memref<2x!tpu.dma_semaphore, #tpu.memory_space<semaphore_mem>> -> memref<1x!tpu.dma_semaphore, #tpu.memory_space<semaphore_mem>>
    %dma_wait3A_201 = tpu.memref_squeeze %dma_wait3A_200 : memref<1x!tpu.dma_semaphore, #tpu.memory_space<semaphore_mem>> -> memref<!tpu.dma_semaphore, #tpu.memory_space<semaphore_mem>>
    %dma_wait3A_202 = arith.constant 0 : i32
    %dma_wait3A_203 = tpu.memref_slice %arg6[%add3A_191, %dma_wait3A_202] : memref<524288x64xf32, #tpu.memory_space<hbm>> -> memref<128x64xf32, #tpu.memory_space<hbm>>
    %dma_wait3A_204 = arith.constant 0 : i32
    %dma_wait3A_205 = arith.constant 0 : i32
    %dma_wait3A_206 = tpu.memref_slice %arg9[%dma_wait3A_192, %dma_wait3A_204, %dma_wait3A_205] : memref<4x128x64xf32, #tpu.memory_space<vmem>> -> memref<1x128x64xf32, #tpu.memory_space<vmem>>
    %dma_wait3A_207 = tpu.memref_squeeze %dma_wait3A_206 : memref<1x128x64xf32, #tpu.memory_space<vmem>> -> memref<128x64xf32, #tpu.memory_space<vmem>>
    tpu.wait_dma2 semaphore(%dma_wait3A_201 : memref<!tpu.dma_semaphore, #tpu.memory_space<semaphore_mem>>) src(%dma_wait3A_207 : memref<128x64xf32, #tpu.memory_space<vmem>>) dst(%dma_wait3A_203 : memref<128x64xf32, #tpu.memory_space<hbm>>)
    %shift_right_logical3A_208 = arith.constant 127 : i32
    %shift_right_logical3A_209 = arith.constant 1 : i32
    %shift_right_logical3A_210 = arith.shrui %shift_right_logical3A_208, %shift_right_logical3A_209 : i32
    %add3A_211 = arith.addi %mul3A_1, %shift_right_logical3A_210 : i32
    %mul3A_212 = arith.constant 4096 : i32
    %mul3A_213 = arith.muli %add3A_211, %mul3A_212 : i32
    %mul3A_214 = arith.constant 2 : i32
    %mul3A_215 = arith.muli %mul3A_214, %arg1 : i32
    %and3A_216 = arith.constant 127 : i32
    %and3A_217 = arith.constant 1 : i32
    %and3A_218 = arith.andi %and3A_216, %and3A_217 : i32
    %add3A_219 = arith.addi %mul3A_215, %and3A_218 : i32
    %mul3A_220 = arith.constant 128 : i32
    %mul3A_221 = arith.muli %add3A_219, %mul3A_220 : i32
    %add3A_222 = arith.addi %mul3A_213, %mul3A_221 : i32
    %dma_wait3A_223 = arith.constant 3 : i32
    %dma_wait3A_224 = arith.constant 3 : i32
    %dma_wait3A_225 = arith.constant 0 : i32
    %dma_wait3A_226 = arith.constant 0 : i32
    %dma_wait3A_227 = tpu.memref_slice %arg9[%dma_wait3A_223, %dma_wait3A_225, %dma_wait3A_226] : memref<4x128x64xf32, #tpu.memory_space<vmem>> -> memref<1x128x64xf32, #tpu.memory_space<vmem>>
    %dma_wait3A_228 = tpu.memref_squeeze %dma_wait3A_227 : memref<1x128x64xf32, #tpu.memory_space<vmem>> -> memref<128x64xf32, #tpu.memory_space<vmem>>
    %dma_wait3A_229 = arith.constant 0 : i32
    %dma_wait3A_230 = tpu.memref_slice %arg6[%add3A_222, %dma_wait3A_229] : memref<524288x64xf32, #tpu.memory_space<hbm>> -> memref<128x64xf32, #tpu.memory_space<hbm>>
    %dma_wait3A_231 = tpu.memref_slice %arg17[%dma_wait3A_224] : memref<2x!tpu.dma_semaphore, #tpu.memory_space<semaphore_mem>> -> memref<1x!tpu.dma_semaphore, #tpu.memory_space<semaphore_mem>>
    %dma_wait3A_232 = tpu.memref_squeeze %dma_wait3A_231 : memref<1x!tpu.dma_semaphore, #tpu.memory_space<semaphore_mem>> -> memref<!tpu.dma_semaphore, #tpu.memory_space<semaphore_mem>>
    %dma_wait3A_233 = arith.constant 0 : i32
    %dma_wait3A_234 = tpu.memref_slice %arg6[%add3A_222, %dma_wait3A_233] : memref<524288x64xf32, #tpu.memory_space<hbm>> -> memref<128x64xf32, #tpu.memory_space<hbm>>
    %dma_wait3A_235 = arith.constant 0 : i32
    %dma_wait3A_236 = arith.constant 0 : i32
    %dma_wait3A_237 = tpu.memref_slice %arg9[%dma_wait3A_223, %dma_wait3A_235, %dma_wait3A_236] : memref<4x128x64xf32, #tpu.memory_space<vmem>> -> memref<1x128x64xf32, #tpu.memory_space<vmem>>
    %dma_wait3A_238 = tpu.memref_squeeze %dma_wait3A_237 : memref<1x128x64xf32, #tpu.memory_space<vmem>> -> memref<128x64xf32, #tpu.memory_space<vmem>>
    tpu.wait_dma2 semaphore(%dma_wait3A_232 : memref<!tpu.dma_semaphore, #tpu.memory_space<semaphore_mem>>) src(%dma_wait3A_238 : memref<128x64xf32, #tpu.memory_space<vmem>>) dst(%dma_wait3A_234 : memref<128x64xf32, #tpu.memory_space<hbm>>)
    %barrier3A = arith.constant 0 : index
    tpu.barrier barrier_id(%barrier3A)
    %mul3A_239 = arith.constant 32 : i32
    %mul3A_240 = arith.muli %arg1, %mul3A_239 : i32
    "tpu.region"() ({
      %run_scoped3A = tpu.sem_alloc : memref<!tpu.dma_semaphore, #tpu.memory_space<semaphore_mem>>
      %dma_start3A = arith.constant 0 : i32
      %dma_start3A_280 = tpu.memref_slice %arg5[%mul3A_240, %dma_start3A] : memref<512x128xi32, #tpu.memory_space<hbm>> -> memref<32x128xi32, #tpu.memory_space<hbm>>
      %dma_start3A_281 = arith.constant 0 : i32
      %dma_start3A_282 = tpu.memref_slice %arg5[%mul3A_240, %dma_start3A_281] : memref<512x128xi32, #tpu.memory_space<hbm>> -> memref<32x128xi32, #tpu.memory_space<hbm>>
      tpu.enqueue_dma source(%dma_start3A_282 : memref<32x128xi32, #tpu.memory_space<hbm>>) target(%arg11 : memref<32x128xi32, #tpu.memory_space<vmem>>) target_semaphore(%run_scoped3A : memref<!tpu.dma_semaphore, #tpu.memory_space<semaphore_mem>>)
      %dma_wait3A_283 = arith.constant 0 : i32
      %dma_wait3A_284 = tpu.memref_slice %arg5[%mul3A_240, %dma_wait3A_283] : memref<512x128xi32, #tpu.memory_space<hbm>> -> memref<32x128xi32, #tpu.memory_space<hbm>>
      %dma_wait3A_285 = arith.constant 0 : i32
      %dma_wait3A_286 = tpu.memref_slice %arg5[%mul3A_240, %dma_wait3A_285] : memref<512x128xi32, #tpu.memory_space<hbm>> -> memref<32x128xi32, #tpu.memory_space<hbm>>
      tpu.wait_dma2 semaphore(%run_scoped3A : memref<!tpu.dma_semaphore, #tpu.memory_space<semaphore_mem>>) src(%dma_wait3A_286 : memref<32x128xi32, #tpu.memory_space<hbm>>) dst(%arg11 : memref<32x128xi32, #tpu.memory_space<vmem>>)
      tpu.yield
    }) : () -> ()
    %broadcast_in_dim3A = vector.broadcast %mul3A_1 : i32 to vector<16xi32>
    %scan3A_241 = arith.constant 0 : i32
    %scan3A_242 = arith.constant 0 : i32
    %scan3A_243 = arith.constant 256 : i32
    %scan3A_244 = arith.addi %scan3A_242, %scan3A_243 : i32
    %scan3A_245 = arith.constant 1 : i32
    %scan3A_246 = scf.for %scan3A_280 = %scan3A_242 to %scan3A_244 step %scan3A_245 iter_args(%scan3A_281 = %scan3A_241) -> (i32)  : i32 {
      %shift_right_logical3A_282 = arith.constant 3 : i32
      %shift_right_logical3A_283 = arith.shrui %scan3A_280, %shift_right_logical3A_282 : i32
      %and3A_284 = arith.constant 7 : i32
      %and3A_285 = arith.andi %scan3A_280, %and3A_284 : i32
      %mul3A_286 = arith.constant 16 : i32
      %mul3A_287 = arith.muli %and3A_285, %mul3A_286 : i32
      %get3A_288 = arith.index_cast %shift_right_logical3A_283 : i32 to index
      %get3A_289 = arith.index_cast %mul3A_287 : i32 to index
      %get3A_290 = tpu.vector_load %arg11[%get3A_288, %get3A_289] {strides = array<i32>} : memref<32x128xi32, #tpu.memory_space<vmem>>, vector<16xi32>,
      %shift_right_logical3A_291 = arith.constant 12 : i32
      %shift_right_logical3A_292 = vector.broadcast %shift_right_logical3A_291 : i32 to vector<16xi32>
      %shift_right_logical3A_293 = arith.shrui %get3A_290, %shift_right_logical3A_292 : vector<16xi32>
      %ge3A = arith.cmpi sge, %shift_right_logical3A_293, %broadcast_in_dim3A : vector<16xi32>
      %add3A_294 = arith.constant 64 : i32
      %add3A_295 = vector.broadcast %add3A_294 : i32 to vector<16xi32>
      %add3A_296 = arith.addi %broadcast_in_dim3A, %add3A_295 : vector<16xi32>
      %lt3A = arith.cmpi slt, %shift_right_logical3A_293, %add3A_296 : vector<16xi32>
      %and3A_297 = arith.andi %ge3A, %lt3A : vector<16xi1>
      %convert_element_type3A_298 = arith.extui %and3A_297 : vector<16xi1> to vector<16xi32>
      %reduce_sum3A = arith.constant true
      %reduce_sum3A_299 = vector.broadcast %reduce_sum3A : i1 to vector<16xi1>
      %reduce_sum3A_300 = tpu.scan <sum>, %convert_element_type3A_298 masked %reduce_sum3A_299 : vector<16xi32>, vector<16xi1> -> vector<16xi32>
      %reduce_sum3A_301 = vector.extract %reduce_sum3A_300[15] : i32 from vector<16xi32>
      %gt3A_302 = arith.constant 0 : i32
      %gt3A_303 = arith.cmpi sgt, %reduce_sum3A_301, %gt3A_302 : i32
      %convert_element_type3A_304 = arith.extui %gt3A_303 : i1 to i32
      %cond3A_305 = arith.constant 0 : i32
      %cond3A_306 = arith.cmpi ne, %convert_element_type3A_304, %cond3A_305 : i32
      scf.if %cond3A_306 {
        %mul3A_308 = arith.constant 4096 : i32
        %mul3A_309 = arith.muli %arg1, %mul3A_308 : i32
        %mul3A_310 = arith.constant 16 : i32
        %mul3A_311 = arith.muli %scan3A_280, %mul3A_310 : i32
        %add3A_312 = arith.addi %mul3A_309, %mul3A_311 : i32
        %add3A_313 = vector.broadcast %add3A_312 : i32 to vector<16xi32>
        %add3A_314 = arith.addi %add3A_313, %iota3A : vector<16xi32>
        %swap3A = arith.index_cast %scan3A_281 : i32 to index
        %swap3A_315 = tpu.vector_load %arg12[%swap3A] masked %and3A_297 {strides = array<i32>} : memref<4096xi32, #tpu.memory_space<vmem>>, vector<16xi32>, vector<16xi1>
        tpu.vector_store %arg12[%swap3A], %get3A_290 masked %and3A_297 {strides = array<i32>} : memref<4096xi32, #tpu.memory_space<vmem>>, vector<16xi32>, vector<16xi1>
        %swap3A_316 = arith.index_cast %scan3A_281 : i32 to index
        %swap3A_317 = tpu.vector_load %arg13[%swap3A_316] masked %and3A_297 {strides = array<i32>} : memref<4096xi32, #tpu.memory_space<vmem>>, vector<16xi32>, vector<16xi1>
        tpu.vector_store %arg13[%swap3A_316], %add3A_314 masked %and3A_297 {strides = array<i32>} : memref<4096xi32, #tpu.memory_space<vmem>>, vector<16xi32>, vector<16xi1>
      } else {
      }
      %add3A_307 = arith.addi %scan3A_281, %reduce_sum3A_301 : i32
      scf.yield %add3A_307 : i32
    }
    %scan3A_247 = arith.constant 256 : i32
    %add3A_248 = arith.constant 127 : i32
    %add3A_249 = arith.addi %scan3A_246, %add3A_248 : i32
    %div3A = arith.constant 128 : i32
    %div3A_250 = arith.divsi %add3A_249, %div3A : i32
    %gt3A = arith.constant 0 : i32
    %gt3A_251 = arith.cmpi sgt, %scan3A_246, %gt3A : i32
    %convert_element_type3A_252 = arith.extui %gt3A_251 : i1 to i32
    %cond3A_253 = arith.constant 0 : i32
    %cond3A_254 = arith.cmpi ne, %convert_element_type3A_252, %cond3A_253 : i32
    scf.if %cond3A_254 {
      %get3A_280 = arith.constant 0 : index
      %get3A_281 = tpu.vector_load %arg12[%get3A_280] {strides = array<i32>} : memref<4096xi32, #tpu.memory_space<vmem>>, vector<16xi32>,
      %slice3A_282 = vector.extract_strided_slice %get3A_281 {offsets = [0], sizes = [1], strides = [1]} : vector<16xi32> to vector<1xi32>
      %squeeze3A_283 = vector.extract %slice3A_282[0] : i32 from vector<1xi32>
      %broadcast_in_dim3A_284 = vector.broadcast %squeeze3A_283 : i32 to vector<16xi32>
      %get3A_285 = arith.constant 0 : index
      %get3A_286 = tpu.vector_load %arg13[%get3A_285] {strides = array<i32>} : memref<4096xi32, #tpu.memory_space<vmem>>, vector<16xi32>,
      %slice3A_287 = vector.extract_strided_slice %get3A_286 {offsets = [0], sizes = [1], strides = [1]} : vector<16xi32> to vector<1xi32>
      %squeeze3A_288 = vector.extract %slice3A_287[0] : i32 from vector<1xi32>
      %broadcast_in_dim3A_289 = vector.broadcast %squeeze3A_288 : i32 to vector<16xi32>
      %and3A_290 = arith.constant -16 : i32
      %and3A_291 = arith.andi %scan3A_246, %and3A_290 : i32
      %sub3A = arith.subi %scan3A_246, %and3A_291 : i32
      %lt3A = vector.broadcast %sub3A : i32 to vector<16xi32>
      %lt3A_292 = arith.cmpi slt, %iota3A, %lt3A : vector<16xi32>
      %get3A_293 = arith.index_cast %and3A_291 : i32 to index
      %get3A_294 = tpu.vector_load %arg12[%get3A_293] {strides = array<i32>} : memref<4096xi32, #tpu.memory_space<vmem>>, vector<16xi32>,
      %select_n3A = arith.select %lt3A_292, %get3A_294, %broadcast_in_dim3A_284 : vector<16xi1>, vector<16xi32>
      %swap3A = arith.index_cast %and3A_291 : i32 to index
      %swap3A_295 = tpu.vector_load %arg12[%swap3A] {strides = array<i32>} : memref<4096xi32, #tpu.memory_space<vmem>>, vector<16xi32>,
      tpu.vector_store %arg12[%swap3A], %select_n3A {strides = array<i32>} : memref<4096xi32, #tpu.memory_space<vmem>>, vector<16xi32>,
      %get3A_296 = arith.index_cast %and3A_291 : i32 to index
      %get3A_297 = tpu.vector_load %arg13[%get3A_296] {strides = array<i32>} : memref<4096xi32, #tpu.memory_space<vmem>>, vector<16xi32>,
      %select_n3A_298 = arith.select %lt3A_292, %get3A_297, %broadcast_in_dim3A_289 : vector<16xi1>, vector<16xi32>
      %swap3A_299 = arith.index_cast %and3A_291 : i32 to index
      %swap3A_300 = tpu.vector_load %arg13[%swap3A_299] {strides = array<i32>} : memref<4096xi32, #tpu.memory_space<vmem>>, vector<16xi32>,
      tpu.vector_store %arg13[%swap3A_299], %select_n3A_298 {strides = array<i32>} : memref<4096xi32, #tpu.memory_space<vmem>>, vector<16xi32>,
      %mul3A_301 = arith.constant 128 : i32
      %mul3A_302 = arith.muli %div3A_250, %mul3A_301 : i32
      %sub3A_303 = arith.subi %mul3A_302, %and3A_291 : i32
      %div3A_304 = arith.constant 16 : i32
      %div3A_305 = arith.divsi %sub3A_303, %div3A_304 : i32
      %sub3A_306 = arith.constant 1 : i32
      %sub3A_307 = arith.subi %div3A_305, %sub3A_306 : i32
      %while3A_308 = arith.constant 0 : i32
      %while3A_309 = arith.constant 0 : i32
      %while3A_310 = arith.subi %sub3A_307, %while3A_309 : i32
      %while3A_311 = arith.addi %while3A_309, %while3A_310 : i32
      %while3A_312 = arith.constant 1 : i32
      %while3A_313 = arith.divsi %while3A_310, %while3A_312 : i32
      %while3A_314 = arith.muli %while3A_313, %while3A_312 : i32
      %while3A_315 = arith.addi %while3A_309, %while3A_314 : i32
      %while3A_316 = arith.constant 1 : i32
      scf.for %while3A_330 = %while3A_309 to %while3A_315 step %while3A_316  : i32 {
        %add3A_331 = arith.constant 1 : i32
        %add3A_332 = arith.addi %while3A_330, %add3A_331 : i32
        %mul3A_333 = arith.constant 16 : i32
        %mul3A_334 = arith.muli %add3A_332, %mul3A_333 : i32
        %add3A_335 = arith.addi %and3A_291, %mul3A_334 : i32
        %swap3A_336 = arith.index_cast %add3A_335 : i32 to index
        %swap3A_337 = tpu.vector_load %arg12[%swap3A_336] {strides = array<i32>} : memref<4096xi32, #tpu.memory_space<vmem>>, vector<16xi32>,
        tpu.vector_store %arg12[%swap3A_336], %broadcast_in_dim3A_284 {strides = array<i32>} : memref<4096xi32, #tpu.memory_space<vmem>>, vector<16xi32>,
        %swap3A_338 = arith.index_cast %add3A_335 : i32 to index
        %swap3A_339 = tpu.vector_load %arg13[%swap3A_338] {strides = array<i32>} : memref<4096xi32, #tpu.memory_space<vmem>>, vector<16xi32>,
        tpu.vector_store %arg13[%swap3A_338], %broadcast_in_dim3A_289 {strides = array<i32>} : memref<4096xi32, #tpu.memory_space<vmem>>, vector<16xi32>,
      }
      %while3A_317 = arith.constant 1 : i32
      scf.for %while3A_330 = %while3A_315 to %while3A_311 step %while3A_317  : i32 {
        %add3A_331 = arith.constant 1 : i32
        %add3A_332 = arith.addi %while3A_330, %add3A_331 : i32
        %mul3A_333 = arith.constant 16 : i32
        %mul3A_334 = arith.muli %add3A_332, %mul3A_333 : i32
        %add3A_335 = arith.addi %and3A_291, %mul3A_334 : i32
        %swap3A_336 = arith.index_cast %add3A_335 : i32 to index
        %swap3A_337 = tpu.vector_load %arg12[%swap3A_336] {strides = array<i32>} : memref<4096xi32, #tpu.memory_space<vmem>>, vector<16xi32>,
        tpu.vector_store %arg12[%swap3A_336], %broadcast_in_dim3A_284 {strides = array<i32>} : memref<4096xi32, #tpu.memory_space<vmem>>, vector<16xi32>,
        %swap3A_338 = arith.index_cast %add3A_335 : i32 to index
        %swap3A_339 = tpu.vector_load %arg13[%swap3A_338] {strides = array<i32>} : memref<4096xi32, #tpu.memory_space<vmem>>, vector<16xi32>,
        tpu.vector_store %arg13[%swap3A_338], %broadcast_in_dim3A_289 {strides = array<i32>} : memref<4096xi32, #tpu.memory_space<vmem>>, vector<16xi32>,
      }
      %mul3A_318 = arith.constant 8 : i32
      %mul3A_319 = arith.muli %div3A_250, %mul3A_318 : i32
      %while3A_320 = arith.constant 0 : i32
      %while3A_321 = arith.constant 0 : i32
      %while3A_322 = arith.subi %mul3A_319, %while3A_321 : i32
      %while3A_323 = arith.addi %while3A_321, %while3A_322 : i32
      %while3A_324 = arith.constant 1 : i32
      %while3A_325 = arith.divsi %while3A_322, %while3A_324 : i32
      %while3A_326 = arith.muli %while3A_325, %while3A_324 : i32
      %while3A_327 = arith.addi %while3A_321, %while3A_326 : i32
      %while3A_328 = arith.constant 1 : i32
      scf.for %while3A_330 = %while3A_321 to %while3A_327 step %while3A_328  : i32 {
        %shift_right_logical3A_331 = arith.constant 3 : i32
        %shift_right_logical3A_332 = arith.shrui %while3A_330, %shift_right_logical3A_331 : i32
        %and3A_333 = arith.constant 7 : i32
        %and3A_334 = arith.andi %while3A_330, %and3A_333 : i32
        %mul3A_335 = arith.constant 16 : i32
        %mul3A_336 = arith.muli %while3A_330, %mul3A_335 : i32
        %get3A_337 = arith.index_cast %mul3A_336 : i32 to index
        %get3A_338 = tpu.vector_load %arg13[%get3A_337] {strides = array<i32>} : memref<4096xi32, #tpu.memory_space<vmem>>, vector<16xi32>,
        %mul3A_339 = arith.constant 16 : i32
        %mul3A_340 = arith.muli %and3A_334, %mul3A_339 : i32
        %swap3A_341 = arith.index_cast %shift_right_logical3A_332 : i32 to index
        %swap3A_342 = arith.index_cast %mul3A_340 : i32 to index
        %swap3A_343 = tpu.vector_load %arg14[%swap3A_341, %swap3A_342] {strides = array<i32>} : memref<32x128xi32, #tpu.memory_space<vmem>>, vector<16xi32>,
        tpu.vector_store %arg14[%swap3A_341, %swap3A_342], %get3A_338 {strides = array<i32>} : memref<32x128xi32, #tpu.memory_space<vmem>>, vector<16xi32>,
      }
      %while3A_329 = arith.constant 1 : i32
      scf.for %while3A_330 = %while3A_327 to %while3A_323 step %while3A_329  : i32 {
        %shift_right_logical3A_331 = arith.constant 3 : i32
        %shift_right_logical3A_332 = arith.shrui %while3A_330, %shift_right_logical3A_331 : i32
        %and3A_333 = arith.constant 7 : i32
        %and3A_334 = arith.andi %while3A_330, %and3A_333 : i32
        %mul3A_335 = arith.constant 16 : i32
        %mul3A_336 = arith.muli %while3A_330, %mul3A_335 : i32
        %get3A_337 = arith.index_cast %mul3A_336 : i32 to index
        %get3A_338 = tpu.vector_load %arg13[%get3A_337] {strides = array<i32>} : memref<4096xi32, #tpu.memory_space<vmem>>, vector<16xi32>,
        %mul3A_339 = arith.constant 16 : i32
        %mul3A_340 = arith.muli %and3A_334, %mul3A_339 : i32
        %swap3A_341 = arith.index_cast %shift_right_logical3A_332 : i32 to index
        %swap3A_342 = arith.index_cast %mul3A_340 : i32 to index
        %swap3A_343 = tpu.vector_load %arg14[%swap3A_341, %swap3A_342] {strides = array<i32>} : memref<32x128xi32, #tpu.memory_space<vmem>>, vector<16xi32>,
        tpu.vector_store %arg14[%swap3A_341, %swap3A_342], %get3A_338 {strides = array<i32>} : memref<32x128xi32, #tpu.memory_space<vmem>>, vector<16xi32>,
      }
    } else {
    }
    %min3A = arith.constant 3 : i32
    %min3A_255 = arith.minsi %div3A_250, %min3A : i32
    %while3A = arith.constant 0 : i32
    %while3A_256 = arith.constant 0 : i32
    %while3A_257 = arith.subi %min3A_255, %while3A_256 : i32
    %while3A_258 = arith.addi %while3A_256, %while3A_257 : i32
    %while3A_259 = arith.constant 1 : i32
    %while3A_260 = arith.divsi %while3A_257, %while3A_259 : i32
    %while3A_261 = arith.muli %while3A_260, %while3A_259 : i32
    %while3A_262 = arith.addi %while3A_256, %while3A_261 : i32
    %while3A_263 = arith.constant 1 : i32
    scf.for %while3A_280 = %while3A_256 to %while3A_262 step %while3A_263  : i32 {
      %rem3A = arith.constant 4 : i32
      %rem3A_281 = arith.remsi %while3A_280, %rem3A : i32
      %mul3A_282 = arith.constant 128 : i32
      %mul3A_283 = arith.muli %while3A_280, %mul3A_282 : i32
      %dma_start3A = arith.constant 0 : i32
      %dma_start3A_284 = arith.constant 0 : i32
      %dma_start3A_285 = tpu.memref_slice %arg15[%rem3A_281, %dma_start3A, %dma_start3A_284] : memref<4x128x64xf32, #tpu.memory_space<vmem>> -> memref<1x128x64xf32, #tpu.memory_space<vmem>>
      %dma_start3A_286 = tpu.memref_squeeze %dma_start3A_285 : memref<1x128x64xf32, #tpu.memory_space<vmem>> -> memref<128x64xf32, #tpu.memory_space<vmem>>
      %dma_start3A_287 = tpu.memref_slice %arg12[%mul3A_283] : memref<4096xi32, #tpu.memory_space<vmem>> -> memref<128xi32, #tpu.memory_space<vmem>>
      %dma_start3A_288 = arith.constant 0 : i32
      %dma_start3A_289 = arith.constant 0 : i32
      %dma_start3A_290 = tpu.memref_slice %arg6[%dma_start3A_288, %dma_start3A_289] : memref<524288x64xf32, #tpu.memory_space<hbm>> -> memref<524288x64xf32, #tpu.memory_space<hbm>>
      %dma_start3A_291 = tpu.memref_slice %arg18[%rem3A_281] : memref<4x!tpu.dma_semaphore, #tpu.memory_space<semaphore_mem>> -> memref<1x!tpu.dma_semaphore, #tpu.memory_space<semaphore_mem>>
      %dma_start3A_292 = tpu.memref_squeeze %dma_start3A_291 : memref<1x!tpu.dma_semaphore, #tpu.memory_space<semaphore_mem>> -> memref<!tpu.dma_semaphore, #tpu.memory_space<semaphore_mem>>
      tpu.enqueue_indirect_dma source(%dma_start3A_290 : memref<524288x64xf32, #tpu.memory_space<hbm>>) target(%dma_start3A_286 : memref<128x64xf32, #tpu.memory_space<vmem>>) offsets(%dma_start3A_287 : memref<128xi32, #tpu.memory_space<vmem>>) semaphore(%dma_start3A_292 : memref<!tpu.dma_semaphore, #tpu.memory_space<semaphore_mem>>)
    }
    %while3A_264 = arith.constant 1 : i32
    scf.for %while3A_280 = %while3A_262 to %while3A_258 step %while3A_264  : i32 {
      %rem3A = arith.constant 4 : i32
      %rem3A_281 = arith.remsi %while3A_280, %rem3A : i32
      %mul3A_282 = arith.constant 128 : i32
      %mul3A_283 = arith.muli %while3A_280, %mul3A_282 : i32
      %dma_start3A = arith.constant 0 : i32
      %dma_start3A_284 = arith.constant 0 : i32
      %dma_start3A_285 = tpu.memref_slice %arg15[%rem3A_281, %dma_start3A, %dma_start3A_284] : memref<4x128x64xf32, #tpu.memory_space<vmem>> -> memref<1x128x64xf32, #tpu.memory_space<vmem>>
      %dma_start3A_286 = tpu.memref_squeeze %dma_start3A_285 : memref<1x128x64xf32, #tpu.memory_space<vmem>> -> memref<128x64xf32, #tpu.memory_space<vmem>>
      %dma_start3A_287 = tpu.memref_slice %arg12[%mul3A_283] : memref<4096xi32, #tpu.memory_space<vmem>> -> memref<128xi32, #tpu.memory_space<vmem>>
      %dma_start3A_288 = arith.constant 0 : i32
      %dma_start3A_289 = arith.constant 0 : i32
      %dma_start3A_290 = tpu.memref_slice %arg6[%dma_start3A_288, %dma_start3A_289] : memref<524288x64xf32, #tpu.memory_space<hbm>> -> memref<524288x64xf32, #tpu.memory_space<hbm>>
      %dma_start3A_291 = tpu.memref_slice %arg18[%rem3A_281] : memref<4x!tpu.dma_semaphore, #tpu.memory_space<semaphore_mem>> -> memref<1x!tpu.dma_semaphore, #tpu.memory_space<semaphore_mem>>
      %dma_start3A_292 = tpu.memref_squeeze %dma_start3A_291 : memref<1x!tpu.dma_semaphore, #tpu.memory_space<semaphore_mem>> -> memref<!tpu.dma_semaphore, #tpu.memory_space<semaphore_mem>>
      tpu.enqueue_indirect_dma source(%dma_start3A_290 : memref<524288x64xf32, #tpu.memory_space<hbm>>) target(%dma_start3A_286 : memref<128x64xf32, #tpu.memory_space<vmem>>) offsets(%dma_start3A_287 : memref<128xi32, #tpu.memory_space<vmem>>) semaphore(%dma_start3A_292 : memref<!tpu.dma_semaphore, #tpu.memory_space<semaphore_mem>>)
    }
    %while3A_265 = arith.constant 0 : i32
    %while3A_266 = arith.constant 0 : i32
    %while3A_267 = arith.subi %div3A_250, %while3A_266 : i32
    %while3A_268 = arith.addi %while3A_266, %while3A_267 : i32
    %while3A_269 = arith.constant 1 : i32
    %while3A_270 = arith.divsi %while3A_267, %while3A_269 : i32
    %while3A_271 = arith.muli %while3A_270, %while3A_269 : i32
    %while3A_272 = arith.addi %while3A_266, %while3A_271 : i32
    %while3A_273 = arith.constant 1 : i32
    scf.for %while3A_280 = %while3A_266 to %while3A_272 step %while3A_273  : i32 {
      %rem3A = arith.constant 4 : i32
      %rem3A_281 = arith.remsi %while3A_280, %rem3A : i32
      %mul3A_282 = arith.constant 128 : i32
      %mul3A_283 = arith.muli %while3A_280, %mul3A_282 : i32
      %dma_wait3A_284 = arith.constant 0 : i32
      %dma_wait3A_285 = arith.constant 0 : i32
      %dma_wait3A_286 = tpu.memref_slice %arg15[%rem3A_281, %dma_wait3A_284, %dma_wait3A_285] : memref<4x128x64xf32, #tpu.memory_space<vmem>> -> memref<1x128x64xf32, #tpu.memory_space<vmem>>
      %dma_wait3A_287 = tpu.memref_squeeze %dma_wait3A_286 : memref<1x128x64xf32, #tpu.memory_space<vmem>> -> memref<128x64xf32, #tpu.memory_space<vmem>>
      %dma_wait3A_288 = tpu.memref_slice %arg12[%mul3A_283] : memref<4096xi32, #tpu.memory_space<vmem>> -> memref<128xi32, #tpu.memory_space<vmem>>
      %dma_wait3A_289 = arith.constant 0 : i32
      %dma_wait3A_290 = arith.constant 0 : i32
      %dma_wait3A_291 = tpu.memref_slice %arg6[%dma_wait3A_289, %dma_wait3A_290] : memref<524288x64xf32, #tpu.memory_space<hbm>> -> memref<524288x64xf32, #tpu.memory_space<hbm>>
      %dma_wait3A_292 = tpu.memref_slice %arg18[%rem3A_281] : memref<4x!tpu.dma_semaphore, #tpu.memory_space<semaphore_mem>> -> memref<1x!tpu.dma_semaphore, #tpu.memory_space<semaphore_mem>>
      %dma_wait3A_293 = tpu.memref_squeeze %dma_wait3A_292 : memref<1x!tpu.dma_semaphore, #tpu.memory_space<semaphore_mem>> -> memref<!tpu.dma_semaphore, #tpu.memory_space<semaphore_mem>>
      tpu.wait_indirect_dma semaphore(%dma_wait3A_293 : memref<!tpu.dma_semaphore, #tpu.memory_space<semaphore_mem>>) src(%dma_wait3A_291 : memref<524288x64xf32, #tpu.memory_space<hbm>>) dst(%dma_wait3A_287 : memref<128x64xf32, #tpu.memory_space<vmem>>)
      %dma_start3A = arith.constant 0 : i32
      %dma_start3A_294 = arith.constant 0 : i32
      %dma_start3A_295 = tpu.memref_slice %arg15[%rem3A_281, %dma_start3A, %dma_start3A_294] : memref<4x128x64xf32, #tpu.memory_space<vmem>> -> memref<1x128x64xf32, #tpu.memory_space<vmem>>
      %dma_start3A_296 = tpu.memref_squeeze %dma_start3A_295 : memref<1x128x64xf32, #tpu.memory_space<vmem>> -> memref<128x64xf32, #tpu.memory_space<vmem>>
      %dma_start3A_297 = arith.constant 0 : i32
      %dma_start3A_298 = tpu.memref_slice %arg14[%while3A_280, %dma_start3A_297] : memref<32x128xi32, #tpu.memory_space<vmem>> -> memref<1x128xi32, #tpu.memory_space<vmem>>
      %dma_start3A_299 = tpu.memref_squeeze %dma_start3A_298 : memref<1x128xi32, #tpu.memory_space<vmem>> -> memref<128xi32, #tpu.memory_space<vmem>>
      %dma_start3A_300 = arith.constant 0 : i32
      %dma_start3A_301 = arith.constant 0 : i32
      %dma_start3A_302 = tpu.memref_slice %arg7[%dma_start3A_300, %dma_start3A_301] : memref<65536x64xf32, #tpu.memory_space<hbm>> -> memref<65536x64xf32, #tpu.memory_space<hbm>>
      %dma_start3A_303 = tpu.memref_slice %arg19[%rem3A_281] : memref<4x!tpu.dma_semaphore, #tpu.memory_space<semaphore_mem>> -> memref<1x!tpu.dma_semaphore, #tpu.memory_space<semaphore_mem>>
      %dma_start3A_304 = tpu.memref_squeeze %dma_start3A_303 : memref<1x!tpu.dma_semaphore, #tpu.memory_space<semaphore_mem>> -> memref<!tpu.dma_semaphore, #tpu.memory_space<semaphore_mem>>
      tpu.enqueue_indirect_dma source(%dma_start3A_296 : memref<128x64xf32, #tpu.memory_space<vmem>>) target(%dma_start3A_302 : memref<65536x64xf32, #tpu.memory_space<hbm>>) offsets(%dma_start3A_299 : memref<128xi32, #tpu.memory_space<vmem>>) semaphore(%dma_start3A_304 : memref<!tpu.dma_semaphore, #tpu.memory_space<semaphore_mem>>)
      %ge3A = arith.constant 1 : i32
      %ge3A_305 = arith.cmpi sge, %while3A_280, %ge3A : i32
      %convert_element_type3A_306 = arith.extui %ge3A_305 : i1 to i32
      %cond3A_307 = arith.constant 0 : i32
      %cond3A_308 = arith.cmpi ne, %convert_element_type3A_306, %cond3A_307 : i32
      scf.if %cond3A_308 {
        %sub3A_315 = arith.constant 1 : i32
        %sub3A_316 = arith.subi %while3A_280, %sub3A_315 : i32
        %rem3A_317 = arith.constant 4 : i32
        %rem3A_318 = arith.remsi %sub3A_316, %rem3A_317 : i32
        %sub3A_319 = arith.constant 1 : i32
        %sub3A_320 = arith.subi %while3A_280, %sub3A_319 : i32
        %dma_wait3A_321 = arith.constant 0 : i32
        %dma_wait3A_322 = arith.constant 0 : i32
        %dma_wait3A_323 = tpu.memref_slice %arg15[%rem3A_318, %dma_wait3A_321, %dma_wait3A_322] : memref<4x128x64xf32, #tpu.memory_space<vmem>> -> memref<1x128x64xf32, #tpu.memory_space<vmem>>
        %dma_wait3A_324 = tpu.memref_squeeze %dma_wait3A_323 : memref<1x128x64xf32, #tpu.memory_space<vmem>> -> memref<128x64xf32, #tpu.memory_space<vmem>>
        %dma_wait3A_325 = arith.constant 0 : i32
        %dma_wait3A_326 = tpu.memref_slice %arg14[%sub3A_320, %dma_wait3A_325] : memref<32x128xi32, #tpu.memory_space<vmem>> -> memref<1x128xi32, #tpu.memory_space<vmem>>
        %dma_wait3A_327 = tpu.memref_squeeze %dma_wait3A_326 : memref<1x128xi32, #tpu.memory_space<vmem>> -> memref<128xi32, #tpu.memory_space<vmem>>
        %dma_wait3A_328 = arith.constant 0 : i32
        %dma_wait3A_329 = arith.constant 0 : i32
        %dma_wait3A_330 = tpu.memref_slice %arg7[%dma_wait3A_328, %dma_wait3A_329] : memref<65536x64xf32, #tpu.memory_space<hbm>> -> memref<65536x64xf32, #tpu.memory_space<hbm>>
        %dma_wait3A_331 = tpu.memref_slice %arg19[%rem3A_318] : memref<4x!tpu.dma_semaphore, #tpu.memory_space<semaphore_mem>> -> memref<1x!tpu.dma_semaphore, #tpu.memory_space<semaphore_mem>>
        %dma_wait3A_332 = tpu.memref_squeeze %dma_wait3A_331 : memref<1x!tpu.dma_semaphore, #tpu.memory_space<semaphore_mem>> -> memref<!tpu.dma_semaphore, #tpu.memory_space<semaphore_mem>>
        tpu.wait_indirect_dma semaphore(%dma_wait3A_332 : memref<!tpu.dma_semaphore, #tpu.memory_space<semaphore_mem>>) src(%dma_wait3A_324 : memref<128x64xf32, #tpu.memory_space<vmem>>) dst(%dma_wait3A_330 : memref<65536x64xf32, #tpu.memory_space<hbm>>)
      } else {
      }
      %add3A_309 = arith.constant 4 : i32
      %add3A_310 = arith.addi %while3A_280, %add3A_309 : i32
      %sub3A = arith.constant 1 : i32
      %sub3A_311 = arith.subi %add3A_310, %sub3A : i32
      %lt3A = arith.cmpi slt, %sub3A_311, %div3A_250 : i32
      %convert_element_type3A_312 = arith.extui %lt3A : i1 to i32
      %cond3A_313 = arith.constant 0 : i32
      %cond3A_314 = arith.cmpi ne, %convert_element_type3A_312, %cond3A_313 : i32
      scf.if %cond3A_314 {
        %add3A_315 = arith.constant 4 : i32
        %add3A_316 = arith.addi %while3A_280, %add3A_315 : i32
        %sub3A_317 = arith.constant 1 : i32
        %sub3A_318 = arith.subi %add3A_316, %sub3A_317 : i32
        %rem3A_319 = arith.constant 4 : i32
        %rem3A_320 = arith.remsi %sub3A_318, %rem3A_319 : i32
        %mul3A_321 = arith.constant 128 : i32
        %mul3A_322 = arith.muli %sub3A_318, %mul3A_321 : i32
        %dma_start3A_323 = arith.constant 0 : i32
        %dma_start3A_324 = arith.constant 0 : i32
        %dma_start3A_325 = tpu.memref_slice %arg15[%rem3A_320, %dma_start3A_323, %dma_start3A_324] : memref<4x128x64xf32, #tpu.memory_space<vmem>> -> memref<1x128x64xf32, #tpu.memory_space<vmem>>
        %dma_start3A_326 = tpu.memref_squeeze %dma_start3A_325 : memref<1x128x64xf32, #tpu.memory_space<vmem>> -> memref<128x64xf32, #tpu.memory_space<vmem>>
        %dma_start3A_327 = tpu.memref_slice %arg12[%mul3A_322] : memref<4096xi32, #tpu.memory_space<vmem>> -> memref<128xi32, #tpu.memory_space<vmem>>
        %dma_start3A_328 = arith.constant 0 : i32
        %dma_start3A_329 = arith.constant 0 : i32
        %dma_start3A_330 = tpu.memref_slice %arg6[%dma_start3A_328, %dma_start3A_329] : memref<524288x64xf32, #tpu.memory_space<hbm>> -> memref<524288x64xf32, #tpu.memory_space<hbm>>
        %dma_start3A_331 = tpu.memref_slice %arg18[%rem3A_320] : memref<4x!tpu.dma_semaphore, #tpu.memory_space<semaphore_mem>> -> memref<1x!tpu.dma_semaphore, #tpu.memory_space<semaphore_mem>>
        %dma_start3A_332 = tpu.memref_squeeze %dma_start3A_331 : memref<1x!tpu.dma_semaphore, #tpu.memory_space<semaphore_mem>> -> memref<!tpu.dma_semaphore, #tpu.memory_space<semaphore_mem>>
        tpu.enqueue_indirect_dma source(%dma_start3A_330 : memref<524288x64xf32, #tpu.memory_space<hbm>>) target(%dma_start3A_326 : memref<128x64xf32, #tpu.memory_space<vmem>>) offsets(%dma_start3A_327 : memref<128xi32, #tpu.memory_space<vmem>>) semaphore(%dma_start3A_332 : memref<!tpu.dma_semaphore, #tpu.memory_space<semaphore_mem>>)
      } else {
      }
    }
    %while3A_274 = arith.constant 1 : i32
    scf.for %while3A_280 = %while3A_272 to %while3A_268 step %while3A_274  : i32 {
      %rem3A = arith.constant 4 : i32
      %rem3A_281 = arith.remsi %while3A_280, %rem3A : i32
      %mul3A_282 = arith.constant 128 : i32
      %mul3A_283 = arith.muli %while3A_280, %mul3A_282 : i32
      %dma_wait3A_284 = arith.constant 0 : i32
      %dma_wait3A_285 = arith.constant 0 : i32
      %dma_wait3A_286 = tpu.memref_slice %arg15[%rem3A_281, %dma_wait3A_284, %dma_wait3A_285] : memref<4x128x64xf32, #tpu.memory_space<vmem>> -> memref<1x128x64xf32, #tpu.memory_space<vmem>>
      %dma_wait3A_287 = tpu.memref_squeeze %dma_wait3A_286 : memref<1x128x64xf32, #tpu.memory_space<vmem>> -> memref<128x64xf32, #tpu.memory_space<vmem>>
      %dma_wait3A_288 = tpu.memref_slice %arg12[%mul3A_283] : memref<4096xi32, #tpu.memory_space<vmem>> -> memref<128xi32, #tpu.memory_space<vmem>>
      %dma_wait3A_289 = arith.constant 0 : i32
      %dma_wait3A_290 = arith.constant 0 : i32
      %dma_wait3A_291 = tpu.memref_slice %arg6[%dma_wait3A_289, %dma_wait3A_290] : memref<524288x64xf32, #tpu.memory_space<hbm>> -> memref<524288x64xf32, #tpu.memory_space<hbm>>
      %dma_wait3A_292 = tpu.memref_slice %arg18[%rem3A_281] : memref<4x!tpu.dma_semaphore, #tpu.memory_space<semaphore_mem>> -> memref<1x!tpu.dma_semaphore, #tpu.memory_space<semaphore_mem>>
      %dma_wait3A_293 = tpu.memref_squeeze %dma_wait3A_292 : memref<1x!tpu.dma_semaphore, #tpu.memory_space<semaphore_mem>> -> memref<!tpu.dma_semaphore, #tpu.memory_space<semaphore_mem>>
      tpu.wait_indirect_dma semaphore(%dma_wait3A_293 : memref<!tpu.dma_semaphore, #tpu.memory_space<semaphore_mem>>) src(%dma_wait3A_291 : memref<524288x64xf32, #tpu.memory_space<hbm>>) dst(%dma_wait3A_287 : memref<128x64xf32, #tpu.memory_space<vmem>>)
      %dma_start3A = arith.constant 0 : i32
      %dma_start3A_294 = arith.constant 0 : i32
      %dma_start3A_295 = tpu.memref_slice %arg15[%rem3A_281, %dma_start3A, %dma_start3A_294] : memref<4x128x64xf32, #tpu.memory_space<vmem>> -> memref<1x128x64xf32, #tpu.memory_space<vmem>>
      %dma_start3A_296 = tpu.memref_squeeze %dma_start3A_295 : memref<1x128x64xf32, #tpu.memory_space<vmem>> -> memref<128x64xf32, #tpu.memory_space<vmem>>
      %dma_start3A_297 = arith.constant 0 : i32
      %dma_start3A_298 = tpu.memref_slice %arg14[%while3A_280, %dma_start3A_297] : memref<32x128xi32, #tpu.memory_space<vmem>> -> memref<1x128xi32, #tpu.memory_space<vmem>>
      %dma_start3A_299 = tpu.memref_squeeze %dma_start3A_298 : memref<1x128xi32, #tpu.memory_space<vmem>> -> memref<128xi32, #tpu.memory_space<vmem>>
      %dma_start3A_300 = arith.constant 0 : i32
      %dma_start3A_301 = arith.constant 0 : i32
      %dma_start3A_302 = tpu.memref_slice %arg7[%dma_start3A_300, %dma_start3A_301] : memref<65536x64xf32, #tpu.memory_space<hbm>> -> memref<65536x64xf32, #tpu.memory_space<hbm>>
      %dma_start3A_303 = tpu.memref_slice %arg19[%rem3A_281] : memref<4x!tpu.dma_semaphore, #tpu.memory_space<semaphore_mem>> -> memref<1x!tpu.dma_semaphore, #tpu.memory_space<semaphore_mem>>
      %dma_start3A_304 = tpu.memref_squeeze %dma_start3A_303 : memref<1x!tpu.dma_semaphore, #tpu.memory_space<semaphore_mem>> -> memref<!tpu.dma_semaphore, #tpu.memory_space<semaphore_mem>>
      tpu.enqueue_indirect_dma source(%dma_start3A_296 : memref<128x64xf32, #tpu.memory_space<vmem>>) target(%dma_start3A_302 : memref<65536x64xf32, #tpu.memory_space<hbm>>) offsets(%dma_start3A_299 : memref<128xi32, #tpu.memory_space<vmem>>) semaphore(%dma_start3A_304 : memref<!tpu.dma_semaphore, #tpu.memory_space<semaphore_mem>>)
      %ge3A = arith.constant 1 : i32
      %ge3A_305 = arith.cmpi sge, %while3A_280, %ge3A : i32
      %convert_element_type3A_306 = arith.extui %ge3A_305 : i1 to i32
      %cond3A_307 = arith.constant 0 : i32
      %cond3A_308 = arith.cmpi ne, %convert_element_type3A_306, %cond3A_307 : i32
      scf.if %cond3A_308 {
        %sub3A_315 = arith.constant 1 : i32
        %sub3A_316 = arith.subi %while3A_280, %sub3A_315 : i32
        %rem3A_317 = arith.constant 4 : i32
        %rem3A_318 = arith.remsi %sub3A_316, %rem3A_317 : i32
        %sub3A_319 = arith.constant 1 : i32
        %sub3A_320 = arith.subi %while3A_280, %sub3A_319 : i32
        %dma_wait3A_321 = arith.constant 0 : i32
        %dma_wait3A_322 = arith.constant 0 : i32
        %dma_wait3A_323 = tpu.memref_slice %arg15[%rem3A_318, %dma_wait3A_321, %dma_wait3A_322] : memref<4x128x64xf32, #tpu.memory_space<vmem>> -> memref<1x128x64xf32, #tpu.memory_space<vmem>>
        %dma_wait3A_324 = tpu.memref_squeeze %dma_wait3A_323 : memref<1x128x64xf32, #tpu.memory_space<vmem>> -> memref<128x64xf32, #tpu.memory_space<vmem>>
        %dma_wait3A_325 = arith.constant 0 : i32
        %dma_wait3A_326 = tpu.memref_slice %arg14[%sub3A_320, %dma_wait3A_325] : memref<32x128xi32, #tpu.memory_space<vmem>> -> memref<1x128xi32, #tpu.memory_space<vmem>>
        %dma_wait3A_327 = tpu.memref_squeeze %dma_wait3A_326 : memref<1x128xi32, #tpu.memory_space<vmem>> -> memref<128xi32, #tpu.memory_space<vmem>>
        %dma_wait3A_328 = arith.constant 0 : i32
        %dma_wait3A_329 = arith.constant 0 : i32
        %dma_wait3A_330 = tpu.memref_slice %arg7[%dma_wait3A_328, %dma_wait3A_329] : memref<65536x64xf32, #tpu.memory_space<hbm>> -> memref<65536x64xf32, #tpu.memory_space<hbm>>
        %dma_wait3A_331 = tpu.memref_slice %arg19[%rem3A_318] : memref<4x!tpu.dma_semaphore, #tpu.memory_space<semaphore_mem>> -> memref<1x!tpu.dma_semaphore, #tpu.memory_space<semaphore_mem>>
        %dma_wait3A_332 = tpu.memref_squeeze %dma_wait3A_331 : memref<1x!tpu.dma_semaphore, #tpu.memory_space<semaphore_mem>> -> memref<!tpu.dma_semaphore, #tpu.memory_space<semaphore_mem>>
        tpu.wait_indirect_dma semaphore(%dma_wait3A_332 : memref<!tpu.dma_semaphore, #tpu.memory_space<semaphore_mem>>) src(%dma_wait3A_324 : memref<128x64xf32, #tpu.memory_space<vmem>>) dst(%dma_wait3A_330 : memref<65536x64xf32, #tpu.memory_space<hbm>>)
      } else {
      }
      %add3A_309 = arith.constant 4 : i32
      %add3A_310 = arith.addi %while3A_280, %add3A_309 : i32
      %sub3A = arith.constant 1 : i32
      %sub3A_311 = arith.subi %add3A_310, %sub3A : i32
      %lt3A = arith.cmpi slt, %sub3A_311, %div3A_250 : i32
      %convert_element_type3A_312 = arith.extui %lt3A : i1 to i32
      %cond3A_313 = arith.constant 0 : i32
      %cond3A_314 = arith.cmpi ne, %convert_element_type3A_312, %cond3A_313 : i32
      scf.if %cond3A_314 {
        %add3A_315 = arith.constant 4 : i32
        %add3A_316 = arith.addi %while3A_280, %add3A_315 : i32
        %sub3A_317 = arith.constant 1 : i32
        %sub3A_318 = arith.subi %add3A_316, %sub3A_317 : i32
        %rem3A_319 = arith.constant 4 : i32
        %rem3A_320 = arith.remsi %sub3A_318, %rem3A_319 : i32
        %mul3A_321 = arith.constant 128 : i32
        %mul3A_322 = arith.muli %sub3A_318, %mul3A_321 : i32
        %dma_start3A_323 = arith.constant 0 : i32
        %dma_start3A_324 = arith.constant 0 : i32
        %dma_start3A_325 = tpu.memref_slice %arg15[%rem3A_320, %dma_start3A_323, %dma_start3A_324] : memref<4x128x64xf32, #tpu.memory_space<vmem>> -> memref<1x128x64xf32, #tpu.memory_space<vmem>>
        %dma_start3A_326 = tpu.memref_squeeze %dma_start3A_325 : memref<1x128x64xf32, #tpu.memory_space<vmem>> -> memref<128x64xf32, #tpu.memory_space<vmem>>
        %dma_start3A_327 = tpu.memref_slice %arg12[%mul3A_322] : memref<4096xi32, #tpu.memory_space<vmem>> -> memref<128xi32, #tpu.memory_space<vmem>>
        %dma_start3A_328 = arith.constant 0 : i32
        %dma_start3A_329 = arith.constant 0 : i32
        %dma_start3A_330 = tpu.memref_slice %arg6[%dma_start3A_328, %dma_start3A_329] : memref<524288x64xf32, #tpu.memory_space<hbm>> -> memref<524288x64xf32, #tpu.memory_space<hbm>>
        %dma_start3A_331 = tpu.memref_slice %arg18[%rem3A_320] : memref<4x!tpu.dma_semaphore, #tpu.memory_space<semaphore_mem>> -> memref<1x!tpu.dma_semaphore, #tpu.memory_space<semaphore_mem>>
        %dma_start3A_332 = tpu.memref_squeeze %dma_start3A_331 : memref<1x!tpu.dma_semaphore, #tpu.memory_space<semaphore_mem>> -> memref<!tpu.dma_semaphore, #tpu.memory_space<semaphore_mem>>
        tpu.enqueue_indirect_dma source(%dma_start3A_330 : memref<524288x64xf32, #tpu.memory_space<hbm>>) target(%dma_start3A_326 : memref<128x64xf32, #tpu.memory_space<vmem>>) offsets(%dma_start3A_327 : memref<128xi32, #tpu.memory_space<vmem>>) semaphore(%dma_start3A_332 : memref<!tpu.dma_semaphore, #tpu.memory_space<semaphore_mem>>)
      } else {
      }
    }
    %gt3A_275 = arith.constant 0 : i32
    %gt3A_276 = arith.cmpi sgt, %div3A_250, %gt3A_275 : i32
    %convert_element_type3A_277 = arith.extui %gt3A_276 : i1 to i32
    %cond3A_278 = arith.constant 0 : i32
    %cond3A_279 = arith.cmpi ne, %convert_element_type3A_277, %cond3A_278 : i32
    scf.if %cond3A_279 {
      %sub3A = arith.constant 1 : i32
      %sub3A_280 = arith.subi %div3A_250, %sub3A : i32
      %rem3A = arith.constant 4 : i32
      %rem3A_281 = arith.remsi %sub3A_280, %rem3A : i32
      %sub3A_282 = arith.constant 1 : i32
      %sub3A_283 = arith.subi %div3A_250, %sub3A_282 : i32
      %dma_wait3A_284 = arith.constant 0 : i32
      %dma_wait3A_285 = arith.constant 0 : i32
      %dma_wait3A_286 = tpu.memref_slice %arg15[%rem3A_281, %dma_wait3A_284, %dma_wait3A_285] : memref<4x128x64xf32, #tpu.memory_space<vmem>> -> memref<1x128x64xf32, #tpu.memory_space<vmem>>
      %dma_wait3A_287 = tpu.memref_squeeze %dma_wait3A_286 : memref<1x128x64xf32, #tpu.memory_space<vmem>> -> memref<128x64xf32, #tpu.memory_space<vmem>>
      %dma_wait3A_288 = arith.constant 0 : i32
      %dma_wait3A_289 = tpu.memref_slice %arg14[%sub3A_283, %dma_wait3A_288] : memref<32x128xi32, #tpu.memory_space<vmem>> -> memref<1x128xi32, #tpu.memory_space<vmem>>
      %dma_wait3A_290 = tpu.memref_squeeze %dma_wait3A_289 : memref<1x128xi32, #tpu.memory_space<vmem>> -> memref<128xi32, #tpu.memory_space<vmem>>
      %dma_wait3A_291 = arith.constant 0 : i32
      %dma_wait3A_292 = arith.constant 0 : i32
      %dma_wait3A_293 = tpu.memref_slice %arg7[%dma_wait3A_291, %dma_wait3A_292] : memref<65536x64xf32, #tpu.memory_space<hbm>> -> memref<65536x64xf32, #tpu.memory_space<hbm>>
      %dma_wait3A_294 = tpu.memref_slice %arg19[%rem3A_281] : memref<4x!tpu.dma_semaphore, #tpu.memory_space<semaphore_mem>> -> memref<1x!tpu.dma_semaphore, #tpu.memory_space<semaphore_mem>>
      %dma_wait3A_295 = tpu.memref_squeeze %dma_wait3A_294 : memref<1x!tpu.dma_semaphore, #tpu.memory_space<semaphore_mem>> -> memref<!tpu.dma_semaphore, #tpu.memory_space<semaphore_mem>>
      tpu.wait_indirect_dma semaphore(%dma_wait3A_295 : memref<!tpu.dma_semaphore, #tpu.memory_space<semaphore_mem>>) src(%dma_wait3A_287 : memref<128x64xf32, #tpu.memory_space<vmem>>) dst(%dma_wait3A_293 : memref<65536x64xf32, #tpu.memory_space<hbm>>)
    } else {
    }
    return
  }
}

</mosaic_0001>

<sc_bundles>
// kernel: kernel.3.cloned.1.call-start
scs
__scs_entry_jumppad:
0x0: {  	(pc) =	sbr.rel $0x88, $3  }
0x1: {  	(tag) =	ssettag $0x0;
	lr =	simm.s32 $0x1  }
0x2: {  	[smem:$0x3F9D] =	sst lr;
	_ =	strace $0xD0000000  }
0x3: {  	_ = 	snop  }
0x4: {  	_ = 	snop  }
0x5: {  	_ = 	snop  }
0x6: {  	_ = 	snop  }
0x7: {  	_ = 	snop  }
__scs_overlays_trampoline_lowered:
0x8: {  	[smem:$0x3FAC] =	sst s0  }
0x9: {  	[smem:$0x3FAD] =	sst s1  }
0xa: {  	[smem:$0x3FAE] =	sst s2  }
0xb: {  	[smem:$0x3FAF] =	sst s3  }
0xc: {  	[smem:$0x3FB0] =	sst s4  }
0xd: {  	[smem:$0x3FB1] =	sst s5  }
0xe: {  	[smem:$0x3FB2] =	sst s6  }
0xf: {  	[smem:$0x3FB3] =	sst s7  }
0x10: {  	[smem:$0x3FB4] =	sst s8  }
0x11: {  	[smem:$0x3FB5] =	sst s9;
	s0 =	simm.s32 @!p0 $0x0  }
0x12: {  	s1 =	sld [smem:$0x3F9B];
	s0 =	simm.s32 @p0 $0x1  }
0x13: {  	[smem:$0x3FB6] =	sst s0;
	s0 =	simm.s32 @!p1 $0x0  }
0x14: {  	s2 =	sld [smem:$0x3F9A];
	s0 =	simm.s32 @p1 $0x1  }
0x15: {  	[smem:$0x3FB7] =	sst s0;
	s0 =	simm.s32 @!p2 $0x0  }
0x16: {  	s3 =	sld [smem:$0x3FDB];
	s0 =	simm.s32 @p2 $0x1  }
0x17: {  	s4 =	simm.s32 $0x1BF5;
	[smem:$0x3FB9] =	sst s0  }
0x18: {  	s0 =	sld [smem:$0x3F9C];
	_ =	swait.ge [sflag:s4], $0x0  }
0x19: {  	s7 =	sld [smem:$0x3F9D]  }
0x1a: {  	s8 =	sadd.s32 $0xFFFFE003, lr  }
0x1b: {  	s9 =	sadd.s32 $0xFFFFFEF7, lr;
	s5 =	simm.s32 $0xFFFFFFFF;
	p2 =	slt.u32 s8, $0xFFFFF086  }
0x1c: {  	p1 =	slt.u32 s9, $0xF7A;
	s5 =	simm.s32 @!p2 $0x0  }
0x1d: {  	s5 =	simm.s32 @p1 $0x1;
	p0 =	seq.s32 s7, s2  }
0x1e: {  	s7 =	smul.u32 @!p0 $0xF7A, s2;
	p2 =	seq.s32 @!p0 s5, $0x0  }
0x1f: {  	s9 =	smul.u32 $0xF7A, s1;
	s8 =	simm.s32 @!p0 $0x1BF5;
	p2 =	por !p2, p0  }
0x20: {  	[sflag:s8] =	ssyncset.s32 @!p0 $0xFFFFF086;
	s6 =	sadd.s32 @!p0 s3, s7;
	s7 =	simm.s32 @!p0 $0x108  }
0x21: {  	s3 =	sadd.s32 s3, s9;
	s6 =	sadd.s32 @!p0 $0x88, s6;
	s7 =	simm.s32 @p2 $0x1082  }
0x22: {  	[simem:s7], [sflag:s8] =	dma.local @!p0 [hbm:s6], $0xF7A  }
0x23: {  	s9 =	sor.u32 $0xD0000000, s2;
	s6 =	simm.s32 $0x108;
	_ =	swait.ge @!p0 [sflag:s8], $0x0  }
0x24: {  	s3 =	sadd.s32 $0x88, s3;
	s6 =	simm.s32 @!p1 $0x1082;
	[sflag:s4] =	ssyncset.s32 $0xFFFFF086  }
0x25: {  	[simem:s6], [sflag:s4] =	dma.local [hbm:s3], $0xF7A  }
0x26: {  	[smem:$0x3F9D] =	sst s1;
	(tag) =	ssettag s2;
	_ =	strace s9  }
0x27: {  	s1 =	sld [smem:$0x3FAD]  }
0x28: {  	s2 =	sld [smem:$0x3FAE]  }
0x29: {  	s4 =	sld [smem:$0x3FB0]  }
0x2a: {  	p0 =	seq.s32 s5, $0x0;
	s5 =	sld [smem:$0x3FB1]  }
0x2b: {  	s6 =	sld [smem:$0x3FB2]  }
0x2c: {  	s7 =	sld [smem:$0x3FB3]  }
0x2d: {  	s3 =	simm.s32 $0x108;
	s8 =	sld [smem:$0x3FB4]  }
0x2e: {  	s3 =	simm.s32 @!p0 $0x1082;
	s9 =	sld [smem:$0x3FB5]  }
0x2f: {  	lr =	sadd.s32 s0, s3;
	s0 =	sld [smem:$0x3FAC]  }
0x30: {  	s3 =	sld [smem:$0x3FAF]  }
0x31: {  	[smem:$0x3FB8] =	sst s10  }
0x32: {  	s10 =	sld [smem:$0x3FB6];
	_ =	sdelay $0x3  }
0x33: {  	p0 =	seq.s32 s10, $0x1;
	s10 =	sld [smem:$0x3FB8];
	_ =	sdelay $0x3  }
0x34: {  	[smem:$0x3FB8] =	sst s10  }
0x35: {  	s10 =	sld [smem:$0x3FB7];
	_ =	sdelay $0x3  }
0x36: {  	p1 =	seq.s32 s10, $0x1;
	s10 =	sld [smem:$0x3FB8];
	_ =	sdelay $0x3  }
0x37: {  	[smem:$0x3FB8] =	sst s10  }
0x38: {  	s10 =	sld [smem:$0x3FB9]  }
0x39: {  	_ = 	snop;
	(pc) =	sbr.ind lr, $3  }
0x3a: {  	_ = 	snop  }
0x3b: {  	_ = 	snop  }
0x3c: {  	p2 =	seq.s32 s10, $0x1;
	s10 =	sld [smem:$0x3FB8]  }
0x3d: {  	_ =	shalt  }
0x3e: {  	_ =	shalt  }
0x3f: {  	_ =	shalt  }
0x40: {  	_ =	shalt  }
0x41: {  	_ =	shalt  }
0x42: {  	_ =	shalt  }
0x43: {  	_ =	shalt  }
0x44: {  	_ =	shalt  }
0x45: {  	_ =	shalt  }
0x46: {  	_ =	shalt  }
0x47: {  	_ =	shalt  }
0x48: {  	_ =	shalt  }
0x49: {  	_ =	shalt  }
0x4a: {  	_ =	shalt  }
0x4b: {  	_ =	shalt  }
0x4c: {  	_ =	shalt  }
0x4d: {  	_ =	shalt  }
0x4e: {  	_ =	shalt  }
0x4f: {  	_ =	shalt  }
0x50: {  	_ =	shalt  }
0x51: {  	_ =	shalt  }
0x52: {  	_ =	shalt  }
0x53: {  	_ =	shalt  }
0x54: {  	_ =	shalt  }
0x55: {  	_ =	shalt  }
0x56: {  	_ =	shalt  }
0x57: {  	_ =	shalt  }
0x58: {  	_ =	shalt  }
0x59: {  	_ =	shalt  }
0x5a: {  	_ =	shalt  }
0x5b: {  	_ =	shalt  }
0x5c: {  	_ =	shalt  }
0x5d: {  	_ =	shalt  }
0x5e: {  	_ =	shalt  }
0x5f: {  	_ =	shalt  }
0x60: {  	_ =	shalt  }
0x61: {  	_ =	shalt  }
0x62: {  	_ =	shalt  }
0x63: {  	_ =	shalt  }
0x64: {  	_ =	shalt  }
0x65: {  	_ =	shalt  }
0x66: {  	_ =	shalt  }
0x67: {  	_ =	shalt  }
0x68: {  	_ =	shalt  }
0x69: {  	_ =	shalt  }
0x6a: {  	_ =	shalt  }
0x6b: {  	_ =	shalt  }
0x6c: {  	_ =	shalt  }
0x6d: {  	_ =	shalt  }
0x6e: {  	_ =	shalt  }
0x6f: {  	_ =	shalt  }
0x70: {  	_ =	shalt  }
0x71: {  	_ =	shalt  }
0x72: {  	_ =	shalt  }
0x73: {  	_ =	shalt  }
0x74: {  	_ =	shalt  }
0x75: {  	_ =	shalt  }
0x76: {  	_ =	shalt  }
0x77: {  	_ =	shalt  }
0x78: {  	_ =	shalt  }
0x79: {  	_ =	shalt  }
0x7a: {  	_ =	shalt  }
0x7b: {  	_ =	shalt  }
0x7c: {  	_ =	shalt  }
0x7d: {  	_ =	shalt  }
0x7e: {  	_ =	shalt  }
0x7f: {  	_ =	shalt  }
0x80: {  	_ =	shalt  }
0x81: {  	_ =	shalt  }
0x82: {  	_ =	shalt  }
0x83: {  	_ =	shalt  }
0x84: {  	_ =	shalt  }
0x85: {  	_ =	shalt  }
0x86: {  	_ =	shalt  }
0x87: {  	_ =	shalt  }
.Lfunc_end0:
.L_simem_size_0:
called_computation_lowered:
.L_overlay_start_0:
0x88: {  	s2 =	sld [smem:$0x3FD9]  }
0x89: {  	s3 =	sld [smem:$0x3FFE];
	_ =	sdelay $0x1  }
0x8a: {  	s1 =	srdreg.scid  }
0x8b: {  	s0 =	sand.u32 $0x1, s1  }
0x8c: {  	s17 =	sshll.u32 s0, $0xA;
	s2 =	sadd.s32 s3, s2  }
0x8d: {  	s2 =	sadd.s32 s2, s17  }
0x8e: {  	[smem:$0x3FC4] =	sst s2  }
0x8f: {  	_ = 	snop  }
0x90: {  	s2 =	sld [smem:$0x3FC9]  }
0x91: {  	s18 =	sld [smem:$0x3FC8]  }
0x92: {  	s4 =	sld [smem:$0x3FC6]  }
0x93: {  	s5 =	sld [smem:$0x3FD0];
	(tm) =	ssettm $0x1  }
0x94: {  	s6 =	sld [smem:$0x3FFB];
	_ =	sdelay $0x3  }
0x95: {  	_ =	strace s6  }
0x96: {  	s6 =	sld [smem:$0x3FFC];
	_ =	sdelay $0x3  }
0x97: {  	_ =	strace s6  }
0x98: {  	s6 =	sld [smem:$0x3FFD];
	_ =	sdelay $0x3  }
0x99: {  	_ =	strace s6  }
0x9a: {  	_ =	strace $0x8FFFFFFF  }
0x9b: {  	s19 =	sld [smem:$0x3FDB];
	_ =	sdelay $0x1  }
0x9c: {  	s7 =	simm.s32 $_scs_section_size  }
0x9d: {  	s8 =	simm.s32 $_size__tile_overlayer_lowered;
	s9 =	simm.s32 $_tile_overlayer_lowered  }
0x9e: {  	s22 =	simm.s32 $0x1BFF;
	s21 =	sshll.u32 s9, $0x1;
	s6 =	sadd.s32 s7, s19  }
0x9f: {  	s10 =	simm.s32 $0x0;
	s20 =	sshll.u32 s8, $0x1;
	s8 =	sadd.s32 s21, s6  }
0xa0: {  	[timem:s10], [sflag:s22] =	dma.local [hbm:s8], s20  }
0xa1: {  	_ =	swait.ge [sflag:s22], s20  }
0xa2: {  	s7 =	ssub.s32 $0x0, s20;
	[sflag:s22] =	ssyncset.done $0x0  }
0xa3: {  	[sflag:s22] =	ssyncadd.s32 s7;
	_ =	sdelay $0x1  }
0xa4: {  	s23 =	simm.s32 $0x1B8B  }
0xa5: {  	_ =	swait.ge [sflag:s23], $0x1  }
0xa6: {  	[sflag:s23] =	ssyncset.done $0x0  }
0xa7: {  	s25 =	simm.s32 $0x1B8E;
	s24 =	sld [smem:$0x3FFE];
	[sflag:s23] =	ssyncadd.s32 $0xFFFFFFFF  }
0xa8: {  	s26 =	simm.s32 $execute0_lowered;
	[smem:$0x3FD2] =	sst s25  }
0xa9: {  	s8 =	sshll.u32 s26, $0x1;
	_ =	strace $0x80000046;
	[dreg:$0x1] =	wrdreg $0xFFFFFFFF  }
0xaa: {  	s28 =	simm.s32 $_size_execute0_lowered;
	s6 =	sadd.s32 s6, s8;
	[dreg:$0x0] =	wrdreg $0x0  }
0xab: {  	s8 =	sshll.u32 s28, $0x1;
	[dreg:$0x2] =	wrdreg s6  }
0xac: {  	[dreg:$0x3] =	wrdreg s8  }
0xad: {  	[dreg:$0x4] =	wrdreg $0xC0  }
0xae: {  	_ =	task [dreg:s10], $0x5FFFF  }
0xaf: {  	[dreg:$0x1] =	wrdreg $0xFFFFFFFF  }
0xb0: {  	[dreg:$0x0] =	wrdreg $0x60  }
0xb1: {  	[dreg:$0x2] =	wrdreg s2  }
0xb2: {  	[dreg:$0x3] =	wrdreg s18  }
0xb3: {  	[dreg:$0x4] =	wrdreg s24  }
0xb4: {  	[dreg:$0x5] =	wrdreg s4  }
0xb5: {  	[dreg:$0x6] =	wrdreg s5  }
0xb6: {  	[dreg:$0x7] =	wrdreg $0x9  }
0xb7: {  	_ =	task.clear_ibuf [dreg:s10], $0x8FFFF;
	_ =	strace $0x90000046  }
0xb8: {  	s29 =	simm.s32 $0x9;
	_ =	strace $0x80000048  }
0xb9: {  	_ =	swait.ge [sflag:s29], $0x1  }
0xba: {  	[sflag:s29] =	ssyncadd.s32 $0xFFFFFFFF  }
0xbb: {  	_ =	strace $0x90000048  }
0xbc: {  	_ =	sfence  }
0xbd: {  	s30 =	sld [smem:$0x0];
	_ =	sdelay $0x2  }
0xbe: {  	s31 =	sshll.u32 s1, $0xD;
	s1 =	sshrl.u32 s1, $0x2  }
0xbf: {  	s3 =	sand.u32 $0x4000, s31;
	s1 =	sadd.s32 s1, s30  }
0xc0: {  	s0 =	sor.u32 s3, s0;
	s1 =	sshll.u32 s1, $0x11  }
0xc1: {  	s0 =	sor.u32 s1, s0  }
0xc2: {  	s0 =	sadd.s32 $0x8F2B, s0  }
0xc3: {  	[sflag:s0] =	ssyncadd.remote.s32 $0x1  }
0xc4: {  	_ =	sfence.sel $0xFFFF  }
0xc5: {  	[dreg:$0x0] =	wrdreg $0xFFFFFFFF;
	(pc) =	sbr.abs _section_cstart, $3  }
0xc6: {  	[dreg:$0x1] =	wrdreg $0xFFFFFFFF  }
0xc7: {  	_ =	task.clear_ibuf [dreg:s10], $0x2FFFF;
	_ =	strace $0x9FFFFFFF  }
0xc8: {  	(tm) =	ssettm $0x7FFFFFFF  }
0xc9: {  	_ =	shalt  }
tec
execute0_lowered:
.L_overlay_start_1:
0x0: {  	(tag) =	ssettag $0x1  }
0x1: {  	s1 =	rddreg [dreg:$0x0]  }
0x2: {  	s2 =	rddreg [dreg:$0x1]  }
0x3: {  	s0 =	rddreg [dreg:$0x2]  }
0x4: {  	s5 =	rddreg [dreg:$0x3]  }
0x5: {  	s3 =	rddreg [dreg:$0x4];
	s6 =	srdreg.scid  }
0x6: {  	s4 =	simm.s32 $0x0;
	s16 =	stileid.u32;
	s21 =	simm.s32 $0xD  }
0x7: {  	s24 =	simm.s32 $0x5;
	s28 =	simm.s32 $0x80;
	s6 =	sand.u32 $0x1, s6  }
0x8: {  	[smem:$0x7FF] =	sst s4;
	s7 =	sadd.s32 $0x800, s0;
	s10 =	sshll.u32 s16, $0x8  }
0x9: {  	s15 =	sshll.u32 s16, $0x9;
	s8 =	ssub.s32 $0x2, s6;
	_ =	strace $0x80000047  }
0xa: {  	[dreg:$0x6] =	wrdreg s7;
	s7 =	sadd.s32 $0xA00, s0;
	s13 =	sadd.s32 s1, s10  }
0xb: {  	s12 =	sadd.s32 s2, s10;
	s10 =	sor.u32 $0x80, s10;
	s5 =	sadd.s32 s5, s15  }
0xc: {  	s15 =	sshll.u32 s16, $0xC;
	s9 =	sshrl.u32 s8, $0x1;
	[dreg:$0x8] =	wrdreg s5  }
0xd: {  	s18 =	sadd.s32 s2, s10;
	s5 =	simm.s32 $0x0;
	s29 =	ssub.s32 s8, s9  }
.Ltmp0:
0xe: {  	v0 =	vlaneseq.u32;
	s8 =	sshll.u32 s6, $0x6;
	s6 =	sshll.u32 s6, $0x15;
	(pc) =	sbr.rel .LBB2_1-.Ltmp0, $4  }
0xf: {  	v1 =	vmul.u32 $0x88, v0;
	s9 =	sshll.u32 s16, $0x1;
	s14 =	sor.u32 $0x1, s8;
	s11 =	sadd.s32 s6, s13  }
0x10: {  	s0 =	smax.u32 s29, $0x1;
	[dreg:$0x7] =	wrdreg s14;
	s14 =	sshll.u32 s14, $0xF  }
0x11: {  	v7 =	vimm.s32 $0x0;
	v4 =	vadd.s32 $0x880, v1;
	s30 =	sor.u32 s6, s10;
	v2 =	vmov s8;
	[dreg:$0x9] =	wrdreg s0;
	s31 =	sor.u32 s14, s10  }
0x12: {  	v5 =	vadd.s32 $0x1100, v1;
	v6 =	vadd.s32 $0x1980, v1;
	s17 =	sadd.s32 s1, s30;
	v3 =	vadd.s32 $0x40, v2;
	s13 =	sadd.s32 s14, s13;
	s19 =	sadd.s32 s1, s31  }
.LBB2_51:
0x13: {  	[tilespmem:s23], [sflag:s22] =	stream.indirect.gather @!p1 [hbm4b:s7+s26], $0x40, s10, s26, $0xb8;
	[tilespmem:$0x1C810] =	vst v63  }
.LBB2_52:
0x14: {  	s0 =	sadd.s32 $0xFFFFFFFF, s0  }
0x15: {  	s6 =	sshrl.u32 s0, $0x1E  }
0x16: {  	s6 =	sadd.s32 s6, s0  }
0x17: {  	s6 =	sand.u32 $0xFFFFFFFC, s6  }
0x18: {  	s0 =	ssub.s32 s0, s6  }
0x19: {  	s0 =	sadd.s32 $0x9, s0  }
0x1a: {  	_ =	swait.ge [sflag:s0], $0x2000  }
0x1b: {  	[sflag:s0] =	ssyncset.done $0x0  }
0x1c: {  	[sflag:s0] =	ssyncadd.s32 $0xFFFFE000  }
.LBB2_53:
0x1d: {  	s5 =	sadd.s32 $0x1, s5;
	s0 =	rddreg [dreg:$0x9]  }
0x1e: {  	p0 =	sne.s32 s5, s0  }
.Ltmp1:
0x1f: {  	_ = 	snop;
	(pc) =	sbr.rel @!p0 .LBB2_54-.Ltmp1, $1  }
0x20: {  	_ =	sdelay $0x3  }
.LBB2_1:
0x21: {  	s0 =	rddreg [dreg:$0x6];
	s6 =	simm.s32 $0x10800  }
0x22: {  	[tilespmem:s6], [sflag:$0xD] =	stream.linear.gather [hbm4b:s0+s4], $0x10, $0x38;
	[tilespmem:$0x1C810] =	vst v63  }
0x23: {  	_ =	swait.ge [sflag:s21], $0x10  }
0x24: {  	[sflag:s21] =	ssyncset.done $0x0  }
0x25: {  	[sflag:s21] =	ssyncadd.s32 $0xFFFFFFF0  }
0x26: {  	v8 =	vld [tilespmem:$0x10800];
	_ =	sdelay $0x4  }
0x27: {  	(v2sf) =	vpush v8, $0x0;
	_ =	sdelay $0xe  }
0x28: {  	s31 =	spop (v2sf)  }
0x29: {  	p0 =	sne.s32 s8, s31  }
.Ltmp2:
0x2a: {  	_ = 	snop;
	(pc) =	sbr.rel @p0 .LBB2_7-.Ltmp2, $2  }
0x2b: {  	_ =	sdelay $0x2  }
0x2c: {  	s0 =	simm.s32 $0x0  }
0x2d: {  	[tilespmem:s0], [sflag:$0x1] =	stream.linear.gather [hbm4b:s12+s4], $0x80, $0x38;
	[tilespmem:$0x1C810] =	vst v63  }
0x2e: {  	s30 =	sadd.s32 $0x10, s12;
	s6 =	simm.s32 $0x88  }
0x2f: {  	[tilespmem:s6], [sflag:$0x1] =	stream.linear.gather [hbm4b:s30+s4], $0x80, $0x38;
	[tilespmem:$0x1C810] =	vst v63  }
0x30: {  	s10 =	sadd.s32 $0x20, s12;
	s14 =	simm.s32 $0x110  }
0x31: {  	[tilespmem:s14], [sflag:$0x1] =	stream.linear.gather [hbm4b:s10+s4], $0x80, $0x38;
	[tilespmem:$0x1C810] =	vst v63  }
0x32: {  	s16 =	sadd.s32 $0x30, s12;
	s20 =	simm.s32 $0x198;
	s22 =	sadd.s32 $0x40, s12  }
0x33: {  	[tilespmem:s20], [sflag:$0x1] =	stream.linear.gather [hbm4b:s16+s4], $0x80, $0x38;
	[tilespmem:$0x1C810] =	vst v63  }
0x34: {  	s23 =	simm.s32 $0x220;
	s25 =	sadd.s32 $0x50, s12;
	s26 =	simm.s32 $0x2A8  }
0x35: {  	[tilespmem:s23], [sflag:$0x1] =	stream.linear.gather [hbm4b:s22+s4], $0x80, $0x38;
	[tilespmem:$0x1C810] =	vst v63  }
0x36: {  	s29 =	sadd.s32 $0x60, s12;
	s0 =	simm.s32 $0x1100;
	s30 =	simm.s32 $0x330  }
0x37: {  	[tilespmem:s26], [sflag:$0x1] =	stream.linear.gather [hbm4b:s25+s4], $0x80, $0x38;
	[tilespmem:$0x1C810] =	vst v63  }
0x38: {  	s6 =	sadd.s32 $0x1000, s12;
	s10 =	sadd.s32 $0x70, s12;
	s14 =	simm.s32 $0x3B8  }
0x39: {  	[tilespmem:s30], [sflag:$0x1] =	stream.linear.gather [hbm4b:s29+s4], $0x80, $0x38;
	[tilespmem:$0x1C810] =	vst v63  }
.LBB2_3:
0x3a: {  	[tilespmem:s14], [sflag:$0x1] =	stream.linear.gather [hbm4b:s10+s4], $0x80, $0x38;
	[tilespmem:$0x1C810] =	vst v63  }
0x3b: {  	s14 =	sshra.s32 s0, $0x2;
	p0 =	seq.s32 s0, $0x7700;
	s0 =	sadd.s32 $0x1100, s0  }
0x3c: {  	[tilespmem:s14], [sflag:$0x1] =	stream.linear.gather [hbm4b:s6+s4], $0x80, $0x38;
	[tilespmem:$0x1C810] =	vst v63  }
0x3d: {  	s10 =	sadd.s32 $0x10, s6;
	s16 =	sadd.s32 $0x88, s14  }
0x3e: {  	[tilespmem:s16], [sflag:$0x1] =	stream.linear.gather [hbm4b:s10+s4], $0x80, $0x38;
	[tilespmem:$0x1C810] =	vst v63  }
0x3f: {  	s10 =	sadd.s32 $0x20, s6;
	s16 =	sadd.s32 $0x110, s14  }
0x40: {  	[tilespmem:s16], [sflag:$0x1] =	stream.linear.gather [hbm4b:s10+s4], $0x80, $0x38;
	[tilespmem:$0x1C810] =	vst v63  }
0x41: {  	s10 =	sadd.s32 $0x30, s6;
	s16 =	sadd.s32 $0x198, s14  }
0x42: {  	[tilespmem:s16], [sflag:$0x1] =	stream.linear.gather [hbm4b:s10+s4], $0x80, $0x38;
	[tilespmem:$0x1C810] =	vst v63  }
0x43: {  	s10 =	sadd.s32 $0x40, s6;
	s16 =	sadd.s32 $0x220, s14  }
0x44: {  	[tilespmem:s16], [sflag:$0x1] =	stream.linear.gather [hbm4b:s10+s4], $0x80, $0x38;
	[tilespmem:$0x1C810] =	vst v63  }
.Ltmp3:
0x45: {  	s10 =	sadd.s32 $0x50, s6;
	s16 =	sadd.s32 $0x2A8, s14;
	(pc) =	sbr.rel @!p0 .LBB2_3-.Ltmp3, $4  }
0x46: {  	[tilespmem:s16], [sflag:$0x1] =	stream.linear.gather [hbm4b:s10+s4], $0x80, $0x38;
	[tilespmem:$0x1C810] =	vst v63  }
0x47: {  	s10 =	sadd.s32 $0x60, s6;
	s16 =	sadd.s32 $0x330, s14  }
0x48: {  	[tilespmem:s16], [sflag:$0x1] =	stream.linear.gather [hbm4b:s10+s4], $0x80, $0x38;
	[tilespmem:$0x1C810] =	vst v63  }
0x49: {  	s14 =	sadd.s32 $0x3B8, s14;
	s10 =	sadd.s32 $0x70, s6;
	s6 =	sadd.s32 $0x1000, s6  }
0x4a: {  	[tilespmem:s14], [sflag:$0x1] =	stream.linear.gather [hbm4b:s10+s4], $0x80, $0x38;
	[tilespmem:$0x1C810] =	vst v63  }
0x4b: {  	s0 =	simm.s32 $0x2200  }
0x4c: {  	[tilespmem:s0], [sflag:$0x2] =	stream.linear.gather [hbm4b:s18+s4], $0x80, $0x38;
	[tilespmem:$0x1C810] =	vst v63  }
0x4d: {  	s30 =	sadd.s32 $0x10, s18;
	s6 =	simm.s32 $0x2288  }
0x4e: {  	[tilespmem:s6], [sflag:$0x2] =	stream.linear.gather [hbm4b:s30+s4], $0x80, $0x38;
	[tilespmem:$0x1C810] =	vst v63  }
0x4f: {  	s10 =	sadd.s32 $0x20, s18;
	s14 =	simm.s32 $0x2310;
	s16 =	sadd.s32 $0x30, s18  }
0x50: {  	[tilespmem:s14], [sflag:$0x2] =	stream.linear.gather [hbm4b:s10+s4], $0x80, $0x38;
	[tilespmem:$0x1C810] =	vst v63  }
0x51: {  	s20 =	simm.s32 $0x2398;
	s22 =	sadd.s32 $0x40, s18;
	s23 =	simm.s32 $0x2420  }
0x52: {  	[tilespmem:s20], [sflag:$0x2] =	stream.linear.gather [hbm4b:s16+s4], $0x80, $0x38;
	[tilespmem:$0x1C810] =	vst v63  }
0x53: {  	s25 =	sadd.s32 $0x50, s18;
	s26 =	simm.s32 $0x24A8;
	s29 =	sadd.s32 $0x60, s18  }
0x54: {  	[tilespmem:s23], [sflag:$0x2] =	stream.linear.gather [hbm4b:s22+s4], $0x80, $0x38;
	[tilespmem:$0x1C810] =	vst v63  }
0x55: {  	s0 =	simm.s32 $0x440;
	s30 =	simm.s32 $0x2530;
	s6 =	sadd.s32 $0x1000, s18  }
0x56: {  	[tilespmem:s26], [sflag:$0x2] =	stream.linear.gather [hbm4b:s25+s4], $0x80, $0x38;
	[tilespmem:$0x1C810] =	vst v63  }
0x57: {  	s10 =	simm.s32 $0x2200;
	s14 =	sadd.s32 $0x70, s18;
	s16 =	simm.s32 $0x25B8  }
0x58: {  	[tilespmem:s30], [sflag:$0x2] =	stream.linear.gather [hbm4b:s29+s4], $0x80, $0x38;
	[tilespmem:$0x1C810] =	vst v63  }
.LBB2_5:
0x59: {  	[tilespmem:s16], [sflag:$0x2] =	stream.linear.gather [hbm4b:s14+s4], $0x80, $0x38;
	[tilespmem:$0x1C810] =	vst v63  }
0x5a: {  	s16 =	smov.u32 s0;
	s0 =	smov.u32 s10  }
0x5b: {  	s20 =	sadd.s32 $0x1100, s10;
	s0 =	sshra.s32 s0, $0x2;
	s14 =	sadd.s32 $0x2200, s16  }
0x5c: {  	[tilespmem:s14], [sflag:$0x2] =	stream.linear.gather [hbm4b:s6+s4], $0x80, $0x38;
	[tilespmem:$0x1C810] =	vst v63  }
0x5d: {  	p0 =	seq.s32 s10, $0x7700;
	s10 =	sadd.s32 $0x10, s6;
	s14 =	sadd.s32 $0x2288, s16  }
0x5e: {  	[tilespmem:s14], [sflag:$0x2] =	stream.linear.gather [hbm4b:s10+s4], $0x80, $0x38;
	[tilespmem:$0x1C810] =	vst v63  }
0x5f: {  	s10 =	sadd.s32 $0x20, s6;
	s14 =	sadd.s32 $0x2310, s16  }
0x60: {  	[tilespmem:s14], [sflag:$0x2] =	stream.linear.gather [hbm4b:s10+s4], $0x80, $0x38;
	[tilespmem:$0x1C810] =	vst v63  }
0x61: {  	s10 =	sadd.s32 $0x30, s6;
	s14 =	sadd.s32 $0x2398, s16  }
0x62: {  	[tilespmem:s14], [sflag:$0x2] =	stream.linear.gather [hbm4b:s10+s4], $0x80, $0x38;
	[tilespmem:$0x1C810] =	vst v63  }
0x63: {  	s10 =	sadd.s32 $0x40, s6;
	s14 =	sadd.s32 $0x2420, s16  }
0x64: {  	[tilespmem:s14], [sflag:$0x2] =	stream.linear.gather [hbm4b:s10+s4], $0x80, $0x38;
	[tilespmem:$0x1C810] =	vst v63  }
.Ltmp4:
0x65: {  	s10 =	sadd.s32 $0x50, s6;
	s14 =	sadd.s32 $0x24A8, s16;
	(pc) =	sbr.rel @!p0 .LBB2_5-.Ltmp4, $4  }
0x66: {  	[tilespmem:s14], [sflag:$0x2] =	stream.linear.gather [hbm4b:s10+s4], $0x80, $0x38;
	[tilespmem:$0x1C810] =	vst v63  }
0x67: {  	s10 =	sadd.s32 $0x60, s6;
	s14 =	sadd.s32 $0x2530, s16;
	s16 =	sadd.s32 $0x25B8, s16  }
0x68: {  	[tilespmem:s14], [sflag:$0x2] =	stream.linear.gather [hbm4b:s10+s4], $0x80, $0x38;
	[tilespmem:$0x1C810] =	vst v63  }
0x69: {  	s14 =	sadd.s32 $0x70, s6;
	s6 =	sadd.s32 $0x1000, s6;
	s10 =	smov.u32 s20  }
0x6a: {  	[tilespmem:s16], [sflag:$0x2] =	stream.linear.gather [hbm4b:s14+s4], $0x80, $0x38;
	[tilespmem:$0x1C810] =	vst v63  }
0x6b: {  	s10 =	sadd.s32 $0x2200, s0  }
0x6c: {  	[tilespmem:s10], [sflag:$0x2] =	stream.linear.gather [hbm4b:s6+s4], $0x80, $0x38;
	[tilespmem:$0x1C810] =	vst v63  }
0x6d: {  	s22 =	sadd.s32 $0x10, s6;
	s23 =	sadd.s32 $0x2288, s0  }
0x6e: {  	[tilespmem:s23], [sflag:$0x2] =	stream.linear.gather [hbm4b:s22+s4], $0x80, $0x38;
	[tilespmem:$0x1C810] =	vst v63  }
0x6f: {  	s25 =	sadd.s32 $0x20, s6;
	s26 =	sadd.s32 $0x2310, s0  }
0x70: {  	[tilespmem:s26], [sflag:$0x2] =	stream.linear.gather [hbm4b:s25+s4], $0x80, $0x38;
	[tilespmem:$0x1C810] =	vst v63  }
0x71: {  	s29 =	sadd.s32 $0x30, s6;
	s30 =	sadd.s32 $0x2398, s0  }
0x72: {  	[tilespmem:s30], [sflag:$0x2] =	stream.linear.gather [hbm4b:s29+s4], $0x80, $0x38;
	[tilespmem:$0x1C810] =	vst v63  }
0x73: {  	s16 =	sadd.s32 $0x40, s6;
	s20 =	sadd.s32 $0x2420, s0  }
0x74: {  	[tilespmem:s20], [sflag:$0x2] =	stream.linear.gather [hbm4b:s16+s4], $0x80, $0x38;
	[tilespmem:$0x1C810] =	vst v63  }
0x75: {  	s22 =	sadd.s32 $0x50, s6;
	s23 =	sadd.s32 $0x24A8, s0  }
0x76: {  	[tilespmem:s23], [sflag:$0x2] =	stream.linear.gather [hbm4b:s22+s4], $0x80, $0x38;
	[tilespmem:$0x1C810] =	vst v63  }
.Ltmp5:
0x77: {  	_ = 	snop;
	(pc) =	sbr.rel .LBB2_12-.Ltmp5, $4  }
0x78: {  	s25 =	sadd.s32 $0x60, s6;
	s26 =	sadd.s32 $0x2530, s0  }
0x79: {  	[tilespmem:s26], [sflag:$0x2] =	stream.linear.gather [hbm4b:s25+s4], $0x80, $0x38;
	[tilespmem:$0x1C810] =	vst v63  }
0x7a: {  	s29 =	sadd.s32 $0x70, s6;
	s30 =	sadd.s32 $0x25B8, s0  }
0x7b: {  	[tilespmem:s30], [sflag:$0x2] =	stream.linear.gather [hbm4b:s29+s4], $0x80, $0x38;
	[tilespmem:$0x1C810] =	vst v63  }
.LBB2_7:
0x7c: {  	[tilespmem:s0], [sflag:$0x1] =	stream.linear.gather [hbm4b:s11+s4], $0x80, $0x38;
	[tilespmem:$0x1C810] =	vst v63  }
0x7d: {  	s30 =	sadd.s32 $0x10, s11;
	s6 =	simm.s32 $0x88  }
0x7e: {  	[tilespmem:s6], [sflag:$0x1] =	stream.linear.gather [hbm4b:s30+s4], $0x80, $0x38;
	[tilespmem:$0x1C810] =	vst v63  }
0x7f: {  	s10 =	sadd.s32 $0x20, s11;
	s14 =	simm.s32 $0x110  }
0x80: {  	[tilespmem:s14], [sflag:$0x1] =	stream.linear.gather [hbm4b:s10+s4], $0x80, $0x38;
	[tilespmem:$0x1C810] =	vst v63  }
0x81: {  	s16 =	sadd.s32 $0x30, s11;
	s20 =	simm.s32 $0x198;
	s22 =	sadd.s32 $0x40, s11  }
0x82: {  	[tilespmem:s20], [sflag:$0x1] =	stream.linear.gather [hbm4b:s16+s4], $0x80, $0x38;
	[tilespmem:$0x1C810] =	vst v63  }
0x83: {  	s23 =	simm.s32 $0x220;
	s25 =	sadd.s32 $0x50, s11;
	s26 =	simm.s32 $0x2A8  }
0x84: {  	[tilespmem:s23], [sflag:$0x1] =	stream.linear.gather [hbm4b:s22+s4], $0x80, $0x38;
	[tilespmem:$0x1C810] =	vst v63  }
0x85: {  	s29 =	sadd.s32 $0x60, s11;
	s0 =	simm.s32 $0x1100;
	s30 =	simm.s32 $0x330  }
0x86: {  	[tilespmem:s26], [sflag:$0x1] =	stream.linear.gather [hbm4b:s25+s4], $0x80, $0x38;
	[tilespmem:$0x1C810] =	vst v63  }
0x87: {  	s6 =	sadd.s32 $0x1000, s11;
	s10 =	sadd.s32 $0x70, s11;
	s14 =	simm.s32 $0x3B8  }
0x88: {  	[tilespmem:s30], [sflag:$0x1] =	stream.linear.gather [hbm4b:s29+s4], $0x80, $0x38;
	[tilespmem:$0x1C810] =	vst v63  }
.LBB2_8:
0x89: {  	[tilespmem:s14], [sflag:$0x1] =	stream.linear.gather [hbm4b:s10+s4], $0x80, $0x38;
	[tilespmem:$0x1C810] =	vst v63  }
0x8a: {  	s14 =	sshra.s32 s0, $0x2;
	p0 =	seq.s32 s0, $0x7700;
	s0 =	sadd.s32 $0x1100, s0  }
0x8b: {  	[tilespmem:s14], [sflag:$0x1] =	stream.linear.gather [hbm4b:s6+s4], $0x80, $0x38;
	[tilespmem:$0x1C810] =	vst v63  }
0x8c: {  	s10 =	sadd.s32 $0x10, s6;
	s16 =	sadd.s32 $0x88, s14  }
0x8d: {  	[tilespmem:s16], [sflag:$0x1] =	stream.linear.gather [hbm4b:s10+s4], $0x80, $0x38;
	[tilespmem:$0x1C810] =	vst v63  }
0x8e: {  	s10 =	sadd.s32 $0x20, s6;
	s16 =	sadd.s32 $0x110, s14  }
0x8f: {  	[tilespmem:s16], [sflag:$0x1] =	stream.linear.gather [hbm4b:s10+s4], $0x80, $0x38;
	[tilespmem:$0x1C810] =	vst v63  }
0x90: {  	s10 =	sadd.s32 $0x30, s6;
	s16 =	sadd.s32 $0x198, s14  }
0x91: {  	[tilespmem:s16], [sflag:$0x1] =	stream.linear.gather [hbm4b:s10+s4], $0x80, $0x38;
	[tilespmem:$0x1C810] =	vst v63  }
0x92: {  	s10 =	sadd.s32 $0x40, s6;
	s16 =	sadd.s32 $0x220, s14  }
0x93: {  	[tilespmem:s16], [sflag:$0x1] =	stream.linear.gather [hbm4b:s10+s4], $0x80, $0x38;
	[tilespmem:$0x1C810] =	vst v63  }
.Ltmp6:
0x94: {  	s10 =	sadd.s32 $0x50, s6;
	s16 =	sadd.s32 $0x2A8, s14;
	(pc) =	sbr.rel @!p0 .LBB2_8-.Ltmp6, $4  }
0x95: {  	[tilespmem:s16], [sflag:$0x1] =	stream.linear.gather [hbm4b:s10+s4], $0x80, $0x38;
	[tilespmem:$0x1C810] =	vst v63  }
0x96: {  	s10 =	sadd.s32 $0x60, s6;
	s16 =	sadd.s32 $0x330, s14  }
0x97: {  	[tilespmem:s16], [sflag:$0x1] =	stream.linear.gather [hbm4b:s10+s4], $0x80, $0x38;
	[tilespmem:$0x1C810] =	vst v63  }
0x98: {  	s14 =	sadd.s32 $0x3B8, s14;
	s10 =	sadd.s32 $0x70, s6;
	s6 =	sadd.s32 $0x1000, s6  }
0x99: {  	[tilespmem:s14], [sflag:$0x1] =	stream.linear.gather [hbm4b:s10+s4], $0x80, $0x38;
	[tilespmem:$0x1C810] =	vst v63  }
0x9a: {  	s0 =	simm.s32 $0x2200  }
0x9b: {  	[tilespmem:s0], [sflag:$0x2] =	stream.linear.gather [hbm4b:s17+s4], $0x80, $0x38;
	[tilespmem:$0x1C810] =	vst v63  }
0x9c: {  	s30 =	sadd.s32 $0x10, s17;
	s6 =	simm.s32 $0x2288  }
0x9d: {  	[tilespmem:s6], [sflag:$0x2] =	stream.linear.gather [hbm4b:s30+s4], $0x80, $0x38;
	[tilespmem:$0x1C810] =	vst v63  }
0x9e: {  	s10 =	sadd.s32 $0x20, s17;
	s14 =	simm.s32 $0x2310;
	s16 =	sadd.s32 $0x30, s17  }
0x9f: {  	[tilespmem:s14], [sflag:$0x2] =	stream.linear.gather [hbm4b:s10+s4], $0x80, $0x38;
	[tilespmem:$0x1C810] =	vst v63  }
0xa0: {  	s20 =	simm.s32 $0x2398;
	s22 =	sadd.s32 $0x40, s17;
	s23 =	simm.s32 $0x2420  }
0xa1: {  	[tilespmem:s20], [sflag:$0x2] =	stream.linear.gather [hbm4b:s16+s4], $0x80, $0x38;
	[tilespmem:$0x1C810] =	vst v63  }
0xa2: {  	s25 =	sadd.s32 $0x50, s17;
	s26 =	simm.s32 $0x24A8;
	s29 =	sadd.s32 $0x60, s17  }
0xa3: {  	[tilespmem:s23], [sflag:$0x2] =	stream.linear.gather [hbm4b:s22+s4], $0x80, $0x38;
	[tilespmem:$0x1C810] =	vst v63  }
0xa4: {  	s0 =	simm.s32 $0x440;
	s30 =	simm.s32 $0x2530;
	s6 =	sadd.s32 $0x1000, s17  }
0xa5: {  	[tilespmem:s26], [sflag:$0x2] =	stream.linear.gather [hbm4b:s25+s4], $0x80, $0x38;
	[tilespmem:$0x1C810] =	vst v63  }
0xa6: {  	s10 =	simm.s32 $0x2200;
	s14 =	sadd.s32 $0x70, s17;
	s16 =	simm.s32 $0x25B8  }
0xa7: {  	[tilespmem:s30], [sflag:$0x2] =	stream.linear.gather [hbm4b:s29+s4], $0x80, $0x38;
	[tilespmem:$0x1C810] =	vst v63  }
.LBB2_10:
0xa8: {  	[tilespmem:s16], [sflag:$0x2] =	stream.linear.gather [hbm4b:s14+s4], $0x80, $0x38;
	[tilespmem:$0x1C810] =	vst v63  }
0xa9: {  	s16 =	smov.u32 s0;
	s0 =	smov.u32 s10  }
0xaa: {  	s20 =	sadd.s32 $0x1100, s10;
	s0 =	sshra.s32 s0, $0x2;
	s14 =	sadd.s32 $0x2200, s16  }
0xab: {  	[tilespmem:s14], [sflag:$0x2] =	stream.linear.gather [hbm4b:s6+s4], $0x80, $0x38;
	[tilespmem:$0x1C810] =	vst v63  }
0xac: {  	p0 =	sne.s32 s10, $0x7700;
	s10 =	sadd.s32 $0x10, s6;
	s14 =	sadd.s32 $0x2288, s16  }
0xad: {  	[tilespmem:s14], [sflag:$0x2] =	stream.linear.gather [hbm4b:s10+s4], $0x80, $0x38;
	[tilespmem:$0x1C810] =	vst v63  }
0xae: {  	s10 =	sadd.s32 $0x20, s6;
	s14 =	sadd.s32 $0x2310, s16  }
0xaf: {  	[tilespmem:s14], [sflag:$0x2] =	stream.linear.gather [hbm4b:s10+s4], $0x80, $0x38;
	[tilespmem:$0x1C810] =	vst v63  }
0xb0: {  	s10 =	sadd.s32 $0x30, s6;
	s14 =	sadd.s32 $0x2398, s16  }
0xb1: {  	[tilespmem:s14], [sflag:$0x2] =	stream.linear.gather [hbm4b:s10+s4], $0x80, $0x38;
	[tilespmem:$0x1C810] =	vst v63  }
0xb2: {  	s10 =	sadd.s32 $0x40, s6;
	s14 =	sadd.s32 $0x2420, s16  }
0xb3: {  	[tilespmem:s14], [sflag:$0x2] =	stream.linear.gather [hbm4b:s10+s4], $0x80, $0x38;
	[tilespmem:$0x1C810] =	vst v63  }
.Ltmp7:
0xb4: {  	s10 =	sadd.s32 $0x50, s6;
	s14 =	sadd.s32 $0x24A8, s16;
	(pc) =	sbr.rel @p0 .LBB2_10-.Ltmp7, $4  }
0xb5: {  	[tilespmem:s14], [sflag:$0x2] =	stream.linear.gather [hbm4b:s10+s4], $0x80, $0x38;
	[tilespmem:$0x1C810] =	vst v63  }
0xb6: {  	s10 =	sadd.s32 $0x60, s6;
	s14 =	sadd.s32 $0x2530, s16;
	s16 =	sadd.s32 $0x25B8, s16  }
0xb7: {  	[tilespmem:s14], [sflag:$0x2] =	stream.linear.gather [hbm4b:s10+s4], $0x80, $0x38;
	[tilespmem:$0x1C810] =	vst v63  }
0xb8: {  	s14 =	sadd.s32 $0x70, s6;
	s6 =	sadd.s32 $0x1000, s6;
	s10 =	smov.u32 s20  }
0xb9: {  	[tilespmem:s16], [sflag:$0x2] =	stream.linear.gather [hbm4b:s14+s4], $0x80, $0x38;
	[tilespmem:$0x1C810] =	vst v63  }
0xba: {  	s10 =	sadd.s32 $0x2200, s0  }
0xbb: {  	[tilespmem:s10], [sflag:$0x2] =	stream.linear.gather [hbm4b:s6+s4], $0x80, $0x38;
	[tilespmem:$0x1C810] =	vst v63  }
0xbc: {  	s22 =	sadd.s32 $0x10, s6;
	s23 =	sadd.s32 $0x2288, s0  }
0xbd: {  	[tilespmem:s23], [sflag:$0x2] =	stream.linear.gather [hbm4b:s22+s4], $0x80, $0x38;
	[tilespmem:$0x1C810] =	vst v63  }
0xbe: {  	s25 =	sadd.s32 $0x20, s6;
	s26 =	sadd.s32 $0x2310, s0  }
0xbf: {  	[tilespmem:s26], [sflag:$0x2] =	stream.linear.gather [hbm4b:s25+s4], $0x80, $0x38;
	[tilespmem:$0x1C810] =	vst v63  }
0xc0: {  	s29 =	sadd.s32 $0x30, s6;
	s30 =	sadd.s32 $0x2398, s0  }
0xc1: {  	[tilespmem:s30], [sflag:$0x2] =	stream.linear.gather [hbm4b:s29+s4], $0x80, $0x38;
	[tilespmem:$0x1C810] =	vst v63  }
0xc2: {  	s16 =	sadd.s32 $0x40, s6;
	s20 =	sadd.s32 $0x2420, s0  }
0xc3: {  	[tilespmem:s20], [sflag:$0x2] =	stream.linear.gather [hbm4b:s16+s4], $0x80, $0x38;
	[tilespmem:$0x1C810] =	vst v63  }
0xc4: {  	s22 =	sadd.s32 $0x50, s6;
	s23 =	sadd.s32 $0x24A8, s0  }
0xc5: {  	[tilespmem:s23], [sflag:$0x2] =	stream.linear.gather [hbm4b:s22+s4], $0x80, $0x38;
	[tilespmem:$0x1C810] =	vst v63  }
0xc6: {  	s25 =	sadd.s32 $0x60, s6;
	s26 =	sadd.s32 $0x2530, s0  }
0xc7: {  	[tilespmem:s26], [sflag:$0x2] =	stream.linear.gather [hbm4b:s25+s4], $0x80, $0x38;
	[tilespmem:$0x1C810] =	vst v63  }
0xc8: {  	s29 =	sadd.s32 $0x70, s6;
	s30 =	sadd.s32 $0x25B8, s0  }
0xc9: {  	[tilespmem:s30], [sflag:$0x2] =	stream.linear.gather [hbm4b:s29+s4], $0x80, $0x38;
	[tilespmem:$0x1C810] =	vst v63  }
.LBB2_12:
0xca: {  	s0 =	rddreg [dreg:$0x7]  }
0xcb: {  	p0 =	sne.s32 s0, s31  }
.Ltmp8:
0xcc: {  	_ = 	snop;
	(pc) =	sbr.rel @p0 .LBB2_18-.Ltmp8, $1  }
0xcd: {  	_ =	sdelay $0x3  }
0xce: {  	s0 =	simm.s32 $0x4400  }
0xcf: {  	[tilespmem:s0], [sflag:$0x3] =	stream.linear.gather [hbm4b:s12+s4], $0x80, $0x38;
	[tilespmem:$0x1C810] =	vst v63  }
0xd0: {  	s30 =	sadd.s32 $0x10, s12;
	s6 =	simm.s32 $0x4488  }
0xd1: {  	[tilespmem:s6], [sflag:$0x3] =	stream.linear.gather [hbm4b:s30+s4], $0x80, $0x38;
	[tilespmem:$0x1C810] =	vst v63  }
0xd2: {  	s10 =	sadd.s32 $0x20, s12;
	s14 =	simm.s32 $0x4510;
	s16 =	sadd.s32 $0x30, s12  }
0xd3: {  	[tilespmem:s14], [sflag:$0x3] =	stream.linear.gather [hbm4b:s10+s4], $0x80, $0x38;
	[tilespmem:$0x1C810] =	vst v63  }
0xd4: {  	s20 =	simm.s32 $0x4598;
	s22 =	sadd.s32 $0x40, s12;
	s23 =	simm.s32 $0x4620  }
0xd5: {  	[tilespmem:s20], [sflag:$0x3] =	stream.linear.gather [hbm4b:s16+s4], $0x80, $0x38;
	[tilespmem:$0x1C810] =	vst v63  }
0xd6: {  	s25 =	sadd.s32 $0x50, s12;
	s26 =	simm.s32 $0x46A8;
	s29 =	sadd.s32 $0x60, s12  }
0xd7: {  	[tilespmem:s23], [sflag:$0x3] =	stream.linear.gather [hbm4b:s22+s4], $0x80, $0x38;
	[tilespmem:$0x1C810] =	vst v63  }
0xd8: {  	s0 =	simm.s32 $0x440;
	s30 =	simm.s32 $0x4730;
	s6 =	sadd.s32 $0x1000, s12  }
0xd9: {  	[tilespmem:s26], [sflag:$0x3] =	stream.linear.gather [hbm4b:s25+s4], $0x80, $0x38;
	[tilespmem:$0x1C810] =	vst v63  }
0xda: {  	s10 =	simm.s32 $0x2200;
	s14 =	sadd.s32 $0x70, s12;
	s16 =	simm.s32 $0x47B8  }
0xdb: {  	[tilespmem:s30], [sflag:$0x3] =	stream.linear.gather [hbm4b:s29+s4], $0x80, $0x38;
	[tilespmem:$0x1C810] =	vst v63  }
.LBB2_14:
0xdc: {  	[tilespmem:s16], [sflag:$0x3] =	stream.linear.gather [hbm4b:s14+s4], $0x80, $0x38;
	[tilespmem:$0x1C810] =	vst v63  }
0xdd: {  	s16 =	smov.u32 s0;
	s0 =	smov.u32 s10  }
0xde: {  	s20 =	sadd.s32 $0x1100, s10;
	s0 =	sshra.s32 s0, $0x2;
	s14 =	sadd.s32 $0x4400, s16  }
0xdf: {  	[tilespmem:s14], [sflag:$0x3] =	stream.linear.gather [hbm4b:s6+s4], $0x80, $0x38;
	[tilespmem:$0x1C810] =	vst v63  }
0xe0: {  	p0 =	seq.s32 s10, $0x7700;
	s10 =	sadd.s32 $0x10, s6;
	s14 =	sadd.s32 $0x4488, s16  }
0xe1: {  	[tilespmem:s14], [sflag:$0x3] =	stream.linear.gather [hbm4b:s10+s4], $0x80, $0x38;
	[tilespmem:$0x1C810] =	vst v63  }
0xe2: {  	s10 =	sadd.s32 $0x20, s6;
	s14 =	sadd.s32 $0x4510, s16  }
0xe3: {  	[tilespmem:s14], [sflag:$0x3] =	stream.linear.gather [hbm4b:s10+s4], $0x80, $0x38;
	[tilespmem:$0x1C810] =	vst v63  }
0xe4: {  	s10 =	sadd.s32 $0x30, s6;
	s14 =	sadd.s32 $0x4598, s16  }
0xe5: {  	[tilespmem:s14], [sflag:$0x3] =	stream.linear.gather [hbm4b:s10+s4], $0x80, $0x38;
	[tilespmem:$0x1C810] =	vst v63  }
0xe6: {  	s10 =	sadd.s32 $0x40, s6;
	s14 =	sadd.s32 $0x4620, s16  }
0xe7: {  	[tilespmem:s14], [sflag:$0x3] =	stream.linear.gather [hbm4b:s10+s4], $0x80, $0x38;
	[tilespmem:$0x1C810] =	vst v63  }
.Ltmp9:
0xe8: {  	s10 =	sadd.s32 $0x50, s6;
	s14 =	sadd.s32 $0x46A8, s16;
	(pc) =	sbr.rel @!p0 .LBB2_14-.Ltmp9, $4  }
0xe9: {  	[tilespmem:s14], [sflag:$0x3] =	stream.linear.gather [hbm4b:s10+s4], $0x80, $0x38;
	[tilespmem:$0x1C810] =	vst v63  }
0xea: {  	s10 =	sadd.s32 $0x60, s6;
	s14 =	sadd.s32 $0x4730, s16;
	s16 =	sadd.s32 $0x47B8, s16  }
0xeb: {  	[tilespmem:s14], [sflag:$0x3] =	stream.linear.gather [hbm4b:s10+s4], $0x80, $0x38;
	[tilespmem:$0x1C810] =	vst v63  }
0xec: {  	s14 =	sadd.s32 $0x70, s6;
	s6 =	sadd.s32 $0x1000, s6;
	s10 =	smov.u32 s20  }
0xed: {  	[tilespmem:s16], [sflag:$0x3] =	stream.linear.gather [hbm4b:s14+s4], $0x80, $0x38;
	[tilespmem:$0x1C810] =	vst v63  }
0xee: {  	s10 =	sadd.s32 $0x4400, s0  }
0xef: {  	[tilespmem:s10], [sflag:$0x3] =	stream.linear.gather [hbm4b:s6+s4], $0x80, $0x38;
	[tilespmem:$0x1C810] =	vst v63  }
0xf0: {  	s16 =	sadd.s32 $0x10, s6;
	s20 =	sadd.s32 $0x4488, s0  }
0xf1: {  	[tilespmem:s20], [sflag:$0x3] =	stream.linear.gather [hbm4b:s16+s4], $0x80, $0x38;
	[tilespmem:$0x1C810] =	vst v63  }
0xf2: {  	s22 =	sadd.s32 $0x20, s6;
	s23 =	sadd.s32 $0x4510, s0  }
0xf3: {  	[tilespmem:s23], [sflag:$0x3] =	stream.linear.gather [hbm4b:s22+s4], $0x80, $0x38;
	[tilespmem:$0x1C810] =	vst v63  }
0xf4: {  	s25 =	sadd.s32 $0x30, s6;
	s26 =	sadd.s32 $0x4598, s0  }
0xf5: {  	[tilespmem:s26], [sflag:$0x3] =	stream.linear.gather [hbm4b:s25+s4], $0x80, $0x38;
	[tilespmem:$0x1C810] =	vst v63  }
0xf6: {  	s29 =	sadd.s32 $0x40, s6;
	s30 =	sadd.s32 $0x4620, s0  }
0xf7: {  	[tilespmem:s30], [sflag:$0x3] =	stream.linear.gather [hbm4b:s29+s4], $0x80, $0x38;
	[tilespmem:$0x1C810] =	vst v63  }
0xf8: {  	s14 =	sadd.s32 $0x50, s6;
	s16 =	sadd.s32 $0x46A8, s0  }
0xf9: {  	[tilespmem:s16], [sflag:$0x3] =	stream.linear.gather [hbm4b:s14+s4], $0x80, $0x38;
	[tilespmem:$0x1C810] =	vst v63  }
0xfa: {  	s20 =	sadd.s32 $0x60, s6;
	s22 =	sadd.s32 $0x4730, s0  }
0xfb: {  	[tilespmem:s22], [sflag:$0x3] =	stream.linear.gather [hbm4b:s20+s4], $0x80, $0x38;
	[tilespmem:$0x1C810] =	vst v63  }
0xfc: {  	s23 =	sadd.s32 $0x70, s6;
	s25 =	sadd.s32 $0x47B8, s0  }
0xfd: {  	[tilespmem:s25], [sflag:$0x3] =	stream.linear.gather [hbm4b:s23+s4], $0x80, $0x38;
	[tilespmem:$0x1C810] =	vst v63  }
0xfe: {  	s26 =	simm.s32 $0x6600  }
0xff: {  	[tilespmem:s26], [sflag:$0x4] =	stream.linear.gather [hbm4b:s18+s4], $0x80, $0x38;
	[tilespmem:$0x1C810] =	vst v63  }
0x100: {  	s29 =	sadd.s32 $0x10, s18;
	s30 =	simm.s32 $0x6688  }
0x101: {  	[tilespmem:s30], [sflag:$0x4] =	stream.linear.gather [hbm4b:s29+s4], $0x80, $0x38;
	[tilespmem:$0x1C810] =	vst v63  }
0x102: {  	s10 =	sadd.s32 $0x20, s18;
	s6 =	sadd.s32 $0x1000, s18;
	s14 =	simm.s32 $0x6710  }
0x103: {  	[tilespmem:s14], [sflag:$0x4] =	stream.linear.gather [hbm4b:s10+s4], $0x80, $0x38;
	[tilespmem:$0x1C810] =	vst v63  }
0x104: {  	s0 =	simm.s32 $0x440;
	s16 =	sadd.s32 $0x30, s18;
	s20 =	simm.s32 $0x6798  }
0x105: {  	[tilespmem:s20], [sflag:$0x4] =	stream.linear.gather [hbm4b:s16+s4], $0x80, $0x38;
	[tilespmem:$0x1C810] =	vst v63  }
0x106: {  	s22 =	sadd.s32 $0x40, s18;
	s23 =	simm.s32 $0x6820;
	s25 =	sadd.s32 $0x50, s18  }
0x107: {  	[tilespmem:s23], [sflag:$0x4] =	stream.linear.gather [hbm4b:s22+s4], $0x80, $0x38;
	[tilespmem:$0x1C810] =	vst v63  }
0x108: {  	s26 =	simm.s32 $0x68A8;
	s29 =	sadd.s32 $0x60, s18;
	s30 =	simm.s32 $0x6930  }
0x109: {  	[tilespmem:s26], [sflag:$0x4] =	stream.linear.gather [hbm4b:s25+s4], $0x80, $0x38;
	[tilespmem:$0x1C810] =	vst v63  }
0x10a: {  	s10 =	simm.s32 $0x2200;
	s14 =	sadd.s32 $0x70, s18;
	s16 =	simm.s32 $0x69B8  }
0x10b: {  	[tilespmem:s30], [sflag:$0x4] =	stream.linear.gather [hbm4b:s29+s4], $0x80, $0x38;
	[tilespmem:$0x1C810] =	vst v63  }
.LBB2_16:
0x10c: {  	[tilespmem:s16], [sflag:$0x4] =	stream.linear.gather [hbm4b:s14+s4], $0x80, $0x38;
	[tilespmem:$0x1C810] =	vst v63  }
0x10d: {  	s16 =	smov.u32 s0;
	s0 =	smov.u32 s10  }
0x10e: {  	s20 =	sadd.s32 $0x1100, s10;
	s0 =	sshra.s32 s0, $0x2;
	s14 =	sadd.s32 $0x6600, s16  }
0x10f: {  	[tilespmem:s14], [sflag:$0x4] =	stream.linear.gather [hbm4b:s6+s4], $0x80, $0x38;
	[tilespmem:$0x1C810] =	vst v63  }
0x110: {  	p0 =	seq.s32 s10, $0x7700;
	s10 =	sadd.s32 $0x10, s6;
	s14 =	sadd.s32 $0x6688, s16  }
0x111: {  	[tilespmem:s14], [sflag:$0x4] =	stream.linear.gather [hbm4b:s10+s4], $0x80, $0x38;
	[tilespmem:$0x1C810] =	vst v63  }
0x112: {  	s10 =	sadd.s32 $0x20, s6;
	s14 =	sadd.s32 $0x6710, s16  }
0x113: {  	[tilespmem:s14], [sflag:$0x4] =	stream.linear.gather [hbm4b:s10+s4], $0x80, $0x38;
	[tilespmem:$0x1C810] =	vst v63  }
0x114: {  	s10 =	sadd.s32 $0x30, s6;
	s14 =	sadd.s32 $0x6798, s16  }
0x115: {  	[tilespmem:s14], [sflag:$0x4] =	stream.linear.gather [hbm4b:s10+s4], $0x80, $0x38;
	[tilespmem:$0x1C810] =	vst v63  }
0x116: {  	s10 =	sadd.s32 $0x40, s6;
	s14 =	sadd.s32 $0x6820, s16  }
0x117: {  	[tilespmem:s14], [sflag:$0x4] =	stream.linear.gather [hbm4b:s10+s4], $0x80, $0x38;
	[tilespmem:$0x1C810] =	vst v63  }
.Ltmp10:
0x118: {  	s10 =	sadd.s32 $0x50, s6;
	s14 =	sadd.s32 $0x68A8, s16;
	(pc) =	sbr.rel @!p0 .LBB2_16-.Ltmp10, $4  }
0x119: {  	[tilespmem:s14], [sflag:$0x4] =	stream.linear.gather [hbm4b:s10+s4], $0x80, $0x38;
	[tilespmem:$0x1C810] =	vst v63  }
0x11a: {  	s10 =	sadd.s32 $0x60, s6;
	s14 =	sadd.s32 $0x6930, s16;
	s16 =	sadd.s32 $0x69B8, s16  }
0x11b: {  	[tilespmem:s14], [sflag:$0x4] =	stream.linear.gather [hbm4b:s10+s4], $0x80, $0x38;
	[tilespmem:$0x1C810] =	vst v63  }
0x11c: {  	s14 =	sadd.s32 $0x70, s6;
	s6 =	sadd.s32 $0x1000, s6;
	s10 =	smov.u32 s20  }
0x11d: {  	[tilespmem:s16], [sflag:$0x4] =	stream.linear.gather [hbm4b:s14+s4], $0x80, $0x38;
	[tilespmem:$0x1C810] =	vst v63  }
0x11e: {  	s10 =	sadd.s32 $0x6600, s0  }
0x11f: {  	[tilespmem:s10], [sflag:$0x4] =	stream.linear.gather [hbm4b:s6+s4], $0x80, $0x38;
	[tilespmem:$0x1C810] =	vst v63  }
0x120: {  	s22 =	sadd.s32 $0x10, s6;
	s23 =	sadd.s32 $0x6688, s0  }
0x121: {  	[tilespmem:s23], [sflag:$0x4] =	stream.linear.gather [hbm4b:s22+s4], $0x80, $0x38;
	[tilespmem:$0x1C810] =	vst v63  }
0x122: {  	s25 =	sadd.s32 $0x20, s6;
	s26 =	sadd.s32 $0x6710, s0  }
0x123: {  	[tilespmem:s26], [sflag:$0x4] =	stream.linear.gather [hbm4b:s25+s4], $0x80, $0x38;
	[tilespmem:$0x1C810] =	vst v63  }
0x124: {  	s29 =	sadd.s32 $0x30, s6;
	s30 =	sadd.s32 $0x6798, s0  }
0x125: {  	[tilespmem:s30], [sflag:$0x4] =	stream.linear.gather [hbm4b:s29+s4], $0x80, $0x38;
	[tilespmem:$0x1C810] =	vst v63  }
0x126: {  	s16 =	sadd.s32 $0x40, s6;
	s20 =	sadd.s32 $0x6820, s0  }
0x127: {  	[tilespmem:s20], [sflag:$0x4] =	stream.linear.gather [hbm4b:s16+s4], $0x80, $0x38;
	[tilespmem:$0x1C810] =	vst v63  }
0x128: {  	s22 =	sadd.s32 $0x50, s6;
	s23 =	sadd.s32 $0x68A8, s0  }
0x129: {  	[tilespmem:s23], [sflag:$0x4] =	stream.linear.gather [hbm4b:s22+s4], $0x80, $0x38;
	[tilespmem:$0x1C810] =	vst v63  }
.Ltmp11:
0x12a: {  	_ = 	snop;
	(pc) =	sbr.rel .LBB2_23-.Ltmp11, $4  }
0x12b: {  	s25 =	sadd.s32 $0x60, s6;
	s26 =	sadd.s32 $0x6930, s0  }
0x12c: {  	[tilespmem:s26], [sflag:$0x4] =	stream.linear.gather [hbm4b:s25+s4], $0x80, $0x38;
	[tilespmem:$0x1C810] =	vst v63  }
0x12d: {  	s29 =	sadd.s32 $0x70, s6;
	s30 =	sadd.s32 $0x69B8, s0  }
0x12e: {  	[tilespmem:s30], [sflag:$0x4] =	stream.linear.gather [hbm4b:s29+s4], $0x80, $0x38;
	[tilespmem:$0x1C810] =	vst v63  }
.LBB2_18:
0x12f: {  	s0 =	simm.s32 $0x4400  }
0x130: {  	[tilespmem:s0], [sflag:$0x3] =	stream.linear.gather [hbm4b:s13+s4], $0x80, $0x38;
	[tilespmem:$0x1C810] =	vst v63  }
0x131: {  	s30 =	sadd.s32 $0x10, s13;
	s6 =	simm.s32 $0x4488  }
0x132: {  	[tilespmem:s6], [sflag:$0x3] =	stream.linear.gather [hbm4b:s30+s4], $0x80, $0x38;
	[tilespmem:$0x1C810] =	vst v63  }
0x133: {  	s10 =	sadd.s32 $0x20, s13;
	s14 =	simm.s32 $0x4510;
	s16 =	sadd.s32 $0x30, s13  }
0x134: {  	[tilespmem:s14], [sflag:$0x3] =	stream.linear.gather [hbm4b:s10+s4], $0x80, $0x38;
	[tilespmem:$0x1C810] =	vst v63  }
0x135: {  	s20 =	simm.s32 $0x4598;
	s22 =	sadd.s32 $0x40, s13;
	s23 =	simm.s32 $0x4620  }
0x136: {  	[tilespmem:s20], [sflag:$0x3] =	stream.linear.gather [hbm4b:s16+s4], $0x80, $0x38;
	[tilespmem:$0x1C810] =	vst v63  }
0x137: {  	s25 =	sadd.s32 $0x50, s13;
	s26 =	simm.s32 $0x46A8;
	s29 =	sadd.s32 $0x60, s13  }
0x138: {  	[tilespmem:s23], [sflag:$0x3] =	stream.linear.gather [hbm4b:s22+s4], $0x80, $0x38;
	[tilespmem:$0x1C810] =	vst v63  }
0x139: {  	s0 =	simm.s32 $0x440;
	s30 =	simm.s32 $0x4730;
	s6 =	sadd.s32 $0x1000, s13  }
0x13a: {  	[tilespmem:s26], [sflag:$0x3] =	stream.linear.gather [hbm4b:s25+s4], $0x80, $0x38;
	[tilespmem:$0x1C810] =	vst v63  }
0x13b: {  	s10 =	simm.s32 $0x2200;
	s14 =	sadd.s32 $0x70, s13;
	s16 =	simm.s32 $0x47B8  }
0x13c: {  	[tilespmem:s30], [sflag:$0x3] =	stream.linear.gather [hbm4b:s29+s4], $0x80, $0x38;
	[tilespmem:$0x1C810] =	vst v63  }
.LBB2_19:
0x13d: {  	[tilespmem:s16], [sflag:$0x3] =	stream.linear.gather [hbm4b:s14+s4], $0x80, $0x38;
	[tilespmem:$0x1C810] =	vst v63  }
0x13e: {  	s16 =	smov.u32 s0;
	s0 =	smov.u32 s10  }
0x13f: {  	s20 =	sadd.s32 $0x1100, s10;
	s0 =	sshra.s32 s0, $0x2;
	s14 =	sadd.s32 $0x4400, s16  }
0x140: {  	[tilespmem:s14], [sflag:$0x3] =	stream.linear.gather [hbm4b:s6+s4], $0x80, $0x38;
	[tilespmem:$0x1C810] =	vst v63  }
0x141: {  	p0 =	seq.s32 s10, $0x7700;
	s10 =	sadd.s32 $0x10, s6;
	s14 =	sadd.s32 $0x4488, s16  }
0x142: {  	[tilespmem:s14], [sflag:$0x3] =	stream.linear.gather [hbm4b:s10+s4], $0x80, $0x38;
	[tilespmem:$0x1C810] =	vst v63  }
0x143: {  	s10 =	sadd.s32 $0x20, s6;
	s14 =	sadd.s32 $0x4510, s16  }
0x144: {  	[tilespmem:s14], [sflag:$0x3] =	stream.linear.gather [hbm4b:s10+s4], $0x80, $0x38;
	[tilespmem:$0x1C810] =	vst v63  }
0x145: {  	s10 =	sadd.s32 $0x30, s6;
	s14 =	sadd.s32 $0x4598, s16  }
0x146: {  	[tilespmem:s14], [sflag:$0x3] =	stream.linear.gather [hbm4b:s10+s4], $0x80, $0x38;
	[tilespmem:$0x1C810] =	vst v63  }
0x147: {  	s10 =	sadd.s32 $0x40, s6;
	s14 =	sadd.s32 $0x4620, s16  }
0x148: {  	[tilespmem:s14], [sflag:$0x3] =	stream.linear.gather [hbm4b:s10+s4], $0x80, $0x38;
	[tilespmem:$0x1C810] =	vst v63  }
.Ltmp12:
0x149: {  	s10 =	sadd.s32 $0x50, s6;
	s14 =	sadd.s32 $0x46A8, s16;
	(pc) =	sbr.rel @!p0 .LBB2_19-.Ltmp12, $4  }
0x14a: {  	[tilespmem:s14], [sflag:$0x3] =	stream.linear.gather [hbm4b:s10+s4], $0x80, $0x38;
	[tilespmem:$0x1C810] =	vst v63  }
0x14b: {  	s10 =	sadd.s32 $0x60, s6;
	s14 =	sadd.s32 $0x4730, s16;
	s16 =	sadd.s32 $0x47B8, s16  }
0x14c: {  	[tilespmem:s14], [sflag:$0x3] =	stream.linear.gather [hbm4b:s10+s4], $0x80, $0x38;
	[tilespmem:$0x1C810] =	vst v63  }
0x14d: {  	s14 =	sadd.s32 $0x70, s6;
	s6 =	sadd.s32 $0x1000, s6;
	s10 =	smov.u32 s20  }
0x14e: {  	[tilespmem:s16], [sflag:$0x3] =	stream.linear.gather [hbm4b:s14+s4], $0x80, $0x38;
	[tilespmem:$0x1C810] =	vst v63  }
0x14f: {  	s10 =	sadd.s32 $0x4400, s0  }
0x150: {  	[tilespmem:s10], [sflag:$0x3] =	stream.linear.gather [hbm4b:s6+s4], $0x80, $0x38;
	[tilespmem:$0x1C810] =	vst v63  }
0x151: {  	s16 =	sadd.s32 $0x10, s6;
	s20 =	sadd.s32 $0x4488, s0  }
0x152: {  	[tilespmem:s20], [sflag:$0x3] =	stream.linear.gather [hbm4b:s16+s4], $0x80, $0x38;
	[tilespmem:$0x1C810] =	vst v63  }
0x153: {  	s22 =	sadd.s32 $0x20, s6;
	s23 =	sadd.s32 $0x4510, s0  }
0x154: {  	[tilespmem:s23], [sflag:$0x3] =	stream.linear.gather [hbm4b:s22+s4], $0x80, $0x38;
	[tilespmem:$0x1C810] =	vst v63  }
0x155: {  	s25 =	sadd.s32 $0x30, s6;
	s26 =	sadd.s32 $0x4598, s0  }
0x156: {  	[tilespmem:s26], [sflag:$0x3] =	stream.linear.gather [hbm4b:s25+s4], $0x80, $0x38;
	[tilespmem:$0x1C810] =	vst v63  }
0x157: {  	s29 =	sadd.s32 $0x40, s6;
	s30 =	sadd.s32 $0x4620, s0  }
0x158: {  	[tilespmem:s30], [sflag:$0x3] =	stream.linear.gather [hbm4b:s29+s4], $0x80, $0x38;
	[tilespmem:$0x1C810] =	vst v63  }
0x159: {  	s14 =	sadd.s32 $0x50, s6;
	s16 =	sadd.s32 $0x46A8, s0  }
0x15a: {  	[tilespmem:s16], [sflag:$0x3] =	stream.linear.gather [hbm4b:s14+s4], $0x80, $0x38;
	[tilespmem:$0x1C810] =	vst v63  }
0x15b: {  	s20 =	sadd.s32 $0x60, s6;
	s22 =	sadd.s32 $0x4730, s0  }
0x15c: {  	[tilespmem:s22], [sflag:$0x3] =	stream.linear.gather [hbm4b:s20+s4], $0x80, $0x38;
	[tilespmem:$0x1C810] =	vst v63  }
0x15d: {  	s23 =	sadd.s32 $0x70, s6;
	s25 =	sadd.s32 $0x47B8, s0  }
0x15e: {  	[tilespmem:s25], [sflag:$0x3] =	stream.linear.gather [hbm4b:s23+s4], $0x80, $0x38;
	[tilespmem:$0x1C810] =	vst v63  }
0x15f: {  	s26 =	simm.s32 $0x6600  }
0x160: {  	[tilespmem:s26], [sflag:$0x4] =	stream.linear.gather [hbm4b:s19+s4], $0x80, $0x38;
	[tilespmem:$0x1C810] =	vst v63  }
0x161: {  	s29 =	sadd.s32 $0x10, s19;
	s30 =	simm.s32 $0x6688  }
0x162: {  	[tilespmem:s30], [sflag:$0x4] =	stream.linear.gather [hbm4b:s29+s4], $0x80, $0x38;
	[tilespmem:$0x1C810] =	vst v63  }
0x163: {  	s10 =	sadd.s32 $0x20, s19;
	s6 =	sadd.s32 $0x1000, s19;
	s14 =	simm.s32 $0x6710  }
0x164: {  	[tilespmem:s14], [sflag:$0x4] =	stream.linear.gather [hbm4b:s10+s4], $0x80, $0x38;
	[tilespmem:$0x1C810] =	vst v63  }
0x165: {  	s0 =	simm.s32 $0x440;
	s16 =	sadd.s32 $0x30, s19;
	s20 =	simm.s32 $0x6798  }
0x166: {  	[tilespmem:s20], [sflag:$0x4] =	stream.linear.gather [hbm4b:s16+s4], $0x80, $0x38;
	[tilespmem:$0x1C810] =	vst v63  }
0x167: {  	s22 =	sadd.s32 $0x40, s19;
	s23 =	simm.s32 $0x6820;
	s25 =	sadd.s32 $0x50, s19  }
0x168: {  	[tilespmem:s23], [sflag:$0x4] =	stream.linear.gather [hbm4b:s22+s4], $0x80, $0x38;
	[tilespmem:$0x1C810] =	vst v63  }
0x169: {  	s26 =	simm.s32 $0x68A8;
	s29 =	sadd.s32 $0x60, s19;
	s30 =	simm.s32 $0x6930  }
0x16a: {  	[tilespmem:s26], [sflag:$0x4] =	stream.linear.gather [hbm4b:s25+s4], $0x80, $0x38;
	[tilespmem:$0x1C810] =	vst v63  }
0x16b: {  	s10 =	simm.s32 $0x2200;
	s14 =	sadd.s32 $0x70, s19;
	s16 =	simm.s32 $0x69B8  }
0x16c: {  	[tilespmem:s30], [sflag:$0x4] =	stream.linear.gather [hbm4b:s29+s4], $0x80, $0x38;
	[tilespmem:$0x1C810] =	vst v63  }
.LBB2_21:
0x16d: {  	[tilespmem:s16], [sflag:$0x4] =	stream.linear.gather [hbm4b:s14+s4], $0x80, $0x38;
	[tilespmem:$0x1C810] =	vst v63  }
0x16e: {  	s16 =	smov.u32 s0;
	s0 =	smov.u32 s10  }
0x16f: {  	s20 =	sadd.s32 $0x1100, s10;
	s0 =	sshra.s32 s0, $0x2;
	s14 =	sadd.s32 $0x6600, s16  }
0x170: {  	[tilespmem:s14], [sflag:$0x4] =	stream.linear.gather [hbm4b:s6+s4], $0x80, $0x38;
	[tilespmem:$0x1C810] =	vst v63  }
0x171: {  	p0 =	sne.s32 s10, $0x7700;
	s10 =	sadd.s32 $0x10, s6;
	s14 =	sadd.s32 $0x6688, s16  }
0x172: {  	[tilespmem:s14], [sflag:$0x4] =	stream.linear.gather [hbm4b:s10+s4], $0x80, $0x38;
	[tilespmem:$0x1C810] =	vst v63  }
0x173: {  	s10 =	sadd.s32 $0x20, s6;
	s14 =	sadd.s32 $0x6710, s16  }
0x174: {  	[tilespmem:s14], [sflag:$0x4] =	stream.linear.gather [hbm4b:s10+s4], $0x80, $0x38;
	[tilespmem:$0x1C810] =	vst v63  }
0x175: {  	s10 =	sadd.s32 $0x30, s6;
	s14 =	sadd.s32 $0x6798, s16  }
0x176: {  	[tilespmem:s14], [sflag:$0x4] =	stream.linear.gather [hbm4b:s10+s4], $0x80, $0x38;
	[tilespmem:$0x1C810] =	vst v63  }
0x177: {  	s10 =	sadd.s32 $0x40, s6;
	s14 =	sadd.s32 $0x6820, s16  }
0x178: {  	[tilespmem:s14], [sflag:$0x4] =	stream.linear.gather [hbm4b:s10+s4], $0x80, $0x38;
	[tilespmem:$0x1C810] =	vst v63  }
.Ltmp13:
0x179: {  	s10 =	sadd.s32 $0x50, s6;
	s14 =	sadd.s32 $0x68A8, s16;
	(pc) =	sbr.rel @p0 .LBB2_21-.Ltmp13, $4  }
0x17a: {  	[tilespmem:s14], [sflag:$0x4] =	stream.linear.gather [hbm4b:s10+s4], $0x80, $0x38;
	[tilespmem:$0x1C810] =	vst v63  }
0x17b: {  	s10 =	sadd.s32 $0x60, s6;
	s14 =	sadd.s32 $0x6930, s16;
	s16 =	sadd.s32 $0x69B8, s16  }
0x17c: {  	[tilespmem:s14], [sflag:$0x4] =	stream.linear.gather [hbm4b:s10+s4], $0x80, $0x38;
	[tilespmem:$0x1C810] =	vst v63  }
0x17d: {  	s14 =	sadd.s32 $0x70, s6;
	s6 =	sadd.s32 $0x1000, s6;
	s10 =	smov.u32 s20  }
0x17e: {  	[tilespmem:s16], [sflag:$0x4] =	stream.linear.gather [hbm4b:s14+s4], $0x80, $0x38;
	[tilespmem:$0x1C810] =	vst v63  }
0x17f: {  	s10 =	sadd.s32 $0x6600, s0  }
0x180: {  	[tilespmem:s10], [sflag:$0x4] =	stream.linear.gather [hbm4b:s6+s4], $0x80, $0x38;
	[tilespmem:$0x1C810] =	vst v63  }
0x181: {  	s22 =	sadd.s32 $0x10, s6;
	s23 =	sadd.s32 $0x6688, s0  }
0x182: {  	[tilespmem:s23], [sflag:$0x4] =	stream.linear.gather [hbm4b:s22+s4], $0x80, $0x38;
	[tilespmem:$0x1C810] =	vst v63  }
0x183: {  	s25 =	sadd.s32 $0x20, s6;
	s26 =	sadd.s32 $0x6710, s0  }
0x184: {  	[tilespmem:s26], [sflag:$0x4] =	stream.linear.gather [hbm4b:s25+s4], $0x80, $0x38;
	[tilespmem:$0x1C810] =	vst v63  }
0x185: {  	s29 =	sadd.s32 $0x30, s6;
	s30 =	sadd.s32 $0x6798, s0  }
0x186: {  	[tilespmem:s30], [sflag:$0x4] =	stream.linear.gather [hbm4b:s29+s4], $0x80, $0x38;
	[tilespmem:$0x1C810] =	vst v63  }
0x187: {  	s16 =	sadd.s32 $0x40, s6;
	s20 =	sadd.s32 $0x6820, s0  }
0x188: {  	[tilespmem:s20], [sflag:$0x4] =	stream.linear.gather [hbm4b:s16+s4], $0x80, $0x38;
	[tilespmem:$0x1C810] =	vst v63  }
0x189: {  	s22 =	sadd.s32 $0x50, s6;
	s23 =	sadd.s32 $0x68A8, s0  }
0x18a: {  	[tilespmem:s23], [sflag:$0x4] =	stream.linear.gather [hbm4b:s22+s4], $0x80, $0x38;
	[tilespmem:$0x1C810] =	vst v63  }
0x18b: {  	s25 =	sadd.s32 $0x60, s6;
	s26 =	sadd.s32 $0x6930, s0  }
0x18c: {  	[tilespmem:s26], [sflag:$0x4] =	stream.linear.gather [hbm4b:s25+s4], $0x80, $0x38;
	[tilespmem:$0x1C810] =	vst v63  }
0x18d: {  	s29 =	sadd.s32 $0x70, s6;
	s30 =	sadd.s32 $0x69B8, s0  }
0x18e: {  	[tilespmem:s30], [sflag:$0x4] =	stream.linear.gather [hbm4b:s29+s4], $0x80, $0x38;
	[tilespmem:$0x1C810] =	vst v63  }
.LBB2_23:
.Ltmp14:
0x18f: {  	(pc) =	sbr.rel .LBB2_24-.Ltmp14, $2  }
0x190: {  	_ =	sdelay $0x2  }
0x191: {  	s0 =	simm.s32 $0x0;
	s29 =	simm.s32 $0x0;
	s30 =	simm.s32 $0x0  }
.LBB2_34:
0x192: {  	s30 =	sadd.s32 $0x1, s30  }
0x193: {  	p0 =	sne.s32 s30, $0x80  }
.Ltmp15:
0x194: {  	_ = 	snop;
	(pc) =	sbr.rel @!p0 .LBB2_35-.Ltmp15, $2  }
0x195: {  	_ =	sdelay $0x2  }
0x196: {  	s29 =	sadd.s32 $0x1, s29  }
.LBB2_24:
0x197: {  	s6 =	sand.u32 $0x3, s30  }
0x198: {  	v8 =	vmov s6  }
0x199: {  	v8 =	vmul.u32 $0x2200, v8  }
0x19a: {  	v12 =	vmov s0  }
0x19b: {  	s10 =	simm.s32 $0x1;
	s16 =	simm.s32 $0x2;
	s22 =	simm.s32 $0x3;
	v13 =	vand.u32 $0x78, v12;
	v12 =	vand.u32 $0x4, v12;
	v11 =	vbroadcast v8, $0x0  }
0x19c: {  	v16 =	vmov s10;
	v18 =	vmov s16;
	v21 =	vmov s22  }
0x19d: {  	s20 =	sadd.s32 $0x1, s6;
	v19 =	vand.u32 $0x78, v16;
	v23 =	vand.u32 $0x6, v18;
	v9 =	vadd.s32 v1, v11  }
0x19e: {  	_ =	swait.ge [sflag:s20], $0x2000;
	v18 =	vand.u32 $0x78, v18;
	v8 =	vadd.s32 v5, v11;
	v14 =	vadd.s32 v9, v13  }
0x19f: {  	p0 =	slt.u32 s30, $0x4;
	[sflag:s20] =	ssyncset.done $0x0;
	v10 =	vadd.s32 v4, v11;
	v17 =	vadd.s32 v8, v13;
	v14 =	vor.u32 v12, v14  }
0x1a0: {  	s14 =	sadd.s32 @!p0 $0x3, s6;
	[sflag:s20] =	ssyncadd.s32 $0xFFFFE000;
	v11 =	vadd.s32 v6, v11;
	v15 =	vadd.s32 v10, v13;
	v17 =	vor.u32 v12, v17  }
0x1a1: {  	_ =	swait.ge @!p0 [sflag:s14], $0x2000;
	v13 =	vadd.s32 v11, v13;
	v20 =	vadd.s32 v10, v19;
	v15 =	vor.u32 v12, v15  }
0x1a2: {  	[sflag:s14] =	ssyncset.done @!p0 $0x0;
	v26 =	vadd.s32 v10, v18;
	v27 =	vadd.s32 v8, v18;
	v12 =	vor.u32 v12, v13  }
0x1a3: {  	[sflag:s14] =	ssyncadd.s32 @!p0 $0xFFFFE000;
	v13 =	vand.u32 $0x5, v16;
	v16 =	vadd.s32 v9, v19;
	v26 =	vor.u32 v23, v26  }
0x1a4: {  	v27 =	vor.u32 v23, v27;
	v16 =	vor.u32 v13, v16;
	v22 =	vld.idx.msk [tilespmem:v14+s4+$0x0], $0xffff;
	v14 =	vor.u32 v13, v20  }
0x1a5: {  	v20 =	vadd.s32 v8, v19;
	v19 =	vadd.s32 v11, v19;
	v25 =	vld.idx.msk [tilespmem:v17+s4+$0x0], $0xffff;
	v17 =	vadd.s32 v9, v18  }
0x1a6: {  	v24 =	vld.idx.msk [tilespmem:v15+s4+$0x0], $0xffff;
	v18 =	vadd.s32 v11, v18;
	v15 =	vor.u32 v13, v20;
	v13 =	vor.u32 v13, v19  }
0x1a7: {  	v12 =	vld.idx.msk [tilespmem:v12+s4+$0x0], $0xffff;
	v19 =	vand.u32 $0x78, v21;
	v17 =	vor.u32 v23, v17;
	v20 =	vand.u32 $0x7, v21  }
0x1a8: {  	v26 =	vld.idx.msk [tilespmem:v26+s4+$0x0], $0xffff;
	v18 =	vor.u32 v23, v18;
	v21 =	vadd.s32 v11, v19;
	v23 =	vadd.s32 v9, v19  }
0x1a9: {  	v16 =	vld.idx.msk [tilespmem:v16+s4+$0x0], $0xffff;
	v28 =	vadd.s32 v10, v19;
	v19 =	vadd.s32 v8, v19;
	v21 =	vor.u32 v20, v21  }
0x1aa: {  	v23 =	vor.u32 v20, v23;
	v28 =	vor.u32 v20, v28;
	v19 =	vor.u32 v20, v19;
	v20 =	vld.idx.msk [tilespmem:v27+s4+$0x0], $0xffff  }
0x1ab: {  	v14 =	vld.idx.msk [tilespmem:v14+s4+$0x0], $0xffff  }
0x1ac: {  	v15 =	vld.idx.msk [tilespmem:v15+s4+$0x0], $0xffff  }
0x1ad: {  	v13 =	vld.idx.msk [tilespmem:v13+s4+$0x0], $0xffff  }
0x1ae: {  	v17 =	vld.idx.msk [tilespmem:v17+s4+$0x0], $0xffff  }
0x1af: {  	v18 =	vld.idx.msk [tilespmem:v18+s4+$0x0], $0xffff  }
0x1b0: {  	s23 =	sand.u32 $0x3, s29;
	v21 =	vld.idx.msk [tilespmem:v21+s4+$0x0], $0xffff  }
0x1b1: {  	s25 =	sshll.u32 s23, $0xD;
	v23 =	vld.idx.msk [tilespmem:v23+s4+$0x0], $0xffff  }
0x1b2: {  	s14 =	sor.u32 $0x8880, s25;
	v63 =	vld.idx.msk [tilespmem:v28+s4+$0x0], $0xffff  }
0x1b3: {  	v19 =	vld.idx.msk [tilespmem:v19+s4+$0x0], $0xffff;
	[tilespmem:s14+$0xFFFFFFC0] =	vst v16  }
0x1b4: {  	[tilespmem:s14+$0x10] =	vst v26  }
0x1b5: {  	[tilespmem:s14+$0x20] =	vst v20  }
0x1b6: {  	[tilespmem:s14+$0xFFFFFF80] =	vst v22  }
0x1b7: {  	[tilespmem:s14+$0xFFFFFF90] =	vst v24  }
0x1b8: {  	[tilespmem:s14+$0xFFFFFFA0] =	vst v25  }
0x1b9: {  	[tilespmem:s14+$0xFFFFFFB0] =	vst v12  }
0x1ba: {  	s16 =	simm.s32 $0x4;
	[tilespmem:s14+$0xFFFFFFD0] =	vst v14  }
0x1bb: {  	[tilespmem:s14+$0xFFFFFFF0] =	vst v13;
	v13 =	vmov s16  }
0x1bc: {  	[tilespmem:s14+$0x0] =	vst v17;
	v16 =	vand.u32 $0x78, v13  }
0x1bd: {  	s26 =	simm.s32 $0x5;
	[tilespmem:s14+$0x30] =	vst v18;
	v17 =	vand.u32 $0x4, v13;
	v13 =	vadd.s32 v9, v16  }
0x1be: {  	v18 =	vmov s26;
	[tilespmem:s14+$0x70] =	vst v21;
	v21 =	vor.u32 v17, v13;
	v13 =	vadd.s32 v10, v16  }
0x1bf: {  	s10 =	smul.u32 $0x8800, s23;
	[tilespmem:s14+$0xFFFFFFE0] =	vst v15;
	v20 =	vand.u32 $0x5, v18;
	v15 =	vadd.s32 v8, v16;
	v14 =	vor.u32 v17, v13  }
0x1c0: {  	s22 =	simm.s32 $0x6;
	[tilespmem:s14+$0x60] =	vst v19;
	v19 =	vand.u32 $0x78, v18;
	v15 =	vor.u32 v17, v15;
	v16 =	vadd.s32 v11, v16  }
0x1c1: {  	s23 =	sshrl.u32 s30, $0x1;
	s25 =	sand.u32 $0x1, s30;
	s26 =	sshrl.u32 s10, $0x2;
	[tilespmem:s14+$0x40] =	vst v23;
	v23 =	vadd.s32 v8, v19;
	v17 =	vor.u32 v17, v16;
	v16 =	vadd.s32 v9, v19  }
0x1c2: {  	s16 =	sadd.s32 s8, s23;
	s23 =	sshll.u32 s6, $0xD;
	[tilespmem:s14+$0x50] =	vst v63;
	v13 =	vmov s22;
	s22 =	simm.s32 $0x7;
	v18 =	vor.u32 v20, v16;
	v16 =	vadd.s32 v10, v19  }
0x1c3: {  	s10 =	sor.u32 s9, s25;
	v22 =	vmov s22;
	s22 =	sor.u32 $0x8800, s23;
	s23 =	simm.s32 $0x8;
	v12 =	vld.idx.msk [tilespmem:v21+s4+$0x0], $0xffff;
	v21 =	vor.u32 v20, v16;
	v16 =	vand.u32 $0x6, v13  }
.LBB2_25:
0x1c4: {  	p0 =	sne.s32 s23, $0x7C;
	v24 =	vld.idx.msk [tilespmem:v14+s4+$0x0], $0xffff;
	v14 =	vor.u32 v20, v23;
	v19 =	vadd.s32 v11, v19;
	v13 =	vand.u32 $0x78, v13  }
0x1c5: {  	v23 =	vld.idx.msk [tilespmem:v15+s4+$0x0], $0xffff;
	v15 =	vor.u32 v20, v19;
	v19 =	vadd.s32 v9, v13;
	v20 =	vand.u32 $0x78, v22  }
0x1c6: {  	v25 =	vld.idx.msk [tilespmem:v17+s4+$0x0], $0xffff;
	v17 =	vor.u32 v16, v19;
	v19 =	vand.u32 $0x7, v22;
	v22 =	vadd.s32 v11, v20  }
0x1c7: {  	v26 =	vadd.s32 v10, v13;
	v18 =	vld.idx.msk [tilespmem:v18+s4+$0x0], $0xffff;
	v22 =	vor.u32 v19, v22  }
0x1c8: {  	v27 =	vadd.s32 v8, v13;
	v26 =	vor.u32 v16, v26;
	v21 =	vld.idx.msk [tilespmem:v21+s4+$0x0], $0xffff  }
0x1c9: {  	v13 =	vadd.s32 v11, v13;
	v27 =	vor.u32 v16, v27;
	v14 =	vld.idx.msk [tilespmem:v14+s4+$0x0], $0xffff  }
0x1ca: {  	v13 =	vor.u32 v16, v13;
	v16 =	vadd.s32 v9, v20;
	v15 =	vld.idx.msk [tilespmem:v15+s4+$0x0], $0xffff  }
0x1cb: {  	v28 =	vadd.s32 v10, v20;
	v16 =	vor.u32 v19, v16;
	v17 =	vld.idx.msk [tilespmem:v17+s4+$0x0], $0xffff  }
0x1cc: {  	v20 =	vadd.s32 v8, v20;
	v28 =	vor.u32 v19, v28;
	v22 =	vld.idx.msk [tilespmem:v22+s4+$0x0], $0xffff  }
0x1cd: {  	v19 =	vor.u32 v19, v20;
	v26 =	vld.idx.msk [tilespmem:v26+s4+$0x0], $0xffff  }
0x1ce: {  	v20 =	vld.idx.msk [tilespmem:v27+s4+$0x0], $0xffff  }
0x1cf: {  	v13 =	vld.idx.msk [tilespmem:v13+s4+$0x0], $0xffff  }
0x1d0: {  	v16 =	vld.idx.msk [tilespmem:v16+s4+$0x0], $0xffff  }
0x1d1: {  	s14 =	sadd.s32 $0x100, s14;
	v27 =	vld.idx.msk [tilespmem:v28+s4+$0x0], $0xffff  }
0x1d2: {  	v19 =	vld.idx.msk [tilespmem:v19+s4+$0x0], $0xffff;
	[tilespmem:s14+$0x70] =	vst v22  }
0x1d3: {  	[tilespmem:s14+$0xFFFFFFC0] =	vst v18  }
0x1d4: {  	[tilespmem:s14+$0xFFFFFFD0] =	vst v21  }
0x1d5: {  	[tilespmem:s14+$0xFFFFFFE0] =	vst v14  }
0x1d6: {  	[tilespmem:s14+$0xFFFFFFF0] =	vst v15  }
0x1d7: {  	[tilespmem:s14+$0x0] =	vst v17  }
0x1d8: {  	[tilespmem:s14+$0x10] =	vst v26  }
0x1d9: {  	[tilespmem:s14+$0x20] =	vst v20  }
0x1da: {  	v14 =	vmov s23;
	[tilespmem:s14+$0x30] =	vst v13  }
0x1db: {  	v17 =	vand.u32 $0x78, v14;
	[tilespmem:s14+$0x40] =	vst v16  }
0x1dc: {  	s25 =	sadd.s32 $0x1, s23;
	v13 =	vadd.s32 v9, v17;
	v16 =	vand.u32 $0x4, v14;
	[tilespmem:s14+$0x50] =	vst v27  }
0x1dd: {  	v18 =	vmov s25;
	s25 =	sadd.s32 $0x2, s23;
	v21 =	vor.u32 v16, v13;
	v13 =	vadd.s32 v10, v17;
	[tilespmem:s14+$0x60] =	vst v19  }
.Ltmp16:
0x1de: {  	v15 =	vadd.s32 v8, v17;
	v14 =	vor.u32 v16, v13;
	v13 =	vmov s25;
	[tilespmem:s14+$0xFFFFFF80] =	vst v12;
	(pc) =	sbr.rel @p0 .LBB2_25-.Ltmp16, $4  }
0x1df: {  	v15 =	vor.u32 v16, v15;
	v19 =	vand.u32 $0x78, v18;
	v12 =	vadd.s32 v11, v17;
	[tilespmem:s14+$0xFFFFFF90] =	vst v24  }
0x1e0: {  	v20 =	vand.u32 $0x5, v18;
	s25 =	sadd.s32 $0x3, s23;
	v17 =	vor.u32 v16, v12;
	v12 =	vadd.s32 v9, v19;
	[tilespmem:s14+$0xFFFFFFA0] =	vst v23  }
0x1e1: {  	v22 =	vmov s25;
	v16 =	vadd.s32 v10, v19;
	v18 =	vor.u32 v20, v12;
	[tilespmem:s14+$0xFFFFFFB0] =	vst v25  }
0x1e2: {  	s23 =	sadd.s32 $0x4, s23;
	v23 =	vadd.s32 v8, v19;
	v12 =	vld.idx.msk [tilespmem:v21+s4+$0x0], $0xffff;
	v21 =	vor.u32 v20, v16;
	v16 =	vand.u32 $0x6, v13  }
0x1e3: {  	_ =	sdelay $0x3  }
0x1e4: {  	v14 =	vld.idx.msk [tilespmem:v14+s4+$0x0], $0xffff;
	v23 =	vor.u32 v20, v23;
	v19 =	vadd.s32 v11, v19;
	v13 =	vand.u32 $0x78, v13  }
0x1e5: {  	v15 =	vld.idx.msk [tilespmem:v15+s4+$0x0], $0xffff;
	v24 =	vand.u32 $0x78, v22;
	v19 =	vor.u32 v20, v19;
	v54 =	vadd.s32 v9, v13  }
0x1e6: {  	v17 =	vld.idx.msk [tilespmem:v17+s4+$0x0], $0xffff;
	v55 =	vand.u32 $0x7, v22;
	v25 =	vadd.s32 v11, v24;
	v20 =	vor.u32 v16, v54  }
0x1e7: {  	v18 =	vld.idx.msk [tilespmem:v18+s4+$0x0], $0xffff;
	v26 =	vadd.s32 v10, v13;
	v25 =	vor.u32 v55, v25  }
0x1e8: {  	v21 =	vld.idx.msk [tilespmem:v21+s4+$0x0], $0xffff;
	v27 =	vadd.s32 v8, v13;
	v26 =	vor.u32 v16, v26  }
0x1e9: {  	v56 =	vadd.s32 v11, v13;
	v27 =	vor.u32 v16, v27;
	v23 =	vld.idx.msk [tilespmem:v23+s4+$0x0], $0xffff  }
0x1ea: {  	v58 =	vadd.s32 v9, v24;
	v11 =	vor.u32 v16, v56;
	v57 =	vld.idx.msk [tilespmem:v19+s4+$0x0], $0xffff  }
0x1eb: {  	v60 =	vadd.s32 v10, v24;
	v9 =	vor.u32 v55, v58;
	v59 =	vld.idx.msk [tilespmem:v20+s4+$0x0], $0xffff  }
0x1ec: {  	v8 =	vadd.s32 v8, v24;
	v10 =	vor.u32 v55, v60;
	v61 =	vld.idx.msk [tilespmem:v25+s4+$0x0], $0xffff  }
0x1ed: {  	v8 =	vor.u32 v55, v8;
	v62 =	vld.idx.msk [tilespmem:v26+s4+$0x0], $0xffff  }
0x1ee: {  	v63 =	vld.idx.msk [tilespmem:v27+s4+$0x0], $0xffff  }
0x1ef: {  	v11 =	vld.idx.msk [tilespmem:v11+s4+$0x0], $0xffff  }
0x1f0: {  	v9 =	vld.idx.msk [tilespmem:v9+s4+$0x0], $0xffff  }
0x1f1: {  	s14 =	sadd.s32 $0x100, s14;
	v10 =	vld.idx.msk [tilespmem:v10+s4+$0x0], $0xffff  }
0x1f2: {  	v8 =	vld.idx.msk [tilespmem:v8+s4+$0x0], $0xffff;
	[tilespmem:s14+$0xFFFFFFC0] =	vst v18  }
0x1f3: {  	[tilespmem:s14+$0xFFFFFFD0] =	vst v21  }
0x1f4: {  	[tilespmem:s14+$0xFFFFFF80] =	vst v12  }
0x1f5: {  	[tilespmem:s14+$0xFFFFFF90] =	vst v14  }
0x1f6: {  	[tilespmem:s14+$0xFFFFFFA0] =	vst v15  }
0x1f7: {  	[tilespmem:s14+$0xFFFFFFB0] =	vst v17  }
0x1f8: {  	[tilespmem:s14+$0xFFFFFFE0] =	vst v23  }
0x1f9: {  	[tilespmem:s14+$0xFFFFFFF0] =	vst v57  }
0x1fa: {  	[tilespmem:s14+$0x70] =	vst v61  }
0x1fb: {  	[tilespmem:s14+$0x0] =	vst v59  }
0x1fc: {  	[tilespmem:s14+$0x10] =	vst v62  }
0x1fd: {  	p0 =	sgt.u32 s30, $0x7B;
	[tilespmem:s14+$0x20] =	vst v63  }
.Ltmp17:
0x1fe: {  	[tilespmem:s14+$0x30] =	vst v11;
	(pc) =	sbr.rel @p0 .LBB2_34-.Ltmp17, $4  }
0x1ff: {  	s23 =	sshll.u32 s10, $0xA;
	[tilespmem:s14+$0x40] =	vst v9  }
0x200: {  	s25 =	sshll.u32 s16, $0xF;
	s23 =	sadd.s32 s7, s23;
	[tilespmem:s14+$0x50] =	vst v10  }
0x201: {  	s6 =	sadd.s32 $0x3, s6;
	s25 =	sadd.s32 s25, s23;
	[tilespmem:s14+$0x60] =	vst v8  }
0x202: {  	[hbm4b:s25+s4] =	stream.linear.scatter [tilespmem:s22], [sflag:s6], $0x2000, $0x38;
	[tilespmem:$0x1C810] =	vst v63  }
0x203: {  	s14 =	sadd.s32 $0x2, s16  }
0x204: {  	p0 =	sne.s32 s14, s31  }
.Ltmp18:
0x205: {  	_ = 	snop;
	(pc) =	sbr.rel @p0 .LBB2_31-.Ltmp18, $2  }
0x206: {  	_ =	sdelay $0x2  }
0x207: {  	s6 =	sshll.u32 s10, $0x7  }
0x208: {  	s6 =	sadd.s32 s2, s6;
	s22 =	sadd.s32 $0x0, s26  }
0x209: {  	[tilespmem:s22], [sflag:s20] =	stream.linear.gather [hbm4b:s6+s4], $0x80, $0x38;
	[tilespmem:$0x1C810] =	vst v63  }
0x20a: {  	s10 =	sadd.s32 $0x10, s6;
	s14 =	sadd.s32 $0x88, s22  }
0x20b: {  	[tilespmem:s14], [sflag:s20] =	stream.linear.gather [hbm4b:s10+s4], $0x80, $0x38;
	[tilespmem:$0x1C810] =	vst v63  }
0x20c: {  	s23 =	sadd.s32 $0x20, s6;
	s25 =	sadd.s32 $0x110, s22;
	s16 =	sadd.s32 $0x198, s22  }
0x20d: {  	[tilespmem:s25], [sflag:s20] =	stream.linear.gather [hbm4b:s23+s4], $0x80, $0x38;
	[tilespmem:$0x1C810] =	vst v63  }
0x20e: {  	s14 =	sadd.s32 $0x30, s6;
	s10 =	simm.s32 $0x440;
	s23 =	sadd.s32 $0x40, s6  }
0x20f: {  	[tilespmem:s16], [sflag:s20] =	stream.linear.gather [hbm4b:s14+s4], $0x80, $0x38;
	[tilespmem:$0x1C810] =	vst v63  }
0x210: {  	s25 =	sadd.s32 $0x220, s22;
	s14 =	sadd.s32 $0x50, s6;
	s16 =	sadd.s32 $0x2A8, s22  }
0x211: {  	[tilespmem:s25], [sflag:s20] =	stream.linear.gather [hbm4b:s23+s4], $0x80, $0x38;
	[tilespmem:$0x1C810] =	vst v63  }
0x212: {  	s23 =	sadd.s32 $0x60, s6;
	s25 =	sadd.s32 $0x330, s22;
	s22 =	sadd.s32 $0x3B8, s22  }
0x213: {  	[tilespmem:s16], [sflag:s20] =	stream.linear.gather [hbm4b:s14+s4], $0x80, $0x38;
	[tilespmem:$0x1C810] =	vst v63  }
0x214: {  	s14 =	simm.s32 $0x2200;
	s16 =	sadd.s32 $0x70, s6;
	s6 =	sadd.s32 $0x1000, s6  }
0x215: {  	[tilespmem:s25], [sflag:s20] =	stream.linear.gather [hbm4b:s23+s4], $0x80, $0x38;
	[tilespmem:$0x1C810] =	vst v63  }
.LBB2_29:
0x216: {  	[tilespmem:s22], [sflag:s20] =	stream.linear.gather [hbm4b:s16+s4], $0x80, $0x38;
	[tilespmem:$0x1C810] =	vst v63  }
0x217: {  	s16 =	smov.u32 s14  }
0x218: {  	s23 =	sadd.s32 $0x1100, s14;
	s22 =	sadd.s32 s10, s26;
	s10 =	sshra.s32 s16, $0x2  }
0x219: {  	[tilespmem:s22], [sflag:s20] =	stream.linear.gather [hbm4b:s6+s4], $0x80, $0x38;
	[tilespmem:$0x1C810] =	vst v63  }
0x21a: {  	p0 =	seq.s32 s14, $0x7700;
	s14 =	sadd.s32 $0x10, s6;
	s16 =	sadd.s32 $0x88, s22  }
0x21b: {  	[tilespmem:s16], [sflag:s20] =	stream.linear.gather [hbm4b:s14+s4], $0x80, $0x38;
	[tilespmem:$0x1C810] =	vst v63  }
0x21c: {  	s14 =	sadd.s32 $0x20, s6;
	s16 =	sadd.s32 $0x110, s22  }
0x21d: {  	[tilespmem:s16], [sflag:s20] =	stream.linear.gather [hbm4b:s14+s4], $0x80, $0x38;
	[tilespmem:$0x1C810] =	vst v63  }
0x21e: {  	s14 =	sadd.s32 $0x30, s6;
	s16 =	sadd.s32 $0x198, s22  }
0x21f: {  	[tilespmem:s16], [sflag:s20] =	stream.linear.gather [hbm4b:s14+s4], $0x80, $0x38;
	[tilespmem:$0x1C810] =	vst v63  }
0x220: {  	s14 =	sadd.s32 $0x40, s6;
	s16 =	sadd.s32 $0x220, s22  }
0x221: {  	[tilespmem:s16], [sflag:s20] =	stream.linear.gather [hbm4b:s14+s4], $0x80, $0x38;
	[tilespmem:$0x1C810] =	vst v63  }
.Ltmp19:
0x222: {  	s14 =	sadd.s32 $0x50, s6;
	s16 =	sadd.s32 $0x2A8, s22;
	(pc) =	sbr.rel @!p0 .LBB2_29-.Ltmp19, $4  }
0x223: {  	[tilespmem:s16], [sflag:s20] =	stream.linear.gather [hbm4b:s14+s4], $0x80, $0x38;
	[tilespmem:$0x1C810] =	vst v63  }
0x224: {  	s14 =	sadd.s32 $0x60, s6;
	s16 =	sadd.s32 $0x330, s22;
	s22 =	sadd.s32 $0x3B8, s22  }
0x225: {  	[tilespmem:s16], [sflag:s20] =	stream.linear.gather [hbm4b:s14+s4], $0x80, $0x38;
	[tilespmem:$0x1C810] =	vst v63  }
0x226: {  	s16 =	sadd.s32 $0x70, s6;
	s6 =	sadd.s32 $0x1000, s6;
	s14 =	smov.u32 s23  }
0x227: {  	[tilespmem:s22], [sflag:s20] =	stream.linear.gather [hbm4b:s16+s4], $0x80, $0x38;
	[tilespmem:$0x1C810] =	vst v63  }
0x228: {  	s10 =	sadd.s32 s10, s26  }
0x229: {  	[tilespmem:s10], [sflag:s20] =	stream.linear.gather [hbm4b:s6+s4], $0x80, $0x38;
	[tilespmem:$0x1C810] =	vst v63  }
0x22a: {  	s14 =	sadd.s32 $0x10, s6;
	s23 =	sadd.s32 $0x88, s10  }
0x22b: {  	[tilespmem:s23], [sflag:s20] =	stream.linear.gather [hbm4b:s14+s4], $0x80, $0x38;
	[tilespmem:$0x1C810] =	vst v63  }
0x22c: {  	s25 =	sadd.s32 $0x20, s6;
	s26 =	sadd.s32 $0x110, s10  }
0x22d: {  	[tilespmem:s26], [sflag:s20] =	stream.linear.gather [hbm4b:s25+s4], $0x80, $0x38;
	[tilespmem:$0x1C810] =	vst v63  }
0x22e: {  	s22 =	sadd.s32 $0x30, s6;
	s23 =	sadd.s32 $0x198, s10  }
0x22f: {  	[tilespmem:s23], [sflag:s20] =	stream.linear.gather [hbm4b:s22+s4], $0x80, $0x38;
	[tilespmem:$0x1C810] =	vst v63  }
0x230: {  	s25 =	sadd.s32 $0x40, s6;
	s26 =	sadd.s32 $0x220, s10  }
0x231: {  	[tilespmem:s26], [sflag:s20] =	stream.linear.gather [hbm4b:s25+s4], $0x80, $0x38;
	[tilespmem:$0x1C810] =	vst v63  }
0x232: {  	s16 =	sadd.s32 $0x50, s6;
	s22 =	sadd.s32 $0x2A8, s10  }
0x233: {  	[tilespmem:s22], [sflag:s20] =	stream.linear.gather [hbm4b:s16+s4], $0x80, $0x38;
	[tilespmem:$0x1C810] =	vst v63  }
.Ltmp20:
0x234: {  	_ = 	snop;
	(pc) =	sbr.rel .LBB2_34-.Ltmp20, $4  }
0x235: {  	s23 =	sadd.s32 $0x60, s6;
	s25 =	sadd.s32 $0x330, s10  }
0x236: {  	[tilespmem:s25], [sflag:s20] =	stream.linear.gather [hbm4b:s23+s4], $0x80, $0x38;
	[tilespmem:$0x1C810] =	vst v63  }
0x237: {  	s26 =	sadd.s32 $0x70, s6;
	s10 =	sadd.s32 $0x3B8, s10  }
0x238: {  	[tilespmem:s10], [sflag:s20] =	stream.linear.gather [hbm4b:s26+s4], $0x80, $0x38;
	[tilespmem:$0x1C810] =	vst v63  }
.LBB2_31:
0x239: {  	s10 =	sshll.u32 s14, $0xF;
	s6 =	sadd.s32 s1, s6  }
0x23a: {  	s22 =	sadd.s32 $0x0, s26;
	s6 =	sadd.s32 s10, s6  }
0x23b: {  	[tilespmem:s22], [sflag:s20] =	stream.linear.gather [hbm4b:s6+s4], $0x80, $0x38;
	[tilespmem:$0x1C810] =	vst v63  }
0x23c: {  	s16 =	sadd.s32 $0x88, s22;
	s10 =	sadd.s32 $0x10, s6  }
0x23d: {  	[tilespmem:s16], [sflag:s20] =	stream.linear.gather [hbm4b:s10+s4], $0x80, $0x38;
	[tilespmem:$0x1C810] =	vst v63  }
0x23e: {  	s25 =	sadd.s32 $0x110, s22;
	s23 =	sadd.s32 $0x20, s6;
	s14 =	sadd.s32 $0x30, s6  }
0x23f: {  	[tilespmem:s25], [sflag:s20] =	stream.linear.gather [hbm4b:s23+s4], $0x80, $0x38;
	[tilespmem:$0x1C810] =	vst v63  }
0x240: {  	s16 =	sadd.s32 $0x198, s22;
	s10 =	simm.s32 $0x440;
	s23 =	sadd.s32 $0x40, s6  }
0x241: {  	[tilespmem:s16], [sflag:s20] =	stream.linear.gather [hbm4b:s14+s4], $0x80, $0x38;
	[tilespmem:$0x1C810] =	vst v63  }
0x242: {  	s25 =	sadd.s32 $0x220, s22;
	s14 =	sadd.s32 $0x50, s6;
	s16 =	sadd.s32 $0x2A8, s22  }
0x243: {  	[tilespmem:s25], [sflag:s20] =	stream.linear.gather [hbm4b:s23+s4], $0x80, $0x38;
	[tilespmem:$0x1C810] =	vst v63  }
0x244: {  	s23 =	sadd.s32 $0x60, s6;
	s25 =	sadd.s32 $0x330, s22;
	s22 =	sadd.s32 $0x3B8, s22  }
0x245: {  	[tilespmem:s16], [sflag:s20] =	stream.linear.gather [hbm4b:s14+s4], $0x80, $0x38;
	[tilespmem:$0x1C810] =	vst v63  }
0x246: {  	s14 =	simm.s32 $0x2200;
	s16 =	sadd.s32 $0x70, s6;
	s6 =	sadd.s32 $0x1000, s6  }
0x247: {  	[tilespmem:s25], [sflag:s20] =	stream.linear.gather [hbm4b:s23+s4], $0x80, $0x38;
	[tilespmem:$0x1C810] =	vst v63  }
.LBB2_32:
0x248: {  	[tilespmem:s22], [sflag:s20] =	stream.linear.gather [hbm4b:s16+s4], $0x80, $0x38;
	[tilespmem:$0x1C810] =	vst v63  }
0x249: {  	s16 =	smov.u32 s14  }
0x24a: {  	s23 =	sadd.s32 $0x1100, s14;
	s22 =	sadd.s32 s10, s26;
	s10 =	sshra.s32 s16, $0x2  }
0x24b: {  	[tilespmem:s22], [sflag:s20] =	stream.linear.gather [hbm4b:s6+s4], $0x80, $0x38;
	[tilespmem:$0x1C810] =	vst v63  }
0x24c: {  	p0 =	sne.s32 s14, $0x7700;
	s14 =	sadd.s32 $0x10, s6;
	s16 =	sadd.s32 $0x88, s22  }
0x24d: {  	[tilespmem:s16], [sflag:s20] =	stream.linear.gather [hbm4b:s14+s4], $0x80, $0x38;
	[tilespmem:$0x1C810] =	vst v63  }
0x24e: {  	s14 =	sadd.s32 $0x20, s6;
	s16 =	sadd.s32 $0x110, s22  }
0x24f: {  	[tilespmem:s16], [sflag:s20] =	stream.linear.gather [hbm4b:s14+s4], $0x80, $0x38;
	[tilespmem:$0x1C810] =	vst v63  }
0x250: {  	s14 =	sadd.s32 $0x30, s6;
	s16 =	sadd.s32 $0x198, s22  }
0x251: {  	[tilespmem:s16], [sflag:s20] =	stream.linear.gather [hbm4b:s14+s4], $0x80, $0x38;
	[tilespmem:$0x1C810] =	vst v63  }
0x252: {  	s14 =	sadd.s32 $0x40, s6;
	s16 =	sadd.s32 $0x220, s22  }
0x253: {  	[tilespmem:s16], [sflag:s20] =	stream.linear.gather [hbm4b:s14+s4], $0x80, $0x38;
	[tilespmem:$0x1C810] =	vst v63  }
.Ltmp21:
0x254: {  	s14 =	sadd.s32 $0x50, s6;
	s16 =	sadd.s32 $0x2A8, s22;
	(pc) =	sbr.rel @p0 .LBB2_32-.Ltmp21, $4  }
0x255: {  	[tilespmem:s16], [sflag:s20] =	stream.linear.gather [hbm4b:s14+s4], $0x80, $0x38;
	[tilespmem:$0x1C810] =	vst v63  }
0x256: {  	s14 =	sadd.s32 $0x60, s6;
	s16 =	sadd.s32 $0x330, s22;
	s22 =	sadd.s32 $0x3B8, s22  }
0x257: {  	[tilespmem:s16], [sflag:s20] =	stream.linear.gather [hbm4b:s14+s4], $0x80, $0x38;
	[tilespmem:$0x1C810] =	vst v63  }
0x258: {  	s16 =	sadd.s32 $0x70, s6;
	s6 =	sadd.s32 $0x1000, s6;
	s14 =	smov.u32 s23  }
0x259: {  	[tilespmem:s22], [sflag:s20] =	stream.linear.gather [hbm4b:s16+s4], $0x80, $0x38;
	[tilespmem:$0x1C810] =	vst v63  }
0x25a: {  	s10 =	sadd.s32 s10, s26  }
0x25b: {  	[tilespmem:s10], [sflag:s20] =	stream.linear.gather [hbm4b:s6+s4], $0x80, $0x38;
	[tilespmem:$0x1C810] =	vst v63  }
0x25c: {  	s14 =	sadd.s32 $0x10, s6;
	s23 =	sadd.s32 $0x88, s10  }
0x25d: {  	[tilespmem:s23], [sflag:s20] =	stream.linear.gather [hbm4b:s14+s4], $0x80, $0x38;
	[tilespmem:$0x1C810] =	vst v63  }
0x25e: {  	s25 =	sadd.s32 $0x20, s6;
	s26 =	sadd.s32 $0x110, s10  }
0x25f: {  	[tilespmem:s26], [sflag:s20] =	stream.linear.gather [hbm4b:s25+s4], $0x80, $0x38;
	[tilespmem:$0x1C810] =	vst v63  }
0x260: {  	s22 =	sadd.s32 $0x30, s6;
	s23 =	sadd.s32 $0x198, s10  }
0x261: {  	[tilespmem:s23], [sflag:s20] =	stream.linear.gather [hbm4b:s22+s4], $0x80, $0x38;
	[tilespmem:$0x1C810] =	vst v63  }
0x262: {  	s25 =	sadd.s32 $0x40, s6;
	s26 =	sadd.s32 $0x220, s10  }
0x263: {  	[tilespmem:s26], [sflag:s20] =	stream.linear.gather [hbm4b:s25+s4], $0x80, $0x38;
	[tilespmem:$0x1C810] =	vst v63  }
0x264: {  	s16 =	sadd.s32 $0x50, s6;
	s22 =	sadd.s32 $0x2A8, s10  }
0x265: {  	[tilespmem:s22], [sflag:s20] =	stream.linear.gather [hbm4b:s16+s4], $0x80, $0x38;
	[tilespmem:$0x1C810] =	vst v63  }
.Ltmp22:
0x266: {  	_ = 	snop;
	(pc) =	sbr.rel .LBB2_34-.Ltmp22, $4  }
0x267: {  	s23 =	sadd.s32 $0x60, s6;
	s25 =	sadd.s32 $0x330, s10  }
0x268: {  	[tilespmem:s25], [sflag:s20] =	stream.linear.gather [hbm4b:s23+s4], $0x80, $0x38;
	[tilespmem:$0x1C810] =	vst v63  }
0x269: {  	s26 =	sadd.s32 $0x70, s6;
	s10 =	sadd.s32 $0x3B8, s10  }
0x26a: {  	[tilespmem:s10], [sflag:s20] =	stream.linear.gather [hbm4b:s26+s4], $0x80, $0x38;
	[tilespmem:$0x1C810] =	vst v63  }
.LBB2_35:
0x26b: {  	s0 =	simm.s32 $0x3  }
0x26c: {  	_ =	swait.ge [sflag:s0], $0x2000  }
0x26d: {  	[sflag:s0] =	ssyncset.done $0x0  }
0x26e: {  	s26 =	simm.s32 $0x4;
	[sflag:s0] =	ssyncadd.s32 $0xFFFFE000  }
0x26f: {  	_ =	swait.ge [sflag:s26], $0x2000  }
0x270: {  	[sflag:s26] =	ssyncset.done $0x0  }
0x271: {  	[sflag:s26] =	ssyncadd.s32 $0xFFFFE000  }
0x272: {  	_ =	swait.ge [sflag:s24], $0x2000  }
0x273: {  	[sflag:s24] =	ssyncset.done $0x0  }
0x274: {  	s29 =	simm.s32 $0x6;
	[sflag:s24] =	ssyncadd.s32 $0xFFFFE000  }
0x275: {  	_ =	swait.ge [sflag:s29], $0x2000  }
0x276: {  	[sflag:s29] =	ssyncset.done $0x0  }
0x277: {  	[sflag:s29] =	ssyncadd.s32 $0xFFFFE000  }
0x278: {  	[bflag:$0x0] =	sbarrier.arrive $0xFFFF  }
0x279: {  	s10 =	simm.s32 $0x10810;
	s0 =	simm.s32 $0x0;
	s6 =	rddreg [dreg:$0x8]  }
0x27a: {  	[tilespmem:s10], [sflag:$0xD] =	stream.linear.gather [hbm4b:s6+s0], $0x1000, $0x38;
	[tilespmem:$0x1C810] =	vst v63  }
0x27b: {  	_ =	swait.ge [sflag:s21], $0x1000  }
0x27c: {  	[sflag:s21] =	ssyncset.done $0x0  }
0x27d: {  	s30 =	sand.u32 $0xFF0, s0;
	[sflag:s21] =	ssyncadd.s32 $0xFFFFF000  }
0x27e: {  	v9 =	vld [tilespmem:s30+$0x10810];
	_ =	sdelay $0x4  }
0x27f: {  	v8 =	vshrl.u32 v9, $0xC  }
0x280: {  	vm0 =	vge.u32 v8, v2;
	vm1 =	vlt.u32 v8, v3  }
0x281: {  	vm0 =	vmand vm0, vm1  }
0x282: {  	v8 =	vsel vm0, $0x1, v7  }
0x283: {  	(xrf0) =	vadd.scan.msk.s32 $0xffff, v8;
	_ =	sdelay $0x5  }
0x284: {  	v8, _, _ =	vpop (xrf0)  }
0x285: {  	(v2sf) =	vpush v8, $0xF;
	_ =	sdelay $0xe  }
0x286: {  	s31 =	spop (v2sf)  }
0x287: {  	p1 =	slt.s32 s31, $0x1  }
0x288: {  	s14 =	sadd.s32 @!p1 $0x0, s15;
	v8 =	vlaneseq.u32 @!p1  }
0x289: {  	s10 =	simm.s32 $0x10;
	s6 =	sadd.s32 $0x0, s31;
	[tilespmem:s0+$0x11810] =	vst.msk @!p1 vm0, v9;
	v8 =	vor.u32 @!p1 s14, v8  }
.LBB2_36:
0x28a: {  	s14 =	smov.u32 s6  }
0x28b: {  	s16 =	sand.u32 $0xFF0, s10;
	s20 =	smov.u32 s10;
	s10 =	sadd.s32 $0x10, s10;
	[tilespmem:s0+$0x12810] =	vst.msk @!p1 vm0, v8  }
0x28c: {  	p0 =	sne.s32 s10, $0x1000;
	s0 =	smov.u32 s6;
	v9 =	vld [tilespmem:s16+$0x10810];
	_ =	sdelay $0x4  }
0x28d: {  	v8 =	vshrl.u32 v9, $0xC  }
0x28e: {  	vm0 =	vge.u32 v8, v2;
	vm1 =	vlt.u32 v8, v3  }
0x28f: {  	vm0 =	vmand vm0, vm1  }
0x290: {  	v8 =	vsel vm0, $0x1, v7  }
0x291: {  	(xrf0) =	vadd.scan.msk.s32 $0xffff, v8;
	_ =	sdelay $0x5  }
0x292: {  	v8, _, _ =	vpop (xrf0)  }
0x293: {  	(v2sf) =	vpush v8, $0xF;
	_ =	sdelay $0xd  }
.Ltmp23:
0x294: {  	(pc) =	sbr.rel @p0 .LBB2_36-.Ltmp23, $4  }
0x295: {  	s16 =	spop (v2sf)  }
0x296: {  	p1 =	slt.s32 s16, $0x1;
	s6 =	sadd.s32 s6, s16  }
0x297: {  	s20 =	sadd.s32 @!p1 s20, s15;
	v8 =	vlaneseq.u32 @!p1  }
0x298: {  	v8 =	vor.u32 @!p1 s20, v8;
	[tilespmem:s0+$0x11810] =	vst.msk @!p1 vm0, v9  }
0x299: {  	p0 =	slt.s32 s6, $0x1  }
.Ltmp24:
0x29a: {  	_ = 	snop;
	(pc) =	sbr.rel @p0 .LBB2_53-.Ltmp24, $2  }
0x29b: {  	_ =	sdelay $0x2  }
0x29c: {  	[tilespmem:s0+$0x12810] =	vst.msk @!p1 vm0, v8  }
0x29d: {  	s10 =	sadd.s32 $0x7F, s6  }
0x29e: {  	s0 =	sshra.s32 s10, $0x1F  }
0x29f: {  	s0 =	sshrl.u32 s0, $0x19  }
0x2a0: {  	s0 =	sadd.s32 s0, s10  }
0x2a1: {  	v8 =	vld.msk [tilespmem:$0x11810 ss:$0x0], $0xffff;
	s0 =	sshra.s32 s0, $0x7  }
0x2a2: {  	v9 =	vld.msk [tilespmem:$0x12810 ss:$0x0], $0xffff;
	s22 =	sand.u32 $0x7FFFFFF0, s6;
	s20 =	sand.u32 $0xF, s6;
	s31 =	sshll.u32 s0, $0x7  }
0x2a3: {  	v10 =	vld [tilespmem:s22+$0x11810];
	v12 =	vmov s20;
	s20 =	ssub.s32 s31, s22  }
0x2a4: {  	v11 =	vld [tilespmem:s22+$0x12810];
	s20 =	sshra.s32 s20, $0x4  }
0x2a5: {  	p0 =	slt.s32 s20, $0x2  }
.Ltmp25:
0x2a6: {  	_ = 	snop;
	(pc) =	sbr.rel @p0 .LBB2_41-.Ltmp25, $4  }
0x2a7: {  	vm0 =	vgt.u32 v12, v0  }
0x2a8: {  	v10 =	vsel vm0, v10, v8  }
0x2a9: {  	[tilespmem:s22+$0x11810] =	vst v10;
	v10 =	vsel vm0, v11, v9  }
0x2aa: {  	[tilespmem:s22+$0x12810] =	vst v10  }
0x2ab: {  	s14 =	sadd.s32 s14, s16;
	s30 =	sadd.s32 $0xFFFFFFFF, s20  }
0x2ac: {  	s14 =	sshll.u32 s14, $0x2;
	p0 =	sne.s32 s30, $0x1  }
.Ltmp26:
0x2ad: {  	s14 =	sshra.s32 s14, $0x2;
	(pc) =	sbr.rel @!p0 .LBB2_41-.Ltmp26, $4  }
0x2ae: {  	s14 =	sand.u32 $0xFFFFFFF0, s14  }
0x2af: {  	s31 =	sadd.s32 $0x11820, s14  }
0x2b0: {  	s14 =	sadd.s32 $0x12820, s14;
	[tilespmem:s31+$0x0] =	vst v8  }
0x2b1: {  	s16 =	sadd.s32 $0xFFFFFFFF, s30;
	s20 =	sadd.s32 $0x10, s31;
	[tilespmem:s14+$0x0] =	vst v9  }
.LBB2_40:
0x2b2: {  	[tilespmem:s20+$0x0] =	vst v8;
	s14 =	sadd.s32 $0x10, s14;
	p0 =	sne.s32 s16, $0x1  }
.Ltmp27:
0x2b3: {  	s16 =	sadd.s32 $0xFFFFFFFF, s16;
	[tilespmem:s14+$0x0] =	vst v9;
	(pc) =	sbr.rel @p0 .LBB2_40-.Ltmp27, $2  }
0x2b4: {  	_ =	sdelay $0x2  }
0x2b5: {  	s20 =	sadd.s32 $0x10, s20  }
.LBB2_41:
0x2b6: {  	p0 =	slt.s32 s10, $0x80  }
.Ltmp28:
0x2b7: {  	_ = 	snop;
	(pc) =	sbr.rel @p0 .LBB2_53-.Ltmp28, $1  }
0x2b8: {  	_ =	sdelay $0x3  }
0x2b9: {  	s31 =	sshll.u32 s0, $0x3  }
0x2ba: {  	s14 =	simm.s32 $0x12810;
	s16 =	smax.u32 s31, $0x1  }
0x2bb: {  	v8 =	vld [tilespmem:s14+$0x0];
	p0 =	sne.s32 s16, $0x1  }
.Ltmp29:
0x2bc: {  	_ = 	snop;
	(pc) =	sbr.rel @!p0 .LBB2_44-.Ltmp29, $4  }
0x2bd: {  	_ = 	snop  }
0x2be: {  	s14 =	simm.s32 $0x0  }
0x2bf: {  	s20 =	sand.u32 $0xFFFFFFF0, s14  }
0x2c0: {  	s16 =	sadd.s32 $0xFFFFFFFF, s16;
	[tilespmem:s20+$0x13810] =	vst v8;
	s20 =	simm.s32 $0x12820  }
.LBB2_43:
0x2c1: {  	v8 =	vld [tilespmem:s20+$0x0];
	p0 =	sne.s32 s16, $0x1;
	s16 =	sadd.s32 $0xFFFFFFFF, s16  }
.Ltmp30:
0x2c2: {  	(pc) =	sbr.rel @p0 .LBB2_43-.Ltmp30, $4  }
0x2c3: {  	_ = 	snop  }
0x2c4: {  	s14 =	sadd.s32 $0x10, s14  }
0x2c5: {  	s22 =	sand.u32 $0xFFFFFFF0, s14  }
0x2c6: {  	s20 =	sadd.s32 $0x10, s20;
	[tilespmem:s22+$0x13810] =	vst v8  }
.LBB2_44:
0x2c7: {  	p0 =	sgt.s32 s0, $0x1;
	s14 =	smov.u32 s0  }
0x2c8: {  	s14 =	simm.s32 @!p0 $0x1  }
0x2c9: {  	s22 =	smin.u32 s14, $0x3  }
0x2ca: {  	p0 =	seq.s32 s22, $0x1  }
.Ltmp31:
0x2cb: {  	_ = 	snop;
	(pc) =	sbr.rel @p0 .LBB2_46-.Ltmp31, $4  }
0x2cc: {  	_ = 	snop  }
0x2cd: {  	s16 =	simm.s32 $0x14810;
	s20 =	simm.s32 $0x11810;
	s14 =	simm.s32 $0x5  }
0x2ce: {  	[tilespmem:s16], [sflag:s14] =	stream.indirect.gather [hbm4b:s7+s28], $0x40, s20, s28, $0xb8;
	[tilespmem:$0x1C810] =	vst v63  }
0x2cf: {  	s22 =	sadd.s32 $0xFFFFFFFF, s22  }
.LBB2_45:
0x2d0: {  	p0 =	seq.s32 s22, $0x1  }
.Ltmp32:
0x2d1: {  	_ = 	snop;
	(pc) =	sbr.rel @!p0 .LBB2_45-.Ltmp32, $4  }
0x2d2: {  	_ = 	snop  }
0x2d3: {  	s14 =	sadd.s32 $0x1, s14;
	s16 =	sadd.s32 $0x2000, s16;
	s20 =	sadd.s32 $0x80, s20  }
0x2d4: {  	s22 =	sadd.s32 $0xFFFFFFFF, s22  }
0x2d5: {  	[tilespmem:s16], [sflag:s14] =	stream.indirect.gather [hbm4b:s7+s28], $0x40, s20, s28, $0xb8;
	[tilespmem:$0x1C810] =	vst v63  }
.LBB2_46:
0x2d6: {  	p0 =	slt.u32 s10, $0x200  }
.Ltmp33:
0x2d7: {  	_ = 	snop;
	(pc) =	sbr.rel @p0 .LBB2_48-.Ltmp33, $4  }
0x2d8: {  	_ =	swait.ge [sflag:s24], $0x2000  }
0x2d9: {  	[sflag:s24] =	ssyncset.done $0x0  }
0x2da: {  	s14 =	simm.s32 $0x13810;
	s16 =	simm.s32 $0x14810;
	[sflag:s24] =	ssyncadd.s32 $0xFFFFE000  }
0x2db: {  	[hbm4b:s3+s28] =	stream.indirect.scatter [tilespmem:s16], [sflag:$0x9], $0x40, s14, s28, $0xb8;
	[tilespmem:$0x1C810] =	vst v63  }
.Ltmp34:
0x2dc: {  	(pc) =	sbr.rel .LBB2_49-.Ltmp34, $3  }
0x2dd: {  	_ =	sdelay $0x1  }
0x2de: {  	s6 =	simm.s32 $0x11990;
	s10 =	simm.s32 $0x1A810  }
0x2df: {  	[tilespmem:s10], [sflag:$0x8] =	stream.indirect.gather [hbm4b:s7+s28], $0x40, s6, s28, $0xb8;
	[tilespmem:$0x1C810] =	vst v63  }
.LBB2_48:
0x2e0: {  	p0 =	slt.s32 s6, $0x81  }
.Ltmp35:
0x2e1: {  	_ = 	snop;
	(pc) =	sbr.rel @p0 .LBB2_52-.Ltmp35, $1  }
0x2e2: {  	_ =	sdelay $0x3  }
.LBB2_49:
0x2e3: {  	s6 =	sadd.s32 $0xFFFFFFFF, s0;
	s20 =	simm.s32 $0x13890;
	s14 =	simm.s32 $0x1  }
0x2e4: {  	s10 =	simm.s32 $0x11A10;
	s26 =	simm.s32 $0x4;
	s22 =	sand.u32 $0x3, s14  }
0x2e5: {  	p1 =	sle.s32 s0, $0x4;
	p0 =	sne.s32 s6, $0x1;
	s23 =	sadd.s32 $0x5, s22  }
0x2e6: {  	s26 =	sand.u32 $0x3, s26;
	s25 =	sshll.u32 s22, $0xD;
	_ =	swait.ge [sflag:s23], $0x2000  }
0x2e7: {  	s22 =	sadd.s32 $0x9, s22;
	s31 =	sadd.s32 $0x9, s26;
	[sflag:s23] =	ssyncset.done $0x0  }
.Ltmp36:
0x2e8: {  	s30 =	sadd.s32 $0x14810, s25;
	[sflag:s23] =	ssyncadd.s32 $0xFFFFE000;
	(pc) =	sbr.rel @!p0 .LBB2_51-.Ltmp36, $4  }
0x2e9: {  	[hbm4b:s3+s28] =	stream.indirect.scatter [tilespmem:s30], [sflag:s22], $0x40, s20, s28, $0xb8;
	[tilespmem:$0x1C810] =	vst v63  }
0x2ea: {  	s16 =	simm.s32 $0x11A90;
	s23 =	sshll.u32 @!p1 s26, $0xD;
	_ =	swait.ge [sflag:s31], $0x2000  }
0x2eb: {  	s20 =	simm.s32 $0x13910;
	s22 =	sadd.s32 @!p1 $0x5, s26;
	[sflag:s31] =	ssyncset.done $0x0  }
0x2ec: {  	s23 =	sadd.s32 @!p1 $0x14810, s23;
	s26 =	simm.s32 @!p1 $0x80;
	[sflag:s31] =	ssyncadd.s32 $0xFFFFE000  }
.LBB2_50:
0x2ed: {  	[tilespmem:s23], [sflag:s22] =	stream.indirect.gather @!p1 [hbm4b:s7+s26], $0x40, s10, s26, $0xb8;
	[tilespmem:$0x1C810] =	vst v63  }
0x2ee: {  	s22 =	smov.u32 s14;
	s14 =	sadd.s32 $0x1, s14;
	s10 =	smov.u32 s16  }
0x2ef: {  	s23 =	sand.u32 $0x3, s14;
	p0 =	sne.s32 s6, s14  }
0x2f0: {  	s25 =	sadd.s32 $0x5, s23;
	s26 =	sshll.u32 s23, $0xD  }
0x2f1: {  	s16 =	sadd.s32 $0x80, s16;
	s22 =	sadd.s32 $0x4, s22;
	_ =	swait.ge [sflag:s25], $0x2000  }
0x2f2: {  	s23 =	sadd.s32 $0x9, s23;
	s29 =	sand.u32 $0x3, s22;
	[sflag:s25] =	ssyncset.done $0x0  }
0x2f3: {  	[sflag:s25] =	ssyncadd.s32 $0xFFFFE000  }
.Ltmp37:
0x2f4: {  	s25 =	sadd.s32 $0x14810, s26;
	s26 =	sadd.s32 $0x9, s29;
	(pc) =	sbr.rel @p0 .LBB2_50-.Ltmp37, $4  }
0x2f5: {  	[hbm4b:s3+s28] =	stream.indirect.scatter [tilespmem:s25], [sflag:s23], $0x40, s20, s28, $0xb8;
	[tilespmem:$0x1C810] =	vst v63  }
0x2f6: {  	p1 =	sge.s32 s22, s0;
	s20 =	sadd.s32 $0x80, s20;
	_ =	swait.ge [sflag:s26], $0x2000  }
0x2f7: {  	s22 =	sadd.s32 @!p1 $0x5, s29;
	s23 =	sshll.u32 @!p1 s29, $0xD;
	[sflag:s26] =	ssyncset.done $0x0  }
0x2f8: {  	s23 =	sadd.s32 @!p1 $0x14810, s23;
	[sflag:s26] =	ssyncadd.s32 $0xFFFFE000;
	s26 =	simm.s32 @!p1 $0x80  }
.Ltmp38:
0x2f9: {  	_ = 	snop;
	(pc) =	sbr.rel .LBB2_51-.Ltmp38, $1  }
0x2fa: {  	_ =	sdelay $0x3  }
.LBB2_54:
0x2fb: {  	_ =	sfence.sel $0x180000  }
0x2fc: {  	[bflag:$0x0] =	sbarrier.arrive $0xFFFF  }
0x2fd: {  	_ =	strace $0x90000047  }
0x2fe: {  	s0 =	stileid.u32;
	[bflag:$0x2] =	sbarrier.arrive $0xFFFF  }
0x2ff: {  	p0 =	sne.s32 s0, $0x0;
	s0 =	rddreg [dreg:$0x5]  }
0x300: {  	s0 =	sadd.s32 @!p0 $0x100000, s0  }
0x301: {  	[sflag:s0] =	ssyncadd.tile.s32 @!p0 $0x1;
	_ =	shalt  }
.Lfunc_end2:
_tile_overlayer_lowered:
.L_overlay_start_2:
0x302: {  	(tag) =	ssettag $0x2  }
0x303: {  	s0 =	rddreg [dreg:$0x0];
	s2 =	stileid.u32  }
0x304: {  	s1 =	rddreg [dreg:$0x1];
	p0 =	sne.s32 s2, $0x0  }
0x305: {  	s3 =	rddreg [dreg:$0x2];
	[bflag:$0x3] =	sbarrier.arrive $0xFFFF;
	s2 =	simm.s32 @!p0 $0x1C0D  }
0x306: {  	[timem:s3], [sflag:s2] =	dma.local @!p0 [hbm:s0], s1  }
0x307: {  	s0 =	simm.s32 @!p0 $0xD  }
0x308: {  	_ =	swait.ge @!p0 [sflag:s0], s1  }
0x309: {  	s1 =	ssub.s32 @!p0 $0x0, s1;
	[sflag:s0] =	ssyncset.done @!p0 $0x0  }
0x30a: {  	[sflag:s0] =	ssyncadd.s32 @!p0 s1  }
0x30b: {  	[bflag:$0x3] =	sbarrier.arrive $0xFFFF  }
0x30c: {  	_ =	shalt  }

</sc_bundles>
